<compile_context>
chip_gen: v7x
topology: tpu7x:2x2x1
jax: 0.10.2.dev20260603
libtpu: 0.0.44.dev20260713+nightly
codegen_flags: <defaults>
</compile_context>

<pallas_src>
import functools

import numpy as np
import jax
import jax.numpy as jnp
from jax import lax
from jax.experimental import pallas as pl
from jax.experimental.pallas import tpu as pltpu
from jax.experimental.pallas import tpu_sc as plsc

H = 256
W = 256
ND = 256
NA = 90
P = H * W
L = 16
NW = 32
PPW = P // NW
NG = 8
CPG = PPW // (NG * L)


def _build_index_maps():
    angles = np.linspace(0.0, np.pi, NA).astype(np.float32)
    idx = np.zeros((NA, P), dtype=np.int32)
    y, x = np.meshgrid(np.arange(H, dtype=np.float32),
                       np.arange(W, dtype=np.float32), indexing='ij')
    xc = x - W / 2.0
    yc = y - H / 2.0
    for ai, a in enumerate(angles):
        angle = float(a)
        ca = np.float32(np.cos(np.float32(angle)))
        sa = np.float32(np.sin(np.float32(angle)))
        rot = xc * ca + yc * sa
        scaled = (rot / (2.0 * np.pi) * ND).astype(np.int64)
        scaled = np.clip(scaled, 0, ND - 1)
        idx[ai] = scaled.reshape(-1).astype(np.int32)
    rows = np.array([int(float(a) / np.pi * (NA - 1)) for a in angles],
                    dtype=np.int32)
    return idx, rows


_IDX, _ROWS = _build_index_maps()
_IDX_PIX = _IDX + (np.arange(NA, dtype=np.int32) * ND)[:, None]
_IDX_PIX = np.ascontiguousarray(
    _IDX_PIX.reshape(NA, NW, NG, CPG, L).transpose(1, 2, 3, 0, 4)
    ).reshape(NW, NG, CPG * NA * L)
_IDX_ANG = np.ascontiguousarray(_IDX.reshape(NA, 4, (P // 4)))

_mesh = plsc.VectorSubcoreMesh(core_axis_name="c", subcore_axis_name="s")
_cparams = pltpu.CompilerParams(needs_layout_passes=False)


@functools.partial(
    pl.kernel, mesh=_mesh, compiler_params=_cparams,
    out_type=jax.ShapeDtypeStruct((NW, PPW), jnp.float32),
    scratch_types=[
        pltpu.VMEM((NA * ND,), jnp.float32),
        pltpu.VMEM((CPG * NA * L,), jnp.int32),
        pltpu.VMEM((PPW,), jnp.float32),
    ],
)
def _pass_gather_b(srows_hbm, idxpix_hbm, b_hbm, table_v, idx_v, out_v):
    wid = lax.axis_index("s") * 2 + lax.axis_index("c")
    pltpu.sync_copy(srows_hbm, table_v)
    for g in range(NG):
        pltpu.sync_copy(idxpix_hbm.at[wid, g], idx_v)

        def chunk_body(c, _, g=g):
            def ang_body(a, acc):
                iv = idx_v[pl.ds((c * NA + a) * L, L)]
                return acc + plsc.load_gather(table_v, [iv])
            acc = lax.fori_loop(0, NA, ang_body, jnp.zeros((L,), jnp.float32))
            out_v[pl.ds((g * CPG + c) * L, L)] = acc * (1.0 / NA)
            return 0

        lax.fori_loop(0, CPG, chunk_body, 0)
    pltpu.sync_copy(out_v, b_hbm.at[wid])


@functools.partial(
    pl.kernel, mesh=_mesh, compiler_params=_cparams,
    out_type=jax.ShapeDtypeStruct((NA, ND), jnp.float32),
    scratch_types=[
        pltpu.VMEM((P,), jnp.float32),
        pltpu.VMEM((P // 4,), jnp.int32),
        pltpu.VMEM((L * ND,), jnp.float32),
        pltpu.VMEM((ND,), jnp.float32),
    ],
)
def _pass_hist(b_hbm, idxang_hbm, f_hbm, b_v, idx_v, flane_v, f_v):
    wid = lax.axis_index("s") * 2 + lax.axis_index("c")
    pltpu.sync_copy(b_hbm, b_v)
    lane_off = lax.iota(jnp.int32, L) * ND
    for k in range(3):
        a = wid + k * NW

        @pl.when(a < NA)
        def _():
            def zbody(j, _):
                flane_v[pl.ds(j * L, L)] = jnp.zeros((L,), jnp.float32)
                return 0
            lax.fori_loop(0, (L * ND) // L, zbody, 0)
            for half in range(4):
                pltpu.sync_copy(idxang_hbm.at[a, half], idx_v)

                def sbody(j, _, half=half):
                    iv = idx_v[pl.ds(j * L, L)] + lane_off
                    bv = b_v[pl.ds((half * 1024 + j) * L, L)]
                    plsc.addupdate_scatter(flane_v, [iv], bv)
                    return 0

                lax.fori_loop(0, 1024, sbody, 0)

            def rbody(j, _):
                acc = flane_v[pl.ds(j * L, L)]
                for lane in range(1, L):
                    acc = acc + flane_v[pl.ds(lane * ND + j * L, L)]
                f_v[pl.ds(j * L, L)] = acc
                return 0

            lax.fori_loop(0, ND // L, rbody, 0)
            pltpu.sync_copy(f_v, f_hbm.at[a])


@functools.partial(
    pl.kernel, mesh=_mesh, compiler_params=_cparams,
    out_type=jax.ShapeDtypeStruct((NW, PPW), jnp.float32),
    scratch_types=[
        pltpu.VMEM((NA * ND,), jnp.float32),
        pltpu.VMEM((CPG * NA * L,), jnp.int32),
        pltpu.VMEM((PPW,), jnp.float32),
        pltpu.VMEM((PPW,), jnp.float32),
    ],
)
def _pass_backproj(f_hbm, b_hbm, idxpix_hbm, x2_hbm,
                   table_v, idx_v, bloc_v, out_v):
    wid = lax.axis_index("s") * 2 + lax.axis_index("c")
    pltpu.sync_copy(f_hbm, table_v)
    pltpu.sync_copy(b_hbm.at[wid], bloc_v)
    for g in range(NG):
        pltpu.sync_copy(idxpix_hbm.at[wid, g], idx_v)

        def chunk_body(c, _, g=g):
            def ang_body(a, acc):
                iv = idx_v[pl.ds((c * NA + a) * L, L)]
                return acc + plsc.load_gather(table_v, [iv])
            acc = lax.fori_loop(0, NA, ang_body, jnp.zeros((L,), jnp.float32))
            base = (g * CPG + c) * L
            out_v[pl.ds(base, L)] = (bloc_v[pl.ds(base, L)] * 2.0
                                     - acc * (1.0 / NA))
            return 0

        lax.fori_loop(0, CPG, chunk_body, 0)
    pltpu.sync_copy(out_v, x2_hbm.at[wid])


def kernel(sinograms):
    srows = sinograms[0][jnp.asarray(_ROWS)].reshape(NA * ND)
    idxpix = jnp.asarray(_IDX_PIX)
    idxang = jnp.asarray(_IDX_ANG)
    b = _pass_gather_b(srows, idxpix)
    f = _pass_hist(b.reshape(P), idxang)
    x2 = _pass_backproj(f.reshape(NA * ND), b, idxpix)
    img = x2.reshape(1, H, W)
    return jnp.minimum(jnp.maximum(img, 0.0), jnp.max(img))

# --- scband reference (transcript-rebuilt; emitter-appended) ---
"""Pipeline reference for scband-sirt-56573309223835 (READ-ONLY COPY).

The authoritative reference and input builder live on the scoring server;
editing this copy changes nothing except your own understanding.
"""

import jax, jax.numpy as jnp
import numpy as np

IMAGE_SIZE = (256, 256)
NUM_ANGLES = 90
NUM_ITERATIONS = 2
BATCH = 1


def _index_map(angle, h, w, nd):
    # Replicates torch meshgrid + rotation + truncating cast + clamp, precomputed per angle.
    y, x = np.meshgrid(np.arange(h, dtype=np.float32), np.arange(w, dtype=np.float32), indexing='ij')
    xc = x - w / 2.0
    yc = y - h / 2.0
    ca = np.float32(np.cos(np.float32(angle)))
    sa = np.float32(np.sin(np.float32(angle)))
    rot = xc * ca + yc * sa
    scaled = (rot / (2.0 * np.pi) * nd).astype(np.int64)  # trunc toward zero, same as torch .long()
    scaled = np.clip(scaled, 0, nd - 1)
    return jnp.asarray(scaled.reshape(-1))


def _forward_project_all(image, idx_flat, nd):
    # projections[b, j] = sum over pixels where bin==j  -> histogram / segment_sum
    return jax.vmap(lambda im: jax.ops.segment_sum(im.reshape(-1), idx_flat, num_segments=nd))(image)


def setup_inputs(seed: int = 0):
    key = jax.random.key(seed)
    nd = max(IMAGE_SIZE)
    sinograms = jax.random.uniform(key, (BATCH, NUM_ANGLES, nd), dtype=jnp.float32)
    return {"sinograms": sinograms}


def reference(sinograms):
    h, w = IMAGE_SIZE
    nd = max(h, w)
    B = sinograms.shape[0]
    angles = np.linspace(0.0, np.pi, NUM_ANGLES).astype(np.float32)
    idx_maps = [_index_map(float(a), h, w, nd) for a in angles]
    rows = [int(float(a) / np.pi * (NUM_ANGLES - 1)) for a in angles]
    image = jnp.zeros((B, h, w), dtype=jnp.float32)
    for _ in range(NUM_ITERATIONS):
        corrections = jnp.zeros_like(image)
        for ai in range(NUM_ANGLES):
            idx = idx_maps[ai]
            fwd = _forward_project_all(image, idx, nd)
            residual = sinograms[:, rows[ai], :] - fwd
            # back projection: gather residual per pixel bin
            correction = residual[:, idx].reshape(B, h, w)
            corrections = corrections + correction
        corrections = corrections / NUM_ANGLES
        image = image + corrections
    return jnp.clip(image, 0.0, image.max())

if __name__ == "__main__":
    import jax
    _d = setup_inputs()
    print(jax.jit(kernel)(*tuple(_d.values())))

</pallas_src>

<mosaic_0001>
#map = affine_map<(d0, d1) -> (0)>
#map1 = affine_map<(d0, d1) -> (0, 0, 0)>
#map2 = affine_map<(d0, d1) -> (0, 0)>
module attributes {stable_mosaic.version = 14 : i64} {
  func.func @_pass_hist(%arg0: i32, %arg1: i32, %arg2: memref<65536xf32, #tpu.memory_space<hbm>>, %arg3: memref<90x4x16384xi32, #tpu.memory_space<hbm>>, %arg4: memref<90x256xf32, #tpu.memory_space<hbm>>, %arg5: memref<65536xf32, #tpu.memory_space<vmem>>, %arg6: memref<16384xi32, #tpu.memory_space<vmem>>, %arg7: memref<4096xf32, #tpu.memory_space<vmem>>, %arg8: memref<256xf32, #tpu.memory_space<vmem>>) attributes {dimension_semantics = [#tpu.dimension_semantics<core_parallel>, #tpu.dimension_semantics<subcore_parallel>], iteration_bounds = array<i64: 2, 16>, scalar_prefetch = 0 : i64, scratch_operands = 4 : i64, tpu.core_type = #tpu.core_type<sc_vector_subcore>, window_params = [{transform_indices = #map}, {transform_indices = #map1}, {transform_indices = #map2}]} {
    %mul3A = arith.constant 2 : i32
    %mul3A_0 = arith.muli %arg1, %mul3A : i32
    %add3A = arith.addi %mul3A_0, %arg0 : i32
    "tpu.region"() ({
      %run_scoped3A = tpu.sem_alloc : memref<!tpu.dma_semaphore, #tpu.memory_space<semaphore_mem>>
      tpu.enqueue_dma source(%arg2 : memref<65536xf32, #tpu.memory_space<hbm>>) target(%arg5 : memref<65536xf32, #tpu.memory_space<vmem>>) target_semaphore(%run_scoped3A : memref<!tpu.dma_semaphore, #tpu.memory_space<semaphore_mem>>)
      tpu.wait_dma2 semaphore(%run_scoped3A : memref<!tpu.dma_semaphore, #tpu.memory_space<semaphore_mem>>) src(%arg2 : memref<65536xf32, #tpu.memory_space<hbm>>) dst(%arg5 : memref<65536xf32, #tpu.memory_space<vmem>>)
      tpu.yield
    }) : () -> ()
    %iota3A = tpu.iota {dimensions = array<i32: 0>} : vector<16xi32>
    %mul3A_1 = arith.constant 256 : i32
    %mul3A_2 = vector.broadcast %mul3A_1 : i32 to vector<16xi32>
    %mul3A_3 = arith.muli %iota3A, %mul3A_2 : vector<16xi32>
    %add3A_4 = arith.constant 0 : i32
    %add3A_5 = arith.addi %add3A, %add3A_4 : i32
    %lt3A = arith.constant 90 : i32
    %lt3A_6 = arith.cmpi slt, %add3A_5, %lt3A : i32
    %convert_element_type3A = arith.extui %lt3A_6 : i1 to i32
    %cond3A = arith.constant 0 : i32
    %cond3A_7 = arith.cmpi ne, %convert_element_type3A, %cond3A : i32
    scf.if %cond3A_7 {
      %scan3A = arith.constant 0 : i32
      %scan3A_22 = arith.constant 0 : i32
      %scan3A_23 = arith.constant 256 : i32
      %scan3A_24 = arith.addi %scan3A_22, %scan3A_23 : i32
      %scan3A_25 = arith.constant 1 : i32
      %scan3A_26 = scf.for %scan3A_66 = %scan3A_22 to %scan3A_24 step %scan3A_25 iter_args(%scan3A_67 = %scan3A) -> (i32)  : i32 {
        %broadcast_in_dim3A = arith.constant 0.000000e+00 : f32
        %broadcast_in_dim3A_68 = vector.broadcast %broadcast_in_dim3A : f32 to vector<16xf32>
        %mul3A_69 = arith.constant 16 : i32
        %mul3A_70 = arith.muli %scan3A_66, %mul3A_69 : i32
        %swap3A = arith.index_cast %mul3A_70 : i32 to index
        %swap3A_71 = tpu.vector_load %arg7[%swap3A] {strides = array<i32>} : memref<4096xf32, #tpu.memory_space<vmem>>, vector<16xf32>,
        tpu.vector_store %arg7[%swap3A], %broadcast_in_dim3A_68 {strides = array<i32>} : memref<4096xf32, #tpu.memory_space<vmem>>, vector<16xf32>,
        %scan3A_72 = arith.constant 0 : i32
        scf.yield %scan3A_72 : i32
      }
      %scan3A_27 = arith.constant 256 : i32
      %run_scoped3A = arith.constant 0 : i32
      "tpu.region"() ({
        %run_scoped3A_66 = tpu.sem_alloc : memref<!tpu.dma_semaphore, #tpu.memory_space<semaphore_mem>>
        %dma_start3A = arith.constant 0 : i32
        %dma_start3A_67 = tpu.memref_slice %arg3[%add3A_5, %run_scoped3A, %dma_start3A] : memref<90x4x16384xi32, #tpu.memory_space<hbm>> -> memref<1x1x16384xi32, #tpu.memory_space<hbm>>
        %dma_start3A_68 = tpu.memref_squeeze %dma_start3A_67 : memref<1x1x16384xi32, #tpu.memory_space<hbm>> -> memref<16384xi32, #tpu.memory_space<hbm>>
        %dma_start3A_69 = arith.constant 0 : i32
        %dma_start3A_70 = tpu.memref_slice %arg3[%add3A_5, %run_scoped3A, %dma_start3A_69] : memref<90x4x16384xi32, #tpu.memory_space<hbm>> -> memref<1x1x16384xi32, #tpu.memory_space<hbm>>
        %dma_start3A_71 = tpu.memref_squeeze %dma_start3A_70 : memref<1x1x16384xi32, #tpu.memory_space<hbm>> -> memref<16384xi32, #tpu.memory_space<hbm>>
        tpu.enqueue_dma source(%dma_start3A_71 : memref<16384xi32, #tpu.memory_space<hbm>>) target(%arg6 : memref<16384xi32, #tpu.memory_space<vmem>>) target_semaphore(%run_scoped3A_66 : memref<!tpu.dma_semaphore, #tpu.memory_space<semaphore_mem>>)
        %dma_wait3A = arith.constant 0 : i32
        %dma_wait3A_72 = tpu.memref_slice %arg3[%add3A_5, %run_scoped3A, %dma_wait3A] : memref<90x4x16384xi32, #tpu.memory_space<hbm>> -> memref<1x1x16384xi32, #tpu.memory_space<hbm>>
        %dma_wait3A_73 = tpu.memref_squeeze %dma_wait3A_72 : memref<1x1x16384xi32, #tpu.memory_space<hbm>> -> memref<16384xi32, #tpu.memory_space<hbm>>
        %dma_wait3A_74 = arith.constant 0 : i32
        %dma_wait3A_75 = tpu.memref_slice %arg3[%add3A_5, %run_scoped3A, %dma_wait3A_74] : memref<90x4x16384xi32, #tpu.memory_space<hbm>> -> memref<1x1x16384xi32, #tpu.memory_space<hbm>>
        %dma_wait3A_76 = tpu.memref_squeeze %dma_wait3A_75 : memref<1x1x16384xi32, #tpu.memory_space<hbm>> -> memref<16384xi32, #tpu.memory_space<hbm>>
        tpu.wait_dma2 semaphore(%run_scoped3A_66 : memref<!tpu.dma_semaphore, #tpu.memory_space<semaphore_mem>>) src(%dma_wait3A_76 : memref<16384xi32, #tpu.memory_space<hbm>>) dst(%arg6 : memref<16384xi32, #tpu.memory_space<vmem>>)
        tpu.yield
      }) : () -> ()
      %scan3A_28 = arith.constant 0 : i32
      %scan3A_29 = arith.constant 0 : i32
      %scan3A_30 = arith.constant 1024 : i32
      %scan3A_31 = arith.addi %scan3A_29, %scan3A_30 : i32
      %scan3A_32 = arith.constant 1 : i32
      %scan3A_33 = scf.for %scan3A_66 = %scan3A_29 to %scan3A_31 step %scan3A_32 iter_args(%scan3A_67 = %scan3A_28) -> (i32)  : i32 {
        %mul3A_68 = arith.constant 16 : i32
        %mul3A_69 = arith.muli %scan3A_66, %mul3A_68 : i32
        %get3A = arith.index_cast %mul3A_69 : i32 to index
        %get3A_70 = tpu.vector_load %arg6[%get3A] {strides = array<i32>} : memref<16384xi32, #tpu.memory_space<vmem>>, vector<16xi32>,
        %add3A_71 = arith.addi %get3A_70, %mul3A_3 : vector<16xi32>
        %add3A_72 = arith.constant 0 : i32
        %add3A_73 = arith.addi %add3A_72, %scan3A_66 : i32
        %mul3A_74 = arith.constant 16 : i32
        %mul3A_75 = arith.muli %add3A_73, %mul3A_74 : i32
        %get3A_76 = arith.index_cast %mul3A_75 : i32 to index
        %get3A_77 = tpu.vector_load %arg5[%get3A_76] {strides = array<i32>} : memref<65536xf32, #tpu.memory_space<vmem>>, vector<16xf32>,
        tpu.vector_store_idx %arg7[%add3A_71], %get3A_77 {add = true} : memref<4096xf32, #tpu.memory_space<vmem>>[vector<16xi32>], vector<16xf32>,
        %scan3A_78 = arith.constant 0 : i32
        scf.yield %scan3A_78 : i32
      }
      %scan3A_34 = arith.constant 1024 : i32
      %run_scoped3A_35 = arith.constant 1 : i32
      "tpu.region"() ({
        %run_scoped3A_66 = tpu.sem_alloc : memref<!tpu.dma_semaphore, #tpu.memory_space<semaphore_mem>>
        %dma_start3A = arith.constant 0 : i32
        %dma_start3A_67 = tpu.memref_slice %arg3[%add3A_5, %run_scoped3A_35, %dma_start3A] : memref<90x4x16384xi32, #tpu.memory_space<hbm>> -> memref<1x1x16384xi32, #tpu.memory_space<hbm>>
        %dma_start3A_68 = tpu.memref_squeeze %dma_start3A_67 : memref<1x1x16384xi32, #tpu.memory_space<hbm>> -> memref<16384xi32, #tpu.memory_space<hbm>>
        %dma_start3A_69 = arith.constant 0 : i32
        %dma_start3A_70 = tpu.memref_slice %arg3[%add3A_5, %run_scoped3A_35, %dma_start3A_69] : memref<90x4x16384xi32, #tpu.memory_space<hbm>> -> memref<1x1x16384xi32, #tpu.memory_space<hbm>>
        %dma_start3A_71 = tpu.memref_squeeze %dma_start3A_70 : memref<1x1x16384xi32, #tpu.memory_space<hbm>> -> memref<16384xi32, #tpu.memory_space<hbm>>
        tpu.enqueue_dma source(%dma_start3A_71 : memref<16384xi32, #tpu.memory_space<hbm>>) target(%arg6 : memref<16384xi32, #tpu.memory_space<vmem>>) target_semaphore(%run_scoped3A_66 : memref<!tpu.dma_semaphore, #tpu.memory_space<semaphore_mem>>)
        %dma_wait3A = arith.constant 0 : i32
        %dma_wait3A_72 = tpu.memref_slice %arg3[%add3A_5, %run_scoped3A_35, %dma_wait3A] : memref<90x4x16384xi32, #tpu.memory_space<hbm>> -> memref<1x1x16384xi32, #tpu.memory_space<hbm>>
        %dma_wait3A_73 = tpu.memref_squeeze %dma_wait3A_72 : memref<1x1x16384xi32, #tpu.memory_space<hbm>> -> memref<16384xi32, #tpu.memory_space<hbm>>
        %dma_wait3A_74 = arith.constant 0 : i32
        %dma_wait3A_75 = tpu.memref_slice %arg3[%add3A_5, %run_scoped3A_35, %dma_wait3A_74] : memref<90x4x16384xi32, #tpu.memory_space<hbm>> -> memref<1x1x16384xi32, #tpu.memory_space<hbm>>
        %dma_wait3A_76 = tpu.memref_squeeze %dma_wait3A_75 : memref<1x1x16384xi32, #tpu.memory_space<hbm>> -> memref<16384xi32, #tpu.memory_space<hbm>>
        tpu.wait_dma2 semaphore(%run_scoped3A_66 : memref<!tpu.dma_semaphore, #tpu.memory_space<semaphore_mem>>) src(%dma_wait3A_76 : memref<16384xi32, #tpu.memory_space<hbm>>) dst(%arg6 : memref<16384xi32, #tpu.memory_space<vmem>>)
        tpu.yield
      }) : () -> ()
      %scan3A_36 = arith.constant 0 : i32
      %scan3A_37 = arith.constant 0 : i32
      %scan3A_38 = arith.constant 1024 : i32
      %scan3A_39 = arith.addi %scan3A_37, %scan3A_38 : i32
      %scan3A_40 = arith.constant 1 : i32
      %scan3A_41 = scf.for %scan3A_66 = %scan3A_37 to %scan3A_39 step %scan3A_40 iter_args(%scan3A_67 = %scan3A_36) -> (i32)  : i32 {
        %mul3A_68 = arith.constant 16 : i32
        %mul3A_69 = arith.muli %scan3A_66, %mul3A_68 : i32
        %get3A = arith.index_cast %mul3A_69 : i32 to index
        %get3A_70 = tpu.vector_load %arg6[%get3A] {strides = array<i32>} : memref<16384xi32, #tpu.memory_space<vmem>>, vector<16xi32>,
        %add3A_71 = arith.addi %get3A_70, %mul3A_3 : vector<16xi32>
        %add3A_72 = arith.constant 1024 : i32
        %add3A_73 = arith.addi %add3A_72, %scan3A_66 : i32
        %mul3A_74 = arith.constant 16 : i32
        %mul3A_75 = arith.muli %add3A_73, %mul3A_74 : i32
        %get3A_76 = arith.index_cast %mul3A_75 : i32 to index
        %get3A_77 = tpu.vector_load %arg5[%get3A_76] {strides = array<i32>} : memref<65536xf32, #tpu.memory_space<vmem>>, vector<16xf32>,
        tpu.vector_store_idx %arg7[%add3A_71], %get3A_77 {add = true} : memref<4096xf32, #tpu.memory_space<vmem>>[vector<16xi32>], vector<16xf32>,
        %scan3A_78 = arith.constant 0 : i32
        scf.yield %scan3A_78 : i32
      }
      %scan3A_42 = arith.constant 1024 : i32
      %run_scoped3A_43 = arith.constant 2 : i32
      "tpu.region"() ({
        %run_scoped3A_66 = tpu.sem_alloc : memref<!tpu.dma_semaphore, #tpu.memory_space<semaphore_mem>>
        %dma_start3A = arith.constant 0 : i32
        %dma_start3A_67 = tpu.memref_slice %arg3[%add3A_5, %run_scoped3A_43, %dma_start3A] : memref<90x4x16384xi32, #tpu.memory_space<hbm>> -> memref<1x1x16384xi32, #tpu.memory_space<hbm>>
        %dma_start3A_68 = tpu.memref_squeeze %dma_start3A_67 : memref<1x1x16384xi32, #tpu.memory_space<hbm>> -> memref<16384xi32, #tpu.memory_space<hbm>>
        %dma_start3A_69 = arith.constant 0 : i32
        %dma_start3A_70 = tpu.memref_slice %arg3[%add3A_5, %run_scoped3A_43, %dma_start3A_69] : memref<90x4x16384xi32, #tpu.memory_space<hbm>> -> memref<1x1x16384xi32, #tpu.memory_space<hbm>>
        %dma_start3A_71 = tpu.memref_squeeze %dma_start3A_70 : memref<1x1x16384xi32, #tpu.memory_space<hbm>> -> memref<16384xi32, #tpu.memory_space<hbm>>
        tpu.enqueue_dma source(%dma_start3A_71 : memref<16384xi32, #tpu.memory_space<hbm>>) target(%arg6 : memref<16384xi32, #tpu.memory_space<vmem>>) target_semaphore(%run_scoped3A_66 : memref<!tpu.dma_semaphore, #tpu.memory_space<semaphore_mem>>)
        %dma_wait3A = arith.constant 0 : i32
        %dma_wait3A_72 = tpu.memref_slice %arg3[%add3A_5, %run_scoped3A_43, %dma_wait3A] : memref<90x4x16384xi32, #tpu.memory_space<hbm>> -> memref<1x1x16384xi32, #tpu.memory_space<hbm>>
        %dma_wait3A_73 = tpu.memref_squeeze %dma_wait3A_72 : memref<1x1x16384xi32, #tpu.memory_space<hbm>> -> memref<16384xi32, #tpu.memory_space<hbm>>
        %dma_wait3A_74 = arith.constant 0 : i32
        %dma_wait3A_75 = tpu.memref_slice %arg3[%add3A_5, %run_scoped3A_43, %dma_wait3A_74] : memref<90x4x16384xi32, #tpu.memory_space<hbm>> -> memref<1x1x16384xi32, #tpu.memory_space<hbm>>
        %dma_wait3A_76 = tpu.memref_squeeze %dma_wait3A_75 : memref<1x1x16384xi32, #tpu.memory_space<hbm>> -> memref<16384xi32, #tpu.memory_space<hbm>>
        tpu.wait_dma2 semaphore(%run_scoped3A_66 : memref<!tpu.dma_semaphore, #tpu.memory_space<semaphore_mem>>) src(%dma_wait3A_76 : memref<16384xi32, #tpu.memory_space<hbm>>) dst(%arg6 : memref<16384xi32, #tpu.memory_space<vmem>>)
        tpu.yield
      }) : () -> ()
      %scan3A_44 = arith.constant 0 : i32
      %scan3A_45 = arith.constant 0 : i32
      %scan3A_46 = arith.constant 1024 : i32
      %scan3A_47 = arith.addi %scan3A_45, %scan3A_46 : i32
      %scan3A_48 = arith.constant 1 : i32
      %scan3A_49 = scf.for %scan3A_66 = %scan3A_45 to %scan3A_47 step %scan3A_48 iter_args(%scan3A_67 = %scan3A_44) -> (i32)  : i32 {
        %mul3A_68 = arith.constant 16 : i32
        %mul3A_69 = arith.muli %scan3A_66, %mul3A_68 : i32
        %get3A = arith.index_cast %mul3A_69 : i32 to index
        %get3A_70 = tpu.vector_load %arg6[%get3A] {strides = array<i32>} : memref<16384xi32, #tpu.memory_space<vmem>>, vector<16xi32>,
        %add3A_71 = arith.addi %get3A_70, %mul3A_3 : vector<16xi32>
        %add3A_72 = arith.constant 2048 : i32
        %add3A_73 = arith.addi %add3A_72, %scan3A_66 : i32
        %mul3A_74 = arith.constant 16 : i32
        %mul3A_75 = arith.muli %add3A_73, %mul3A_74 : i32
        %get3A_76 = arith.index_cast %mul3A_75 : i32 to index
        %get3A_77 = tpu.vector_load %arg5[%get3A_76] {strides = array<i32>} : memref<65536xf32, #tpu.memory_space<vmem>>, vector<16xf32>,
        tpu.vector_store_idx %arg7[%add3A_71], %get3A_77 {add = true} : memref<4096xf32, #tpu.memory_space<vmem>>[vector<16xi32>], vector<16xf32>,
        %scan3A_78 = arith.constant 0 : i32
        scf.yield %scan3A_78 : i32
      }
      %scan3A_50 = arith.constant 1024 : i32
      %run_scoped3A_51 = arith.constant 3 : i32
      "tpu.region"() ({
        %run_scoped3A_66 = tpu.sem_alloc : memref<!tpu.dma_semaphore, #tpu.memory_space<semaphore_mem>>
        %dma_start3A = arith.constant 0 : i32
        %dma_start3A_67 = tpu.memref_slice %arg3[%add3A_5, %run_scoped3A_51, %dma_start3A] : memref<90x4x16384xi32, #tpu.memory_space<hbm>> -> memref<1x1x16384xi32, #tpu.memory_space<hbm>>
        %dma_start3A_68 = tpu.memref_squeeze %dma_start3A_67 : memref<1x1x16384xi32, #tpu.memory_space<hbm>> -> memref<16384xi32, #tpu.memory_space<hbm>>
        %dma_start3A_69 = arith.constant 0 : i32
        %dma_start3A_70 = tpu.memref_slice %arg3[%add3A_5, %run_scoped3A_51, %dma_start3A_69] : memref<90x4x16384xi32, #tpu.memory_space<hbm>> -> memref<1x1x16384xi32, #tpu.memory_space<hbm>>
        %dma_start3A_71 = tpu.memref_squeeze %dma_start3A_70 : memref<1x1x16384xi32, #tpu.memory_space<hbm>> -> memref<16384xi32, #tpu.memory_space<hbm>>
        tpu.enqueue_dma source(%dma_start3A_71 : memref<16384xi32, #tpu.memory_space<hbm>>) target(%arg6 : memref<16384xi32, #tpu.memory_space<vmem>>) target_semaphore(%run_scoped3A_66 : memref<!tpu.dma_semaphore, #tpu.memory_space<semaphore_mem>>)
        %dma_wait3A = arith.constant 0 : i32
        %dma_wait3A_72 = tpu.memref_slice %arg3[%add3A_5, %run_scoped3A_51, %dma_wait3A] : memref<90x4x16384xi32, #tpu.memory_space<hbm>> -> memref<1x1x16384xi32, #tpu.memory_space<hbm>>
        %dma_wait3A_73 = tpu.memref_squeeze %dma_wait3A_72 : memref<1x1x16384xi32, #tpu.memory_space<hbm>> -> memref<16384xi32, #tpu.memory_space<hbm>>
        %dma_wait3A_74 = arith.constant 0 : i32
        %dma_wait3A_75 = tpu.memref_slice %arg3[%add3A_5, %run_scoped3A_51, %dma_wait3A_74] : memref<90x4x16384xi32, #tpu.memory_space<hbm>> -> memref<1x1x16384xi32, #tpu.memory_space<hbm>>
        %dma_wait3A_76 = tpu.memref_squeeze %dma_wait3A_75 : memref<1x1x16384xi32, #tpu.memory_space<hbm>> -> memref<16384xi32, #tpu.memory_space<hbm>>
        tpu.wait_dma2 semaphore(%run_scoped3A_66 : memref<!tpu.dma_semaphore, #tpu.memory_space<semaphore_mem>>) src(%dma_wait3A_76 : memref<16384xi32, #tpu.memory_space<hbm>>) dst(%arg6 : memref<16384xi32, #tpu.memory_space<vmem>>)
        tpu.yield
      }) : () -> ()
      %scan3A_52 = arith.constant 0 : i32
      %scan3A_53 = arith.constant 0 : i32
      %scan3A_54 = arith.constant 1024 : i32
      %scan3A_55 = arith.addi %scan3A_53, %scan3A_54 : i32
      %scan3A_56 = arith.constant 1 : i32
      %scan3A_57 = scf.for %scan3A_66 = %scan3A_53 to %scan3A_55 step %scan3A_56 iter_args(%scan3A_67 = %scan3A_52) -> (i32)  : i32 {
        %mul3A_68 = arith.constant 16 : i32
        %mul3A_69 = arith.muli %scan3A_66, %mul3A_68 : i32
        %get3A = arith.index_cast %mul3A_69 : i32 to index
        %get3A_70 = tpu.vector_load %arg6[%get3A] {strides = array<i32>} : memref<16384xi32, #tpu.memory_space<vmem>>, vector<16xi32>,
        %add3A_71 = arith.addi %get3A_70, %mul3A_3 : vector<16xi32>
        %add3A_72 = arith.constant 3072 : i32
        %add3A_73 = arith.addi %add3A_72, %scan3A_66 : i32
        %mul3A_74 = arith.constant 16 : i32
        %mul3A_75 = arith.muli %add3A_73, %mul3A_74 : i32
        %get3A_76 = arith.index_cast %mul3A_75 : i32 to index
        %get3A_77 = tpu.vector_load %arg5[%get3A_76] {strides = array<i32>} : memref<65536xf32, #tpu.memory_space<vmem>>, vector<16xf32>,
        tpu.vector_store_idx %arg7[%add3A_71], %get3A_77 {add = true} : memref<4096xf32, #tpu.memory_space<vmem>>[vector<16xi32>], vector<16xf32>,
        %scan3A_78 = arith.constant 0 : i32
        scf.yield %scan3A_78 : i32
      }
      %scan3A_58 = arith.constant 1024 : i32
      %scan3A_59 = arith.constant 0 : i32
      %scan3A_60 = arith.constant 0 : i32
      %scan3A_61 = arith.constant 16 : i32
      %scan3A_62 = arith.addi %scan3A_60, %scan3A_61 : i32
      %scan3A_63 = arith.constant 1 : i32
      %scan3A_64 = scf.for %scan3A_66 = %scan3A_60 to %scan3A_62 step %scan3A_63 iter_args(%scan3A_67 = %scan3A_59) -> (i32)  : i32 {
        %mul3A_68 = arith.constant 16 : i32
        %mul3A_69 = arith.muli %scan3A_66, %mul3A_68 : i32
        %get3A = arith.index_cast %mul3A_69 : i32 to index
        %get3A_70 = tpu.vector_load %arg7[%get3A] {strides = array<i32>} : memref<4096xf32, #tpu.memory_space<vmem>>, vector<16xf32>,
        %mul3A_71 = arith.constant 16 : i32
        %mul3A_72 = arith.muli %scan3A_66, %mul3A_71 : i32
        %add3A_73 = arith.constant 256 : i32
        %add3A_74 = arith.addi %add3A_73, %mul3A_72 : i32
        %get3A_75 = arith.index_cast %add3A_74 : i32 to index
        %get3A_76 = tpu.vector_load %arg7[%get3A_75] {strides = array<i32>} : memref<4096xf32, #tpu.memory_space<vmem>>, vector<16xf32>,
        %add3A_77 = arith.addf %get3A_70, %get3A_76 : vector<16xf32>
        %mul3A_78 = arith.constant 16 : i32
        %mul3A_79 = arith.muli %scan3A_66, %mul3A_78 : i32
        %add3A_80 = arith.constant 512 : i32
        %add3A_81 = arith.addi %add3A_80, %mul3A_79 : i32
        %get3A_82 = arith.index_cast %add3A_81 : i32 to index
        %get3A_83 = tpu.vector_load %arg7[%get3A_82] {strides = array<i32>} : memref<4096xf32, #tpu.memory_space<vmem>>, vector<16xf32>,
        %add3A_84 = arith.addf %add3A_77, %get3A_83 : vector<16xf32>
        %mul3A_85 = arith.constant 16 : i32
        %mul3A_86 = arith.muli %scan3A_66, %mul3A_85 : i32
        %add3A_87 = arith.constant 768 : i32
        %add3A_88 = arith.addi %add3A_87, %mul3A_86 : i32
        %get3A_89 = arith.index_cast %add3A_88 : i32 to index
        %get3A_90 = tpu.vector_load %arg7[%get3A_89] {strides = array<i32>} : memref<4096xf32, #tpu.memory_space<vmem>>, vector<16xf32>,
        %add3A_91 = arith.addf %add3A_84, %get3A_90 : vector<16xf32>
        %mul3A_92 = arith.constant 16 : i32
        %mul3A_93 = arith.muli %scan3A_66, %mul3A_92 : i32
        %add3A_94 = arith.constant 1024 : i32
        %add3A_95 = arith.addi %add3A_94, %mul3A_93 : i32
        %get3A_96 = arith.index_cast %add3A_95 : i32 to index
        %get3A_97 = tpu.vector_load %arg7[%get3A_96] {strides = array<i32>} : memref<4096xf32, #tpu.memory_space<vmem>>, vector<16xf32>,
        %add3A_98 = arith.addf %add3A_91, %get3A_97 : vector<16xf32>
        %mul3A_99 = arith.constant 16 : i32
        %mul3A_100 = arith.muli %scan3A_66, %mul3A_99 : i32
        %add3A_101 = arith.constant 1280 : i32
        %add3A_102 = arith.addi %add3A_101, %mul3A_100 : i32
        %get3A_103 = arith.index_cast %add3A_102 : i32 to index
        %get3A_104 = tpu.vector_load %arg7[%get3A_103] {strides = array<i32>} : memref<4096xf32, #tpu.memory_space<vmem>>, vector<16xf32>,
        %add3A_105 = arith.addf %add3A_98, %get3A_104 : vector<16xf32>
        %mul3A_106 = arith.constant 16 : i32
        %mul3A_107 = arith.muli %scan3A_66, %mul3A_106 : i32
        %add3A_108 = arith.constant 1536 : i32
        %add3A_109 = arith.addi %add3A_108, %mul3A_107 : i32
        %get3A_110 = arith.index_cast %add3A_109 : i32 to index
        %get3A_111 = tpu.vector_load %arg7[%get3A_110] {strides = array<i32>} : memref<4096xf32, #tpu.memory_space<vmem>>, vector<16xf32>,
        %add3A_112 = arith.addf %add3A_105, %get3A_111 : vector<16xf32>
        %mul3A_113 = arith.constant 16 : i32
        %mul3A_114 = arith.muli %scan3A_66, %mul3A_113 : i32
        %add3A_115 = arith.constant 1792 : i32
        %add3A_116 = arith.addi %add3A_115, %mul3A_114 : i32
        %get3A_117 = arith.index_cast %add3A_116 : i32 to index
        %get3A_118 = tpu.vector_load %arg7[%get3A_117] {strides = array<i32>} : memref<4096xf32, #tpu.memory_space<vmem>>, vector<16xf32>,
        %add3A_119 = arith.addf %add3A_112, %get3A_118 : vector<16xf32>
        %mul3A_120 = arith.constant 16 : i32
        %mul3A_121 = arith.muli %scan3A_66, %mul3A_120 : i32
        %add3A_122 = arith.constant 2048 : i32
        %add3A_123 = arith.addi %add3A_122, %mul3A_121 : i32
        %get3A_124 = arith.index_cast %add3A_123 : i32 to index
        %get3A_125 = tpu.vector_load %arg7[%get3A_124] {strides = array<i32>} : memref<4096xf32, #tpu.memory_space<vmem>>, vector<16xf32>,
        %add3A_126 = arith.addf %add3A_119, %get3A_125 : vector<16xf32>
        %mul3A_127 = arith.constant 16 : i32
        %mul3A_128 = arith.muli %scan3A_66, %mul3A_127 : i32
        %add3A_129 = arith.constant 2304 : i32
        %add3A_130 = arith.addi %add3A_129, %mul3A_128 : i32
        %get3A_131 = arith.index_cast %add3A_130 : i32 to index
        %get3A_132 = tpu.vector_load %arg7[%get3A_131] {strides = array<i32>} : memref<4096xf32, #tpu.memory_space<vmem>>, vector<16xf32>,
        %add3A_133 = arith.addf %add3A_126, %get3A_132 : vector<16xf32>
        %mul3A_134 = arith.constant 16 : i32
        %mul3A_135 = arith.muli %scan3A_66, %mul3A_134 : i32
        %add3A_136 = arith.constant 2560 : i32
        %add3A_137 = arith.addi %add3A_136, %mul3A_135 : i32
        %get3A_138 = arith.index_cast %add3A_137 : i32 to index
        %get3A_139 = tpu.vector_load %arg7[%get3A_138] {strides = array<i32>} : memref<4096xf32, #tpu.memory_space<vmem>>, vector<16xf32>,
        %add3A_140 = arith.addf %add3A_133, %get3A_139 : vector<16xf32>
        %mul3A_141 = arith.constant 16 : i32
        %mul3A_142 = arith.muli %scan3A_66, %mul3A_141 : i32
        %add3A_143 = arith.constant 2816 : i32
        %add3A_144 = arith.addi %add3A_143, %mul3A_142 : i32
        %get3A_145 = arith.index_cast %add3A_144 : i32 to index
        %get3A_146 = tpu.vector_load %arg7[%get3A_145] {strides = array<i32>} : memref<4096xf32, #tpu.memory_space<vmem>>, vector<16xf32>,
        %add3A_147 = arith.addf %add3A_140, %get3A_146 : vector<16xf32>
        %mul3A_148 = arith.constant 16 : i32
        %mul3A_149 = arith.muli %scan3A_66, %mul3A_148 : i32
        %add3A_150 = arith.constant 3072 : i32
        %add3A_151 = arith.addi %add3A_150, %mul3A_149 : i32
        %get3A_152 = arith.index_cast %add3A_151 : i32 to index
        %get3A_153 = tpu.vector_load %arg7[%get3A_152] {strides = array<i32>} : memref<4096xf32, #tpu.memory_space<vmem>>, vector<16xf32>,
        %add3A_154 = arith.addf %add3A_147, %get3A_153 : vector<16xf32>
        %mul3A_155 = arith.constant 16 : i32
        %mul3A_156 = arith.muli %scan3A_66, %mul3A_155 : i32
        %add3A_157 = arith.constant 3328 : i32
        %add3A_158 = arith.addi %add3A_157, %mul3A_156 : i32
        %get3A_159 = arith.index_cast %add3A_158 : i32 to index
        %get3A_160 = tpu.vector_load %arg7[%get3A_159] {strides = array<i32>} : memref<4096xf32, #tpu.memory_space<vmem>>, vector<16xf32>,
        %add3A_161 = arith.addf %add3A_154, %get3A_160 : vector<16xf32>
        %mul3A_162 = arith.constant 16 : i32
        %mul3A_163 = arith.muli %scan3A_66, %mul3A_162 : i32
        %add3A_164 = arith.constant 3584 : i32
        %add3A_165 = arith.addi %add3A_164, %mul3A_163 : i32
        %get3A_166 = arith.index_cast %add3A_165 : i32 to index
        %get3A_167 = tpu.vector_load %arg7[%get3A_166] {strides = array<i32>} : memref<4096xf32, #tpu.memory_space<vmem>>, vector<16xf32>,
        %add3A_168 = arith.addf %add3A_161, %get3A_167 : vector<16xf32>
        %mul3A_169 = arith.constant 16 : i32
        %mul3A_170 = arith.muli %scan3A_66, %mul3A_169 : i32
        %add3A_171 = arith.constant 3840 : i32
        %add3A_172 = arith.addi %add3A_171, %mul3A_170 : i32
        %get3A_173 = arith.index_cast %add3A_172 : i32 to index
        %get3A_174 = tpu.vector_load %arg7[%get3A_173] {strides = array<i32>} : memref<4096xf32, #tpu.memory_space<vmem>>, vector<16xf32>,
        %add3A_175 = arith.addf %add3A_168, %get3A_174 : vector<16xf32>
        %mul3A_176 = arith.constant 16 : i32
        %mul3A_177 = arith.muli %scan3A_66, %mul3A_176 : i32
        %swap3A = arith.index_cast %mul3A_177 : i32 to index
        %swap3A_178 = tpu.vector_load %arg8[%swap3A] {strides = array<i32>} : memref<256xf32, #tpu.memory_space<vmem>>, vector<16xf32>,
        tpu.vector_store %arg8[%swap3A], %add3A_175 {strides = array<i32>} : memref<256xf32, #tpu.memory_space<vmem>>, vector<16xf32>,
        %scan3A_179 = arith.constant 0 : i32
        scf.yield %scan3A_179 : i32
      }
      %scan3A_65 = arith.constant 16 : i32
      "tpu.region"() ({
        %run_scoped3A_66 = tpu.sem_alloc : memref<!tpu.dma_semaphore, #tpu.memory_space<semaphore_mem>>
        %dma_start3A = arith.constant 0 : i32
        %dma_start3A_67 = tpu.memref_slice %arg4[%add3A_5, %dma_start3A] : memref<90x256xf32, #tpu.memory_space<hbm>> -> memref<1x256xf32, #tpu.memory_space<hbm>>
        %dma_start3A_68 = tpu.memref_squeeze %dma_start3A_67 : memref<1x256xf32, #tpu.memory_space<hbm>> -> memref<256xf32, #tpu.memory_space<hbm>>
        %dma_start3A_69 = arith.constant 0 : i32
        %dma_start3A_70 = tpu.memref_slice %arg4[%add3A_5, %dma_start3A_69] : memref<90x256xf32, #tpu.memory_space<hbm>> -> memref<1x256xf32, #tpu.memory_space<hbm>>
        %dma_start3A_71 = tpu.memref_squeeze %dma_start3A_70 : memref<1x256xf32, #tpu.memory_space<hbm>> -> memref<256xf32, #tpu.memory_space<hbm>>
        tpu.enqueue_dma source(%arg8 : memref<256xf32, #tpu.memory_space<vmem>>) target(%dma_start3A_71 : memref<256xf32, #tpu.memory_space<hbm>>) target_semaphore(%run_scoped3A_66 : memref<!tpu.dma_semaphore, #tpu.memory_space<semaphore_mem>>)
        %dma_wait3A = arith.constant 0 : i32
        %dma_wait3A_72 = tpu.memref_slice %arg4[%add3A_5, %dma_wait3A] : memref<90x256xf32, #tpu.memory_space<hbm>> -> memref<1x256xf32, #tpu.memory_space<hbm>>
        %dma_wait3A_73 = tpu.memref_squeeze %dma_wait3A_72 : memref<1x256xf32, #tpu.memory_space<hbm>> -> memref<256xf32, #tpu.memory_space<hbm>>
        %dma_wait3A_74 = arith.constant 0 : i32
        %dma_wait3A_75 = tpu.memref_slice %arg4[%add3A_5, %dma_wait3A_74] : memref<90x256xf32, #tpu.memory_space<hbm>> -> memref<1x256xf32, #tpu.memory_space<hbm>>
        %dma_wait3A_76 = tpu.memref_squeeze %dma_wait3A_75 : memref<1x256xf32, #tpu.memory_space<hbm>> -> memref<256xf32, #tpu.memory_space<hbm>>
        tpu.wait_dma2 semaphore(%run_scoped3A_66 : memref<!tpu.dma_semaphore, #tpu.memory_space<semaphore_mem>>) src(%arg8 : memref<256xf32, #tpu.memory_space<vmem>>) dst(%dma_wait3A_76 : memref<256xf32, #tpu.memory_space<hbm>>)
        tpu.yield
      }) : () -> ()
    } else {
    }
    %add3A_8 = arith.constant 32 : i32
    %add3A_9 = arith.addi %add3A, %add3A_8 : i32
    %lt3A_10 = arith.constant 90 : i32
    %lt3A_11 = arith.cmpi slt, %add3A_9, %lt3A_10 : i32
    %convert_element_type3A_12 = arith.extui %lt3A_11 : i1 to i32
    %cond3A_13 = arith.constant 0 : i32
    %cond3A_14 = arith.cmpi ne, %convert_element_type3A_12, %cond3A_13 : i32
    scf.if %cond3A_14 {
      %scan3A = arith.constant 0 : i32
      %scan3A_22 = arith.constant 0 : i32
      %scan3A_23 = arith.constant 256 : i32
      %scan3A_24 = arith.addi %scan3A_22, %scan3A_23 : i32
      %scan3A_25 = arith.constant 1 : i32
      %scan3A_26 = scf.for %scan3A_66 = %scan3A_22 to %scan3A_24 step %scan3A_25 iter_args(%scan3A_67 = %scan3A) -> (i32)  : i32 {
        %broadcast_in_dim3A = arith.constant 0.000000e+00 : f32
        %broadcast_in_dim3A_68 = vector.broadcast %broadcast_in_dim3A : f32 to vector<16xf32>
        %mul3A_69 = arith.constant 16 : i32
        %mul3A_70 = arith.muli %scan3A_66, %mul3A_69 : i32
        %swap3A = arith.index_cast %mul3A_70 : i32 to index
        %swap3A_71 = tpu.vector_load %arg7[%swap3A] {strides = array<i32>} : memref<4096xf32, #tpu.memory_space<vmem>>, vector<16xf32>,
        tpu.vector_store %arg7[%swap3A], %broadcast_in_dim3A_68 {strides = array<i32>} : memref<4096xf32, #tpu.memory_space<vmem>>, vector<16xf32>,
        %scan3A_72 = arith.constant 0 : i32
        scf.yield %scan3A_72 : i32
      }
      %scan3A_27 = arith.constant 256 : i32
      %run_scoped3A = arith.constant 0 : i32
      "tpu.region"() ({
        %run_scoped3A_66 = tpu.sem_alloc : memref<!tpu.dma_semaphore, #tpu.memory_space<semaphore_mem>>
        %dma_start3A = arith.constant 0 : i32
        %dma_start3A_67 = tpu.memref_slice %arg3[%add3A_9, %run_scoped3A, %dma_start3A] : memref<90x4x16384xi32, #tpu.memory_space<hbm>> -> memref<1x1x16384xi32, #tpu.memory_space<hbm>>
        %dma_start3A_68 = tpu.memref_squeeze %dma_start3A_67 : memref<1x1x16384xi32, #tpu.memory_space<hbm>> -> memref<16384xi32, #tpu.memory_space<hbm>>
        %dma_start3A_69 = arith.constant 0 : i32
        %dma_start3A_70 = tpu.memref_slice %arg3[%add3A_9, %run_scoped3A, %dma_start3A_69] : memref<90x4x16384xi32, #tpu.memory_space<hbm>> -> memref<1x1x16384xi32, #tpu.memory_space<hbm>>
        %dma_start3A_71 = tpu.memref_squeeze %dma_start3A_70 : memref<1x1x16384xi32, #tpu.memory_space<hbm>> -> memref<16384xi32, #tpu.memory_space<hbm>>
        tpu.enqueue_dma source(%dma_start3A_71 : memref<16384xi32, #tpu.memory_space<hbm>>) target(%arg6 : memref<16384xi32, #tpu.memory_space<vmem>>) target_semaphore(%run_scoped3A_66 : memref<!tpu.dma_semaphore, #tpu.memory_space<semaphore_mem>>)
        %dma_wait3A = arith.constant 0 : i32
        %dma_wait3A_72 = tpu.memref_slice %arg3[%add3A_9, %run_scoped3A, %dma_wait3A] : memref<90x4x16384xi32, #tpu.memory_space<hbm>> -> memref<1x1x16384xi32, #tpu.memory_space<hbm>>
        %dma_wait3A_73 = tpu.memref_squeeze %dma_wait3A_72 : memref<1x1x16384xi32, #tpu.memory_space<hbm>> -> memref<16384xi32, #tpu.memory_space<hbm>>
        %dma_wait3A_74 = arith.constant 0 : i32
        %dma_wait3A_75 = tpu.memref_slice %arg3[%add3A_9, %run_scoped3A, %dma_wait3A_74] : memref<90x4x16384xi32, #tpu.memory_space<hbm>> -> memref<1x1x16384xi32, #tpu.memory_space<hbm>>
        %dma_wait3A_76 = tpu.memref_squeeze %dma_wait3A_75 : memref<1x1x16384xi32, #tpu.memory_space<hbm>> -> memref<16384xi32, #tpu.memory_space<hbm>>
        tpu.wait_dma2 semaphore(%run_scoped3A_66 : memref<!tpu.dma_semaphore, #tpu.memory_space<semaphore_mem>>) src(%dma_wait3A_76 : memref<16384xi32, #tpu.memory_space<hbm>>) dst(%arg6 : memref<16384xi32, #tpu.memory_space<vmem>>)
        tpu.yield
      }) : () -> ()
      %scan3A_28 = arith.constant 0 : i32
      %scan3A_29 = arith.constant 0 : i32
      %scan3A_30 = arith.constant 1024 : i32
      %scan3A_31 = arith.addi %scan3A_29, %scan3A_30 : i32
      %scan3A_32 = arith.constant 1 : i32
      %scan3A_33 = scf.for %scan3A_66 = %scan3A_29 to %scan3A_31 step %scan3A_32 iter_args(%scan3A_67 = %scan3A_28) -> (i32)  : i32 {
        %mul3A_68 = arith.constant 16 : i32
        %mul3A_69 = arith.muli %scan3A_66, %mul3A_68 : i32
        %get3A = arith.index_cast %mul3A_69 : i32 to index
        %get3A_70 = tpu.vector_load %arg6[%get3A] {strides = array<i32>} : memref<16384xi32, #tpu.memory_space<vmem>>, vector<16xi32>,
        %add3A_71 = arith.addi %get3A_70, %mul3A_3 : vector<16xi32>
        %add3A_72 = arith.constant 0 : i32
        %add3A_73 = arith.addi %add3A_72, %scan3A_66 : i32
        %mul3A_74 = arith.constant 16 : i32
        %mul3A_75 = arith.muli %add3A_73, %mul3A_74 : i32
        %get3A_76 = arith.index_cast %mul3A_75 : i32 to index
        %get3A_77 = tpu.vector_load %arg5[%get3A_76] {strides = array<i32>} : memref<65536xf32, #tpu.memory_space<vmem>>, vector<16xf32>,
        tpu.vector_store_idx %arg7[%add3A_71], %get3A_77 {add = true} : memref<4096xf32, #tpu.memory_space<vmem>>[vector<16xi32>], vector<16xf32>,
        %scan3A_78 = arith.constant 0 : i32
        scf.yield %scan3A_78 : i32
      }
      %scan3A_34 = arith.constant 1024 : i32
      %run_scoped3A_35 = arith.constant 1 : i32
      "tpu.region"() ({
        %run_scoped3A_66 = tpu.sem_alloc : memref<!tpu.dma_semaphore, #tpu.memory_space<semaphore_mem>>
        %dma_start3A = arith.constant 0 : i32
        %dma_start3A_67 = tpu.memref_slice %arg3[%add3A_9, %run_scoped3A_35, %dma_start3A] : memref<90x4x16384xi32, #tpu.memory_space<hbm>> -> memref<1x1x16384xi32, #tpu.memory_space<hbm>>
        %dma_start3A_68 = tpu.memref_squeeze %dma_start3A_67 : memref<1x1x16384xi32, #tpu.memory_space<hbm>> -> memref<16384xi32, #tpu.memory_space<hbm>>
        %dma_start3A_69 = arith.constant 0 : i32
        %dma_start3A_70 = tpu.memref_slice %arg3[%add3A_9, %run_scoped3A_35, %dma_start3A_69] : memref<90x4x16384xi32, #tpu.memory_space<hbm>> -> memref<1x1x16384xi32, #tpu.memory_space<hbm>>
        %dma_start3A_71 = tpu.memref_squeeze %dma_start3A_70 : memref<1x1x16384xi32, #tpu.memory_space<hbm>> -> memref<16384xi32, #tpu.memory_space<hbm>>
        tpu.enqueue_dma source(%dma_start3A_71 : memref<16384xi32, #tpu.memory_space<hbm>>) target(%arg6 : memref<16384xi32, #tpu.memory_space<vmem>>) target_semaphore(%run_scoped3A_66 : memref<!tpu.dma_semaphore, #tpu.memory_space<semaphore_mem>>)
        %dma_wait3A = arith.constant 0 : i32
        %dma_wait3A_72 = tpu.memref_slice %arg3[%add3A_9, %run_scoped3A_35, %dma_wait3A] : memref<90x4x16384xi32, #tpu.memory_space<hbm>> -> memref<1x1x16384xi32, #tpu.memory_space<hbm>>
        %dma_wait3A_73 = tpu.memref_squeeze %dma_wait3A_72 : memref<1x1x16384xi32, #tpu.memory_space<hbm>> -> memref<16384xi32, #tpu.memory_space<hbm>>
        %dma_wait3A_74 = arith.constant 0 : i32
        %dma_wait3A_75 = tpu.memref_slice %arg3[%add3A_9, %run_scoped3A_35, %dma_wait3A_74] : memref<90x4x16384xi32, #tpu.memory_space<hbm>> -> memref<1x1x16384xi32, #tpu.memory_space<hbm>>
        %dma_wait3A_76 = tpu.memref_squeeze %dma_wait3A_75 : memref<1x1x16384xi32, #tpu.memory_space<hbm>> -> memref<16384xi32, #tpu.memory_space<hbm>>
        tpu.wait_dma2 semaphore(%run_scoped3A_66 : memref<!tpu.dma_semaphore, #tpu.memory_space<semaphore_mem>>) src(%dma_wait3A_76 : memref<16384xi32, #tpu.memory_space<hbm>>) dst(%arg6 : memref<16384xi32, #tpu.memory_space<vmem>>)
        tpu.yield
      }) : () -> ()
      %scan3A_36 = arith.constant 0 : i32
      %scan3A_37 = arith.constant 0 : i32
      %scan3A_38 = arith.constant 1024 : i32
      %scan3A_39 = arith.addi %scan3A_37, %scan3A_38 : i32
      %scan3A_40 = arith.constant 1 : i32
      %scan3A_41 = scf.for %scan3A_66 = %scan3A_37 to %scan3A_39 step %scan3A_40 iter_args(%scan3A_67 = %scan3A_36) -> (i32)  : i32 {
        %mul3A_68 = arith.constant 16 : i32
        %mul3A_69 = arith.muli %scan3A_66, %mul3A_68 : i32
        %get3A = arith.index_cast %mul3A_69 : i32 to index
        %get3A_70 = tpu.vector_load %arg6[%get3A] {strides = array<i32>} : memref<16384xi32, #tpu.memory_space<vmem>>, vector<16xi32>,
        %add3A_71 = arith.addi %get3A_70, %mul3A_3 : vector<16xi32>
        %add3A_72 = arith.constant 1024 : i32
        %add3A_73 = arith.addi %add3A_72, %scan3A_66 : i32
        %mul3A_74 = arith.constant 16 : i32
        %mul3A_75 = arith.muli %add3A_73, %mul3A_74 : i32
        %get3A_76 = arith.index_cast %mul3A_75 : i32 to index
        %get3A_77 = tpu.vector_load %arg5[%get3A_76] {strides = array<i32>} : memref<65536xf32, #tpu.memory_space<vmem>>, vector<16xf32>,
        tpu.vector_store_idx %arg7[%add3A_71], %get3A_77 {add = true} : memref<4096xf32, #tpu.memory_space<vmem>>[vector<16xi32>], vector<16xf32>,
        %scan3A_78 = arith.constant 0 : i32
        scf.yield %scan3A_78 : i32
      }
      %scan3A_42 = arith.constant 1024 : i32
      %run_scoped3A_43 = arith.constant 2 : i32
      "tpu.region"() ({
        %run_scoped3A_66 = tpu.sem_alloc : memref<!tpu.dma_semaphore, #tpu.memory_space<semaphore_mem>>
        %dma_start3A = arith.constant 0 : i32
        %dma_start3A_67 = tpu.memref_slice %arg3[%add3A_9, %run_scoped3A_43, %dma_start3A] : memref<90x4x16384xi32, #tpu.memory_space<hbm>> -> memref<1x1x16384xi32, #tpu.memory_space<hbm>>
        %dma_start3A_68 = tpu.memref_squeeze %dma_start3A_67 : memref<1x1x16384xi32, #tpu.memory_space<hbm>> -> memref<16384xi32, #tpu.memory_space<hbm>>
        %dma_start3A_69 = arith.constant 0 : i32
        %dma_start3A_70 = tpu.memref_slice %arg3[%add3A_9, %run_scoped3A_43, %dma_start3A_69] : memref<90x4x16384xi32, #tpu.memory_space<hbm>> -> memref<1x1x16384xi32, #tpu.memory_space<hbm>>
        %dma_start3A_71 = tpu.memref_squeeze %dma_start3A_70 : memref<1x1x16384xi32, #tpu.memory_space<hbm>> -> memref<16384xi32, #tpu.memory_space<hbm>>
        tpu.enqueue_dma source(%dma_start3A_71 : memref<16384xi32, #tpu.memory_space<hbm>>) target(%arg6 : memref<16384xi32, #tpu.memory_space<vmem>>) target_semaphore(%run_scoped3A_66 : memref<!tpu.dma_semaphore, #tpu.memory_space<semaphore_mem>>)
        %dma_wait3A = arith.constant 0 : i32
        %dma_wait3A_72 = tpu.memref_slice %arg3[%add3A_9, %run_scoped3A_43, %dma_wait3A] : memref<90x4x16384xi32, #tpu.memory_space<hbm>> -> memref<1x1x16384xi32, #tpu.memory_space<hbm>>
        %dma_wait3A_73 = tpu.memref_squeeze %dma_wait3A_72 : memref<1x1x16384xi32, #tpu.memory_space<hbm>> -> memref<16384xi32, #tpu.memory_space<hbm>>
        %dma_wait3A_74 = arith.constant 0 : i32
        %dma_wait3A_75 = tpu.memref_slice %arg3[%add3A_9, %run_scoped3A_43, %dma_wait3A_74] : memref<90x4x16384xi32, #tpu.memory_space<hbm>> -> memref<1x1x16384xi32, #tpu.memory_space<hbm>>
        %dma_wait3A_76 = tpu.memref_squeeze %dma_wait3A_75 : memref<1x1x16384xi32, #tpu.memory_space<hbm>> -> memref<16384xi32, #tpu.memory_space<hbm>>
        tpu.wait_dma2 semaphore(%run_scoped3A_66 : memref<!tpu.dma_semaphore, #tpu.memory_space<semaphore_mem>>) src(%dma_wait3A_76 : memref<16384xi32, #tpu.memory_space<hbm>>) dst(%arg6 : memref<16384xi32, #tpu.memory_space<vmem>>)
        tpu.yield
      }) : () -> ()
      %scan3A_44 = arith.constant 0 : i32
      %scan3A_45 = arith.constant 0 : i32
      %scan3A_46 = arith.constant 1024 : i32
      %scan3A_47 = arith.addi %scan3A_45, %scan3A_46 : i32
      %scan3A_48 = arith.constant 1 : i32
      %scan3A_49 = scf.for %scan3A_66 = %scan3A_45 to %scan3A_47 step %scan3A_48 iter_args(%scan3A_67 = %scan3A_44) -> (i32)  : i32 {
        %mul3A_68 = arith.constant 16 : i32
        %mul3A_69 = arith.muli %scan3A_66, %mul3A_68 : i32
        %get3A = arith.index_cast %mul3A_69 : i32 to index
        %get3A_70 = tpu.vector_load %arg6[%get3A] {strides = array<i32>} : memref<16384xi32, #tpu.memory_space<vmem>>, vector<16xi32>,
        %add3A_71 = arith.addi %get3A_70, %mul3A_3 : vector<16xi32>
        %add3A_72 = arith.constant 2048 : i32
        %add3A_73 = arith.addi %add3A_72, %scan3A_66 : i32
        %mul3A_74 = arith.constant 16 : i32
        %mul3A_75 = arith.muli %add3A_73, %mul3A_74 : i32
        %get3A_76 = arith.index_cast %mul3A_75 : i32 to index
        %get3A_77 = tpu.vector_load %arg5[%get3A_76] {strides = array<i32>} : memref<65536xf32, #tpu.memory_space<vmem>>, vector<16xf32>,
        tpu.vector_store_idx %arg7[%add3A_71], %get3A_77 {add = true} : memref<4096xf32, #tpu.memory_space<vmem>>[vector<16xi32>], vector<16xf32>,
        %scan3A_78 = arith.constant 0 : i32
        scf.yield %scan3A_78 : i32
      }
      %scan3A_50 = arith.constant 1024 : i32
      %run_scoped3A_51 = arith.constant 3 : i32
      "tpu.region"() ({
        %run_scoped3A_66 = tpu.sem_alloc : memref<!tpu.dma_semaphore, #tpu.memory_space<semaphore_mem>>
        %dma_start3A = arith.constant 0 : i32
        %dma_start3A_67 = tpu.memref_slice %arg3[%add3A_9, %run_scoped3A_51, %dma_start3A] : memref<90x4x16384xi32, #tpu.memory_space<hbm>> -> memref<1x1x16384xi32, #tpu.memory_space<hbm>>
        %dma_start3A_68 = tpu.memref_squeeze %dma_start3A_67 : memref<1x1x16384xi32, #tpu.memory_space<hbm>> -> memref<16384xi32, #tpu.memory_space<hbm>>
        %dma_start3A_69 = arith.constant 0 : i32
        %dma_start3A_70 = tpu.memref_slice %arg3[%add3A_9, %run_scoped3A_51, %dma_start3A_69] : memref<90x4x16384xi32, #tpu.memory_space<hbm>> -> memref<1x1x16384xi32, #tpu.memory_space<hbm>>
        %dma_start3A_71 = tpu.memref_squeeze %dma_start3A_70 : memref<1x1x16384xi32, #tpu.memory_space<hbm>> -> memref<16384xi32, #tpu.memory_space<hbm>>
        tpu.enqueue_dma source(%dma_start3A_71 : memref<16384xi32, #tpu.memory_space<hbm>>) target(%arg6 : memref<16384xi32, #tpu.memory_space<vmem>>) target_semaphore(%run_scoped3A_66 : memref<!tpu.dma_semaphore, #tpu.memory_space<semaphore_mem>>)
        %dma_wait3A = arith.constant 0 : i32
        %dma_wait3A_72 = tpu.memref_slice %arg3[%add3A_9, %run_scoped3A_51, %dma_wait3A] : memref<90x4x16384xi32, #tpu.memory_space<hbm>> -> memref<1x1x16384xi32, #tpu.memory_space<hbm>>
        %dma_wait3A_73 = tpu.memref_squeeze %dma_wait3A_72 : memref<1x1x16384xi32, #tpu.memory_space<hbm>> -> memref<16384xi32, #tpu.memory_space<hbm>>
        %dma_wait3A_74 = arith.constant 0 : i32
        %dma_wait3A_75 = tpu.memref_slice %arg3[%add3A_9, %run_scoped3A_51, %dma_wait3A_74] : memref<90x4x16384xi32, #tpu.memory_space<hbm>> -> memref<1x1x16384xi32, #tpu.memory_space<hbm>>
        %dma_wait3A_76 = tpu.memref_squeeze %dma_wait3A_75 : memref<1x1x16384xi32, #tpu.memory_space<hbm>> -> memref<16384xi32, #tpu.memory_space<hbm>>
        tpu.wait_dma2 semaphore(%run_scoped3A_66 : memref<!tpu.dma_semaphore, #tpu.memory_space<semaphore_mem>>) src(%dma_wait3A_76 : memref<16384xi32, #tpu.memory_space<hbm>>) dst(%arg6 : memref<16384xi32, #tpu.memory_space<vmem>>)
        tpu.yield
      }) : () -> ()
      %scan3A_52 = arith.constant 0 : i32
      %scan3A_53 = arith.constant 0 : i32
      %scan3A_54 = arith.constant 1024 : i32
      %scan3A_55 = arith.addi %scan3A_53, %scan3A_54 : i32
      %scan3A_56 = arith.constant 1 : i32
      %scan3A_57 = scf.for %scan3A_66 = %scan3A_53 to %scan3A_55 step %scan3A_56 iter_args(%scan3A_67 = %scan3A_52) -> (i32)  : i32 {
        %mul3A_68 = arith.constant 16 : i32
        %mul3A_69 = arith.muli %scan3A_66, %mul3A_68 : i32
        %get3A = arith.index_cast %mul3A_69 : i32 to index
        %get3A_70 = tpu.vector_load %arg6[%get3A] {strides = array<i32>} : memref<16384xi32, #tpu.memory_space<vmem>>, vector<16xi32>,
        %add3A_71 = arith.addi %get3A_70, %mul3A_3 : vector<16xi32>
        %add3A_72 = arith.constant 3072 : i32
        %add3A_73 = arith.addi %add3A_72, %scan3A_66 : i32
        %mul3A_74 = arith.constant 16 : i32
        %mul3A_75 = arith.muli %add3A_73, %mul3A_74 : i32
        %get3A_76 = arith.index_cast %mul3A_75 : i32 to index
        %get3A_77 = tpu.vector_load %arg5[%get3A_76] {strides = array<i32>} : memref<65536xf32, #tpu.memory_space<vmem>>, vector<16xf32>,
        tpu.vector_store_idx %arg7[%add3A_71], %get3A_77 {add = true} : memref<4096xf32, #tpu.memory_space<vmem>>[vector<16xi32>], vector<16xf32>,
        %scan3A_78 = arith.constant 0 : i32
        scf.yield %scan3A_78 : i32
      }
      %scan3A_58 = arith.constant 1024 : i32
      %scan3A_59 = arith.constant 0 : i32
      %scan3A_60 = arith.constant 0 : i32
      %scan3A_61 = arith.constant 16 : i32
      %scan3A_62 = arith.addi %scan3A_60, %scan3A_61 : i32
      %scan3A_63 = arith.constant 1 : i32
      %scan3A_64 = scf.for %scan3A_66 = %scan3A_60 to %scan3A_62 step %scan3A_63 iter_args(%scan3A_67 = %scan3A_59) -> (i32)  : i32 {
        %mul3A_68 = arith.constant 16 : i32
        %mul3A_69 = arith.muli %scan3A_66, %mul3A_68 : i32
        %get3A = arith.index_cast %mul3A_69 : i32 to index
        %get3A_70 = tpu.vector_load %arg7[%get3A] {strides = array<i32>} : memref<4096xf32, #tpu.memory_space<vmem>>, vector<16xf32>,
        %mul3A_71 = arith.constant 16 : i32
        %mul3A_72 = arith.muli %scan3A_66, %mul3A_71 : i32
        %add3A_73 = arith.constant 256 : i32
        %add3A_74 = arith.addi %add3A_73, %mul3A_72 : i32
        %get3A_75 = arith.index_cast %add3A_74 : i32 to index
        %get3A_76 = tpu.vector_load %arg7[%get3A_75] {strides = array<i32>} : memref<4096xf32, #tpu.memory_space<vmem>>, vector<16xf32>,
        %add3A_77 = arith.addf %get3A_70, %get3A_76 : vector<16xf32>
        %mul3A_78 = arith.constant 16 : i32
        %mul3A_79 = arith.muli %scan3A_66, %mul3A_78 : i32
        %add3A_80 = arith.constant 512 : i32
        %add3A_81 = arith.addi %add3A_80, %mul3A_79 : i32
        %get3A_82 = arith.index_cast %add3A_81 : i32 to index
        %get3A_83 = tpu.vector_load %arg7[%get3A_82] {strides = array<i32>} : memref<4096xf32, #tpu.memory_space<vmem>>, vector<16xf32>,
        %add3A_84 = arith.addf %add3A_77, %get3A_83 : vector<16xf32>
        %mul3A_85 = arith.constant 16 : i32
        %mul3A_86 = arith.muli %scan3A_66, %mul3A_85 : i32
        %add3A_87 = arith.constant 768 : i32
        %add3A_88 = arith.addi %add3A_87, %mul3A_86 : i32
        %get3A_89 = arith.index_cast %add3A_88 : i32 to index
        %get3A_90 = tpu.vector_load %arg7[%get3A_89] {strides = array<i32>} : memref<4096xf32, #tpu.memory_space<vmem>>, vector<16xf32>,
        %add3A_91 = arith.addf %add3A_84, %get3A_90 : vector<16xf32>
        %mul3A_92 = arith.constant 16 : i32
        %mul3A_93 = arith.muli %scan3A_66, %mul3A_92 : i32
        %add3A_94 = arith.constant 1024 : i32
        %add3A_95 = arith.addi %add3A_94, %mul3A_93 : i32
        %get3A_96 = arith.index_cast %add3A_95 : i32 to index
        %get3A_97 = tpu.vector_load %arg7[%get3A_96] {strides = array<i32>} : memref<4096xf32, #tpu.memory_space<vmem>>, vector<16xf32>,
        %add3A_98 = arith.addf %add3A_91, %get3A_97 : vector<16xf32>
        %mul3A_99 = arith.constant 16 : i32
        %mul3A_100 = arith.muli %scan3A_66, %mul3A_99 : i32
        %add3A_101 = arith.constant 1280 : i32
        %add3A_102 = arith.addi %add3A_101, %mul3A_100 : i32
        %get3A_103 = arith.index_cast %add3A_102 : i32 to index
        %get3A_104 = tpu.vector_load %arg7[%get3A_103] {strides = array<i32>} : memref<4096xf32, #tpu.memory_space<vmem>>, vector<16xf32>,
        %add3A_105 = arith.addf %add3A_98, %get3A_104 : vector<16xf32>
        %mul3A_106 = arith.constant 16 : i32
        %mul3A_107 = arith.muli %scan3A_66, %mul3A_106 : i32
        %add3A_108 = arith.constant 1536 : i32
        %add3A_109 = arith.addi %add3A_108, %mul3A_107 : i32
        %get3A_110 = arith.index_cast %add3A_109 : i32 to index
        %get3A_111 = tpu.vector_load %arg7[%get3A_110] {strides = array<i32>} : memref<4096xf32, #tpu.memory_space<vmem>>, vector<16xf32>,
        %add3A_112 = arith.addf %add3A_105, %get3A_111 : vector<16xf32>
        %mul3A_113 = arith.constant 16 : i32
        %mul3A_114 = arith.muli %scan3A_66, %mul3A_113 : i32
        %add3A_115 = arith.constant 1792 : i32
        %add3A_116 = arith.addi %add3A_115, %mul3A_114 : i32
        %get3A_117 = arith.index_cast %add3A_116 : i32 to index
        %get3A_118 = tpu.vector_load %arg7[%get3A_117] {strides = array<i32>} : memref<4096xf32, #tpu.memory_space<vmem>>, vector<16xf32>,
        %add3A_119 = arith.addf %add3A_112, %get3A_118 : vector<16xf32>
        %mul3A_120 = arith.constant 16 : i32
        %mul3A_121 = arith.muli %scan3A_66, %mul3A_120 : i32
        %add3A_122 = arith.constant 2048 : i32
        %add3A_123 = arith.addi %add3A_122, %mul3A_121 : i32
        %get3A_124 = arith.index_cast %add3A_123 : i32 to index
        %get3A_125 = tpu.vector_load %arg7[%get3A_124] {strides = array<i32>} : memref<4096xf32, #tpu.memory_space<vmem>>, vector<16xf32>,
        %add3A_126 = arith.addf %add3A_119, %get3A_125 : vector<16xf32>
        %mul3A_127 = arith.constant 16 : i32
        %mul3A_128 = arith.muli %scan3A_66, %mul3A_127 : i32
        %add3A_129 = arith.constant 2304 : i32
        %add3A_130 = arith.addi %add3A_129, %mul3A_128 : i32
        %get3A_131 = arith.index_cast %add3A_130 : i32 to index
        %get3A_132 = tpu.vector_load %arg7[%get3A_131] {strides = array<i32>} : memref<4096xf32, #tpu.memory_space<vmem>>, vector<16xf32>,
        %add3A_133 = arith.addf %add3A_126, %get3A_132 : vector<16xf32>
        %mul3A_134 = arith.constant 16 : i32
        %mul3A_135 = arith.muli %scan3A_66, %mul3A_134 : i32
        %add3A_136 = arith.constant 2560 : i32
        %add3A_137 = arith.addi %add3A_136, %mul3A_135 : i32
        %get3A_138 = arith.index_cast %add3A_137 : i32 to index
        %get3A_139 = tpu.vector_load %arg7[%get3A_138] {strides = array<i32>} : memref<4096xf32, #tpu.memory_space<vmem>>, vector<16xf32>,
        %add3A_140 = arith.addf %add3A_133, %get3A_139 : vector<16xf32>
        %mul3A_141 = arith.constant 16 : i32
        %mul3A_142 = arith.muli %scan3A_66, %mul3A_141 : i32
        %add3A_143 = arith.constant 2816 : i32
        %add3A_144 = arith.addi %add3A_143, %mul3A_142 : i32
        %get3A_145 = arith.index_cast %add3A_144 : i32 to index
        %get3A_146 = tpu.vector_load %arg7[%get3A_145] {strides = array<i32>} : memref<4096xf32, #tpu.memory_space<vmem>>, vector<16xf32>,
        %add3A_147 = arith.addf %add3A_140, %get3A_146 : vector<16xf32>
        %mul3A_148 = arith.constant 16 : i32
        %mul3A_149 = arith.muli %scan3A_66, %mul3A_148 : i32
        %add3A_150 = arith.constant 3072 : i32
        %add3A_151 = arith.addi %add3A_150, %mul3A_149 : i32
        %get3A_152 = arith.index_cast %add3A_151 : i32 to index
        %get3A_153 = tpu.vector_load %arg7[%get3A_152] {strides = array<i32>} : memref<4096xf32, #tpu.memory_space<vmem>>, vector<16xf32>,
        %add3A_154 = arith.addf %add3A_147, %get3A_153 : vector<16xf32>
        %mul3A_155 = arith.constant 16 : i32
        %mul3A_156 = arith.muli %scan3A_66, %mul3A_155 : i32
        %add3A_157 = arith.constant 3328 : i32
        %add3A_158 = arith.addi %add3A_157, %mul3A_156 : i32
        %get3A_159 = arith.index_cast %add3A_158 : i32 to index
        %get3A_160 = tpu.vector_load %arg7[%get3A_159] {strides = array<i32>} : memref<4096xf32, #tpu.memory_space<vmem>>, vector<16xf32>,
        %add3A_161 = arith.addf %add3A_154, %get3A_160 : vector<16xf32>
        %mul3A_162 = arith.constant 16 : i32
        %mul3A_163 = arith.muli %scan3A_66, %mul3A_162 : i32
        %add3A_164 = arith.constant 3584 : i32
        %add3A_165 = arith.addi %add3A_164, %mul3A_163 : i32
        %get3A_166 = arith.index_cast %add3A_165 : i32 to index
        %get3A_167 = tpu.vector_load %arg7[%get3A_166] {strides = array<i32>} : memref<4096xf32, #tpu.memory_space<vmem>>, vector<16xf32>,
        %add3A_168 = arith.addf %add3A_161, %get3A_167 : vector<16xf32>
        %mul3A_169 = arith.constant 16 : i32
        %mul3A_170 = arith.muli %scan3A_66, %mul3A_169 : i32
        %add3A_171 = arith.constant 3840 : i32
        %add3A_172 = arith.addi %add3A_171, %mul3A_170 : i32
        %get3A_173 = arith.index_cast %add3A_172 : i32 to index
        %get3A_174 = tpu.vector_load %arg7[%get3A_173] {strides = array<i32>} : memref<4096xf32, #tpu.memory_space<vmem>>, vector<16xf32>,
        %add3A_175 = arith.addf %add3A_168, %get3A_174 : vector<16xf32>
        %mul3A_176 = arith.constant 16 : i32
        %mul3A_177 = arith.muli %scan3A_66, %mul3A_176 : i32
        %swap3A = arith.index_cast %mul3A_177 : i32 to index
        %swap3A_178 = tpu.vector_load %arg8[%swap3A] {strides = array<i32>} : memref<256xf32, #tpu.memory_space<vmem>>, vector<16xf32>,
        tpu.vector_store %arg8[%swap3A], %add3A_175 {strides = array<i32>} : memref<256xf32, #tpu.memory_space<vmem>>, vector<16xf32>,
        %scan3A_179 = arith.constant 0 : i32
        scf.yield %scan3A_179 : i32
      }
      %scan3A_65 = arith.constant 16 : i32
      "tpu.region"() ({
        %run_scoped3A_66 = tpu.sem_alloc : memref<!tpu.dma_semaphore, #tpu.memory_space<semaphore_mem>>
        %dma_start3A = arith.constant 0 : i32
        %dma_start3A_67 = tpu.memref_slice %arg4[%add3A_9, %dma_start3A] : memref<90x256xf32, #tpu.memory_space<hbm>> -> memref<1x256xf32, #tpu.memory_space<hbm>>
        %dma_start3A_68 = tpu.memref_squeeze %dma_start3A_67 : memref<1x256xf32, #tpu.memory_space<hbm>> -> memref<256xf32, #tpu.memory_space<hbm>>
        %dma_start3A_69 = arith.constant 0 : i32
        %dma_start3A_70 = tpu.memref_slice %arg4[%add3A_9, %dma_start3A_69] : memref<90x256xf32, #tpu.memory_space<hbm>> -> memref<1x256xf32, #tpu.memory_space<hbm>>
        %dma_start3A_71 = tpu.memref_squeeze %dma_start3A_70 : memref<1x256xf32, #tpu.memory_space<hbm>> -> memref<256xf32, #tpu.memory_space<hbm>>
        tpu.enqueue_dma source(%arg8 : memref<256xf32, #tpu.memory_space<vmem>>) target(%dma_start3A_71 : memref<256xf32, #tpu.memory_space<hbm>>) target_semaphore(%run_scoped3A_66 : memref<!tpu.dma_semaphore, #tpu.memory_space<semaphore_mem>>)
        %dma_wait3A = arith.constant 0 : i32
        %dma_wait3A_72 = tpu.memref_slice %arg4[%add3A_9, %dma_wait3A] : memref<90x256xf32, #tpu.memory_space<hbm>> -> memref<1x256xf32, #tpu.memory_space<hbm>>
        %dma_wait3A_73 = tpu.memref_squeeze %dma_wait3A_72 : memref<1x256xf32, #tpu.memory_space<hbm>> -> memref<256xf32, #tpu.memory_space<hbm>>
        %dma_wait3A_74 = arith.constant 0 : i32
        %dma_wait3A_75 = tpu.memref_slice %arg4[%add3A_9, %dma_wait3A_74] : memref<90x256xf32, #tpu.memory_space<hbm>> -> memref<1x256xf32, #tpu.memory_space<hbm>>
        %dma_wait3A_76 = tpu.memref_squeeze %dma_wait3A_75 : memref<1x256xf32, #tpu.memory_space<hbm>> -> memref<256xf32, #tpu.memory_space<hbm>>
        tpu.wait_dma2 semaphore(%run_scoped3A_66 : memref<!tpu.dma_semaphore, #tpu.memory_space<semaphore_mem>>) src(%arg8 : memref<256xf32, #tpu.memory_space<vmem>>) dst(%dma_wait3A_76 : memref<256xf32, #tpu.memory_space<hbm>>)
        tpu.yield
      }) : () -> ()
    } else {
    }
    %add3A_15 = arith.constant 64 : i32
    %add3A_16 = arith.addi %add3A, %add3A_15 : i32
    %lt3A_17 = arith.constant 90 : i32
    %lt3A_18 = arith.cmpi slt, %add3A_16, %lt3A_17 : i32
    %convert_element_type3A_19 = arith.extui %lt3A_18 : i1 to i32
    %cond3A_20 = arith.constant 0 : i32
    %cond3A_21 = arith.cmpi ne, %convert_element_type3A_19, %cond3A_20 : i32
    scf.if %cond3A_21 {
      %scan3A = arith.constant 0 : i32
      %scan3A_22 = arith.constant 0 : i32
      %scan3A_23 = arith.constant 256 : i32
      %scan3A_24 = arith.addi %scan3A_22, %scan3A_23 : i32
      %scan3A_25 = arith.constant 1 : i32
      %scan3A_26 = scf.for %scan3A_66 = %scan3A_22 to %scan3A_24 step %scan3A_25 iter_args(%scan3A_67 = %scan3A) -> (i32)  : i32 {
        %broadcast_in_dim3A = arith.constant 0.000000e+00 : f32
        %broadcast_in_dim3A_68 = vector.broadcast %broadcast_in_dim3A : f32 to vector<16xf32>
        %mul3A_69 = arith.constant 16 : i32
        %mul3A_70 = arith.muli %scan3A_66, %mul3A_69 : i32
        %swap3A = arith.index_cast %mul3A_70 : i32 to index
        %swap3A_71 = tpu.vector_load %arg7[%swap3A] {strides = array<i32>} : memref<4096xf32, #tpu.memory_space<vmem>>, vector<16xf32>,
        tpu.vector_store %arg7[%swap3A], %broadcast_in_dim3A_68 {strides = array<i32>} : memref<4096xf32, #tpu.memory_space<vmem>>, vector<16xf32>,
        %scan3A_72 = arith.constant 0 : i32
        scf.yield %scan3A_72 : i32
      }
      %scan3A_27 = arith.constant 256 : i32
      %run_scoped3A = arith.constant 0 : i32
      "tpu.region"() ({
        %run_scoped3A_66 = tpu.sem_alloc : memref<!tpu.dma_semaphore, #tpu.memory_space<semaphore_mem>>
        %dma_start3A = arith.constant 0 : i32
        %dma_start3A_67 = tpu.memref_slice %arg3[%add3A_16, %run_scoped3A, %dma_start3A] : memref<90x4x16384xi32, #tpu.memory_space<hbm>> -> memref<1x1x16384xi32, #tpu.memory_space<hbm>>
        %dma_start3A_68 = tpu.memref_squeeze %dma_start3A_67 : memref<1x1x16384xi32, #tpu.memory_space<hbm>> -> memref<16384xi32, #tpu.memory_space<hbm>>
        %dma_start3A_69 = arith.constant 0 : i32
        %dma_start3A_70 = tpu.memref_slice %arg3[%add3A_16, %run_scoped3A, %dma_start3A_69] : memref<90x4x16384xi32, #tpu.memory_space<hbm>> -> memref<1x1x16384xi32, #tpu.memory_space<hbm>>
        %dma_start3A_71 = tpu.memref_squeeze %dma_start3A_70 : memref<1x1x16384xi32, #tpu.memory_space<hbm>> -> memref<16384xi32, #tpu.memory_space<hbm>>
        tpu.enqueue_dma source(%dma_start3A_71 : memref<16384xi32, #tpu.memory_space<hbm>>) target(%arg6 : memref<16384xi32, #tpu.memory_space<vmem>>) target_semaphore(%run_scoped3A_66 : memref<!tpu.dma_semaphore, #tpu.memory_space<semaphore_mem>>)
        %dma_wait3A = arith.constant 0 : i32
        %dma_wait3A_72 = tpu.memref_slice %arg3[%add3A_16, %run_scoped3A, %dma_wait3A] : memref<90x4x16384xi32, #tpu.memory_space<hbm>> -> memref<1x1x16384xi32, #tpu.memory_space<hbm>>
        %dma_wait3A_73 = tpu.memref_squeeze %dma_wait3A_72 : memref<1x1x16384xi32, #tpu.memory_space<hbm>> -> memref<16384xi32, #tpu.memory_space<hbm>>
        %dma_wait3A_74 = arith.constant 0 : i32
        %dma_wait3A_75 = tpu.memref_slice %arg3[%add3A_16, %run_scoped3A, %dma_wait3A_74] : memref<90x4x16384xi32, #tpu.memory_space<hbm>> -> memref<1x1x16384xi32, #tpu.memory_space<hbm>>
        %dma_wait3A_76 = tpu.memref_squeeze %dma_wait3A_75 : memref<1x1x16384xi32, #tpu.memory_space<hbm>> -> memref<16384xi32, #tpu.memory_space<hbm>>
        tpu.wait_dma2 semaphore(%run_scoped3A_66 : memref<!tpu.dma_semaphore, #tpu.memory_space<semaphore_mem>>) src(%dma_wait3A_76 : memref<16384xi32, #tpu.memory_space<hbm>>) dst(%arg6 : memref<16384xi32, #tpu.memory_space<vmem>>)
        tpu.yield
      }) : () -> ()
      %scan3A_28 = arith.constant 0 : i32
      %scan3A_29 = arith.constant 0 : i32
      %scan3A_30 = arith.constant 1024 : i32
      %scan3A_31 = arith.addi %scan3A_29, %scan3A_30 : i32
      %scan3A_32 = arith.constant 1 : i32
      %scan3A_33 = scf.for %scan3A_66 = %scan3A_29 to %scan3A_31 step %scan3A_32 iter_args(%scan3A_67 = %scan3A_28) -> (i32)  : i32 {
        %mul3A_68 = arith.constant 16 : i32
        %mul3A_69 = arith.muli %scan3A_66, %mul3A_68 : i32
        %get3A = arith.index_cast %mul3A_69 : i32 to index
        %get3A_70 = tpu.vector_load %arg6[%get3A] {strides = array<i32>} : memref<16384xi32, #tpu.memory_space<vmem>>, vector<16xi32>,
        %add3A_71 = arith.addi %get3A_70, %mul3A_3 : vector<16xi32>
        %add3A_72 = arith.constant 0 : i32
        %add3A_73 = arith.addi %add3A_72, %scan3A_66 : i32
        %mul3A_74 = arith.constant 16 : i32
        %mul3A_75 = arith.muli %add3A_73, %mul3A_74 : i32
        %get3A_76 = arith.index_cast %mul3A_75 : i32 to index
        %get3A_77 = tpu.vector_load %arg5[%get3A_76] {strides = array<i32>} : memref<65536xf32, #tpu.memory_space<vmem>>, vector<16xf32>,
        tpu.vector_store_idx %arg7[%add3A_71], %get3A_77 {add = true} : memref<4096xf32, #tpu.memory_space<vmem>>[vector<16xi32>], vector<16xf32>,
        %scan3A_78 = arith.constant 0 : i32
        scf.yield %scan3A_78 : i32
      }
      %scan3A_34 = arith.constant 1024 : i32
      %run_scoped3A_35 = arith.constant 1 : i32
      "tpu.region"() ({
        %run_scoped3A_66 = tpu.sem_alloc : memref<!tpu.dma_semaphore, #tpu.memory_space<semaphore_mem>>
        %dma_start3A = arith.constant 0 : i32
        %dma_start3A_67 = tpu.memref_slice %arg3[%add3A_16, %run_scoped3A_35, %dma_start3A] : memref<90x4x16384xi32, #tpu.memory_space<hbm>> -> memref<1x1x16384xi32, #tpu.memory_space<hbm>>
        %dma_start3A_68 = tpu.memref_squeeze %dma_start3A_67 : memref<1x1x16384xi32, #tpu.memory_space<hbm>> -> memref<16384xi32, #tpu.memory_space<hbm>>
        %dma_start3A_69 = arith.constant 0 : i32
        %dma_start3A_70 = tpu.memref_slice %arg3[%add3A_16, %run_scoped3A_35, %dma_start3A_69] : memref<90x4x16384xi32, #tpu.memory_space<hbm>> -> memref<1x1x16384xi32, #tpu.memory_space<hbm>>
        %dma_start3A_71 = tpu.memref_squeeze %dma_start3A_70 : memref<1x1x16384xi32, #tpu.memory_space<hbm>> -> memref<16384xi32, #tpu.memory_space<hbm>>
        tpu.enqueue_dma source(%dma_start3A_71 : memref<16384xi32, #tpu.memory_space<hbm>>) target(%arg6 : memref<16384xi32, #tpu.memory_space<vmem>>) target_semaphore(%run_scoped3A_66 : memref<!tpu.dma_semaphore, #tpu.memory_space<semaphore_mem>>)
        %dma_wait3A = arith.constant 0 : i32
        %dma_wait3A_72 = tpu.memref_slice %arg3[%add3A_16, %run_scoped3A_35, %dma_wait3A] : memref<90x4x16384xi32, #tpu.memory_space<hbm>> -> memref<1x1x16384xi32, #tpu.memory_space<hbm>>
        %dma_wait3A_73 = tpu.memref_squeeze %dma_wait3A_72 : memref<1x1x16384xi32, #tpu.memory_space<hbm>> -> memref<16384xi32, #tpu.memory_space<hbm>>
        %dma_wait3A_74 = arith.constant 0 : i32
        %dma_wait3A_75 = tpu.memref_slice %arg3[%add3A_16, %run_scoped3A_35, %dma_wait3A_74] : memref<90x4x16384xi32, #tpu.memory_space<hbm>> -> memref<1x1x16384xi32, #tpu.memory_space<hbm>>
        %dma_wait3A_76 = tpu.memref_squeeze %dma_wait3A_75 : memref<1x1x16384xi32, #tpu.memory_space<hbm>> -> memref<16384xi32, #tpu.memory_space<hbm>>
        tpu.wait_dma2 semaphore(%run_scoped3A_66 : memref<!tpu.dma_semaphore, #tpu.memory_space<semaphore_mem>>) src(%dma_wait3A_76 : memref<16384xi32, #tpu.memory_space<hbm>>) dst(%arg6 : memref<16384xi32, #tpu.memory_space<vmem>>)
        tpu.yield
      }) : () -> ()
      %scan3A_36 = arith.constant 0 : i32
      %scan3A_37 = arith.constant 0 : i32
      %scan3A_38 = arith.constant 1024 : i32
      %scan3A_39 = arith.addi %scan3A_37, %scan3A_38 : i32
      %scan3A_40 = arith.constant 1 : i32
      %scan3A_41 = scf.for %scan3A_66 = %scan3A_37 to %scan3A_39 step %scan3A_40 iter_args(%scan3A_67 = %scan3A_36) -> (i32)  : i32 {
        %mul3A_68 = arith.constant 16 : i32
        %mul3A_69 = arith.muli %scan3A_66, %mul3A_68 : i32
        %get3A = arith.index_cast %mul3A_69 : i32 to index
        %get3A_70 = tpu.vector_load %arg6[%get3A] {strides = array<i32>} : memref<16384xi32, #tpu.memory_space<vmem>>, vector<16xi32>,
        %add3A_71 = arith.addi %get3A_70, %mul3A_3 : vector<16xi32>
        %add3A_72 = arith.constant 1024 : i32
        %add3A_73 = arith.addi %add3A_72, %scan3A_66 : i32
        %mul3A_74 = arith.constant 16 : i32
        %mul3A_75 = arith.muli %add3A_73, %mul3A_74 : i32
        %get3A_76 = arith.index_cast %mul3A_75 : i32 to index
        %get3A_77 = tpu.vector_load %arg5[%get3A_76] {strides = array<i32>} : memref<65536xf32, #tpu.memory_space<vmem>>, vector<16xf32>,
        tpu.vector_store_idx %arg7[%add3A_71], %get3A_77 {add = true} : memref<4096xf32, #tpu.memory_space<vmem>>[vector<16xi32>], vector<16xf32>,
        %scan3A_78 = arith.constant 0 : i32
        scf.yield %scan3A_78 : i32
      }
      %scan3A_42 = arith.constant 1024 : i32
      %run_scoped3A_43 = arith.constant 2 : i32
      "tpu.region"() ({
        %run_scoped3A_66 = tpu.sem_alloc : memref<!tpu.dma_semaphore, #tpu.memory_space<semaphore_mem>>
        %dma_start3A = arith.constant 0 : i32
        %dma_start3A_67 = tpu.memref_slice %arg3[%add3A_16, %run_scoped3A_43, %dma_start3A] : memref<90x4x16384xi32, #tpu.memory_space<hbm>> -> memref<1x1x16384xi32, #tpu.memory_space<hbm>>
        %dma_start3A_68 = tpu.memref_squeeze %dma_start3A_67 : memref<1x1x16384xi32, #tpu.memory_space<hbm>> -> memref<16384xi32, #tpu.memory_space<hbm>>
        %dma_start3A_69 = arith.constant 0 : i32
        %dma_start3A_70 = tpu.memref_slice %arg3[%add3A_16, %run_scoped3A_43, %dma_start3A_69] : memref<90x4x16384xi32, #tpu.memory_space<hbm>> -> memref<1x1x16384xi32, #tpu.memory_space<hbm>>
        %dma_start3A_71 = tpu.memref_squeeze %dma_start3A_70 : memref<1x1x16384xi32, #tpu.memory_space<hbm>> -> memref<16384xi32, #tpu.memory_space<hbm>>
        tpu.enqueue_dma source(%dma_start3A_71 : memref<16384xi32, #tpu.memory_space<hbm>>) target(%arg6 : memref<16384xi32, #tpu.memory_space<vmem>>) target_semaphore(%run_scoped3A_66 : memref<!tpu.dma_semaphore, #tpu.memory_space<semaphore_mem>>)
        %dma_wait3A = arith.constant 0 : i32
        %dma_wait3A_72 = tpu.memref_slice %arg3[%add3A_16, %run_scoped3A_43, %dma_wait3A] : memref<90x4x16384xi32, #tpu.memory_space<hbm>> -> memref<1x1x16384xi32, #tpu.memory_space<hbm>>
        %dma_wait3A_73 = tpu.memref_squeeze %dma_wait3A_72 : memref<1x1x16384xi32, #tpu.memory_space<hbm>> -> memref<16384xi32, #tpu.memory_space<hbm>>
        %dma_wait3A_74 = arith.constant 0 : i32
        %dma_wait3A_75 = tpu.memref_slice %arg3[%add3A_16, %run_scoped3A_43, %dma_wait3A_74] : memref<90x4x16384xi32, #tpu.memory_space<hbm>> -> memref<1x1x16384xi32, #tpu.memory_space<hbm>>
        %dma_wait3A_76 = tpu.memref_squeeze %dma_wait3A_75 : memref<1x1x16384xi32, #tpu.memory_space<hbm>> -> memref<16384xi32, #tpu.memory_space<hbm>>
        tpu.wait_dma2 semaphore(%run_scoped3A_66 : memref<!tpu.dma_semaphore, #tpu.memory_space<semaphore_mem>>) src(%dma_wait3A_76 : memref<16384xi32, #tpu.memory_space<hbm>>) dst(%arg6 : memref<16384xi32, #tpu.memory_space<vmem>>)
        tpu.yield
      }) : () -> ()
      %scan3A_44 = arith.constant 0 : i32
      %scan3A_45 = arith.constant 0 : i32
      %scan3A_46 = arith.constant 1024 : i32
      %scan3A_47 = arith.addi %scan3A_45, %scan3A_46 : i32
      %scan3A_48 = arith.constant 1 : i32
      %scan3A_49 = scf.for %scan3A_66 = %scan3A_45 to %scan3A_47 step %scan3A_48 iter_args(%scan3A_67 = %scan3A_44) -> (i32)  : i32 {
        %mul3A_68 = arith.constant 16 : i32
        %mul3A_69 = arith.muli %scan3A_66, %mul3A_68 : i32
        %get3A = arith.index_cast %mul3A_69 : i32 to index
        %get3A_70 = tpu.vector_load %arg6[%get3A] {strides = array<i32>} : memref<16384xi32, #tpu.memory_space<vmem>>, vector<16xi32>,
        %add3A_71 = arith.addi %get3A_70, %mul3A_3 : vector<16xi32>
        %add3A_72 = arith.constant 2048 : i32
        %add3A_73 = arith.addi %add3A_72, %scan3A_66 : i32
        %mul3A_74 = arith.constant 16 : i32
        %mul3A_75 = arith.muli %add3A_73, %mul3A_74 : i32
        %get3A_76 = arith.index_cast %mul3A_75 : i32 to index
        %get3A_77 = tpu.vector_load %arg5[%get3A_76] {strides = array<i32>} : memref<65536xf32, #tpu.memory_space<vmem>>, vector<16xf32>,
        tpu.vector_store_idx %arg7[%add3A_71], %get3A_77 {add = true} : memref<4096xf32, #tpu.memory_space<vmem>>[vector<16xi32>], vector<16xf32>,
        %scan3A_78 = arith.constant 0 : i32
        scf.yield %scan3A_78 : i32
      }
      %scan3A_50 = arith.constant 1024 : i32
      %run_scoped3A_51 = arith.constant 3 : i32
      "tpu.region"() ({
        %run_scoped3A_66 = tpu.sem_alloc : memref<!tpu.dma_semaphore, #tpu.memory_space<semaphore_mem>>
        %dma_start3A = arith.constant 0 : i32
        %dma_start3A_67 = tpu.memref_slice %arg3[%add3A_16, %run_scoped3A_51, %dma_start3A] : memref<90x4x16384xi32, #tpu.memory_space<hbm>> -> memref<1x1x16384xi32, #tpu.memory_space<hbm>>
        %dma_start3A_68 = tpu.memref_squeeze %dma_start3A_67 : memref<1x1x16384xi32, #tpu.memory_space<hbm>> -> memref<16384xi32, #tpu.memory_space<hbm>>
        %dma_start3A_69 = arith.constant 0 : i32
        %dma_start3A_70 = tpu.memref_slice %arg3[%add3A_16, %run_scoped3A_51, %dma_start3A_69] : memref<90x4x16384xi32, #tpu.memory_space<hbm>> -> memref<1x1x16384xi32, #tpu.memory_space<hbm>>
        %dma_start3A_71 = tpu.memref_squeeze %dma_start3A_70 : memref<1x1x16384xi32, #tpu.memory_space<hbm>> -> memref<16384xi32, #tpu.memory_space<hbm>>
        tpu.enqueue_dma source(%dma_start3A_71 : memref<16384xi32, #tpu.memory_space<hbm>>) target(%arg6 : memref<16384xi32, #tpu.memory_space<vmem>>) target_semaphore(%run_scoped3A_66 : memref<!tpu.dma_semaphore, #tpu.memory_space<semaphore_mem>>)
        %dma_wait3A = arith.constant 0 : i32
        %dma_wait3A_72 = tpu.memref_slice %arg3[%add3A_16, %run_scoped3A_51, %dma_wait3A] : memref<90x4x16384xi32, #tpu.memory_space<hbm>> -> memref<1x1x16384xi32, #tpu.memory_space<hbm>>
        %dma_wait3A_73 = tpu.memref_squeeze %dma_wait3A_72 : memref<1x1x16384xi32, #tpu.memory_space<hbm>> -> memref<16384xi32, #tpu.memory_space<hbm>>
        %dma_wait3A_74 = arith.constant 0 : i32
        %dma_wait3A_75 = tpu.memref_slice %arg3[%add3A_16, %run_scoped3A_51, %dma_wait3A_74] : memref<90x4x16384xi32, #tpu.memory_space<hbm>> -> memref<1x1x16384xi32, #tpu.memory_space<hbm>>
        %dma_wait3A_76 = tpu.memref_squeeze %dma_wait3A_75 : memref<1x1x16384xi32, #tpu.memory_space<hbm>> -> memref<16384xi32, #tpu.memory_space<hbm>>
        tpu.wait_dma2 semaphore(%run_scoped3A_66 : memref<!tpu.dma_semaphore, #tpu.memory_space<semaphore_mem>>) src(%dma_wait3A_76 : memref<16384xi32, #tpu.memory_space<hbm>>) dst(%arg6 : memref<16384xi32, #tpu.memory_space<vmem>>)
        tpu.yield
      }) : () -> ()
      %scan3A_52 = arith.constant 0 : i32
      %scan3A_53 = arith.constant 0 : i32
      %scan3A_54 = arith.constant 1024 : i32
      %scan3A_55 = arith.addi %scan3A_53, %scan3A_54 : i32
      %scan3A_56 = arith.constant 1 : i32
      %scan3A_57 = scf.for %scan3A_66 = %scan3A_53 to %scan3A_55 step %scan3A_56 iter_args(%scan3A_67 = %scan3A_52) -> (i32)  : i32 {
        %mul3A_68 = arith.constant 16 : i32
        %mul3A_69 = arith.muli %scan3A_66, %mul3A_68 : i32
        %get3A = arith.index_cast %mul3A_69 : i32 to index
        %get3A_70 = tpu.vector_load %arg6[%get3A] {strides = array<i32>} : memref<16384xi32, #tpu.memory_space<vmem>>, vector<16xi32>,
        %add3A_71 = arith.addi %get3A_70, %mul3A_3 : vector<16xi32>
        %add3A_72 = arith.constant 3072 : i32
        %add3A_73 = arith.addi %add3A_72, %scan3A_66 : i32
        %mul3A_74 = arith.constant 16 : i32
        %mul3A_75 = arith.muli %add3A_73, %mul3A_74 : i32
        %get3A_76 = arith.index_cast %mul3A_75 : i32 to index
        %get3A_77 = tpu.vector_load %arg5[%get3A_76] {strides = array<i32>} : memref<65536xf32, #tpu.memory_space<vmem>>, vector<16xf32>,
        tpu.vector_store_idx %arg7[%add3A_71], %get3A_77 {add = true} : memref<4096xf32, #tpu.memory_space<vmem>>[vector<16xi32>], vector<16xf32>,
        %scan3A_78 = arith.constant 0 : i32
        scf.yield %scan3A_78 : i32
      }
      %scan3A_58 = arith.constant 1024 : i32
      %scan3A_59 = arith.constant 0 : i32
      %scan3A_60 = arith.constant 0 : i32
      %scan3A_61 = arith.constant 16 : i32
      %scan3A_62 = arith.addi %scan3A_60, %scan3A_61 : i32
      %scan3A_63 = arith.constant 1 : i32
      %scan3A_64 = scf.for %scan3A_66 = %scan3A_60 to %scan3A_62 step %scan3A_63 iter_args(%scan3A_67 = %scan3A_59) -> (i32)  : i32 {
        %mul3A_68 = arith.constant 16 : i32
        %mul3A_69 = arith.muli %scan3A_66, %mul3A_68 : i32
        %get3A = arith.index_cast %mul3A_69 : i32 to index
        %get3A_70 = tpu.vector_load %arg7[%get3A] {strides = array<i32>} : memref<4096xf32, #tpu.memory_space<vmem>>, vector<16xf32>,
        %mul3A_71 = arith.constant 16 : i32
        %mul3A_72 = arith.muli %scan3A_66, %mul3A_71 : i32
        %add3A_73 = arith.constant 256 : i32
        %add3A_74 = arith.addi %add3A_73, %mul3A_72 : i32
        %get3A_75 = arith.index_cast %add3A_74 : i32 to index
        %get3A_76 = tpu.vector_load %arg7[%get3A_75] {strides = array<i32>} : memref<4096xf32, #tpu.memory_space<vmem>>, vector<16xf32>,
        %add3A_77 = arith.addf %get3A_70, %get3A_76 : vector<16xf32>
        %mul3A_78 = arith.constant 16 : i32
        %mul3A_79 = arith.muli %scan3A_66, %mul3A_78 : i32
        %add3A_80 = arith.constant 512 : i32
        %add3A_81 = arith.addi %add3A_80, %mul3A_79 : i32
        %get3A_82 = arith.index_cast %add3A_81 : i32 to index
        %get3A_83 = tpu.vector_load %arg7[%get3A_82] {strides = array<i32>} : memref<4096xf32, #tpu.memory_space<vmem>>, vector<16xf32>,
        %add3A_84 = arith.addf %add3A_77, %get3A_83 : vector<16xf32>
        %mul3A_85 = arith.constant 16 : i32
        %mul3A_86 = arith.muli %scan3A_66, %mul3A_85 : i32
        %add3A_87 = arith.constant 768 : i32
        %add3A_88 = arith.addi %add3A_87, %mul3A_86 : i32
        %get3A_89 = arith.index_cast %add3A_88 : i32 to index
        %get3A_90 = tpu.vector_load %arg7[%get3A_89] {strides = array<i32>} : memref<4096xf32, #tpu.memory_space<vmem>>, vector<16xf32>,
        %add3A_91 = arith.addf %add3A_84, %get3A_90 : vector<16xf32>
        %mul3A_92 = arith.constant 16 : i32
        %mul3A_93 = arith.muli %scan3A_66, %mul3A_92 : i32
        %add3A_94 = arith.constant 1024 : i32
        %add3A_95 = arith.addi %add3A_94, %mul3A_93 : i32
        %get3A_96 = arith.index_cast %add3A_95 : i32 to index
        %get3A_97 = tpu.vector_load %arg7[%get3A_96] {strides = array<i32>} : memref<4096xf32, #tpu.memory_space<vmem>>, vector<16xf32>,
        %add3A_98 = arith.addf %add3A_91, %get3A_97 : vector<16xf32>
        %mul3A_99 = arith.constant 16 : i32
        %mul3A_100 = arith.muli %scan3A_66, %mul3A_99 : i32
        %add3A_101 = arith.constant 1280 : i32
        %add3A_102 = arith.addi %add3A_101, %mul3A_100 : i32
        %get3A_103 = arith.index_cast %add3A_102 : i32 to index
        %get3A_104 = tpu.vector_load %arg7[%get3A_103] {strides = array<i32>} : memref<4096xf32, #tpu.memory_space<vmem>>, vector<16xf32>,
        %add3A_105 = arith.addf %add3A_98, %get3A_104 : vector<16xf32>
        %mul3A_106 = arith.constant 16 : i32
        %mul3A_107 = arith.muli %scan3A_66, %mul3A_106 : i32
        %add3A_108 = arith.constant 1536 : i32
        %add3A_109 = arith.addi %add3A_108, %mul3A_107 : i32
        %get3A_110 = arith.index_cast %add3A_109 : i32 to index
        %get3A_111 = tpu.vector_load %arg7[%get3A_110] {strides = array<i32>} : memref<4096xf32, #tpu.memory_space<vmem>>, vector<16xf32>,
        %add3A_112 = arith.addf %add3A_105, %get3A_111 : vector<16xf32>
        %mul3A_113 = arith.constant 16 : i32
        %mul3A_114 = arith.muli %scan3A_66, %mul3A_113 : i32
        %add3A_115 = arith.constant 1792 : i32
        %add3A_116 = arith.addi %add3A_115, %mul3A_114 : i32
        %get3A_117 = arith.index_cast %add3A_116 : i32 to index
        %get3A_118 = tpu.vector_load %arg7[%get3A_117] {strides = array<i32>} : memref<4096xf32, #tpu.memory_space<vmem>>, vector<16xf32>,
        %add3A_119 = arith.addf %add3A_112, %get3A_118 : vector<16xf32>
        %mul3A_120 = arith.constant 16 : i32
        %mul3A_121 = arith.muli %scan3A_66, %mul3A_120 : i32
        %add3A_122 = arith.constant 2048 : i32
        %add3A_123 = arith.addi %add3A_122, %mul3A_121 : i32
        %get3A_124 = arith.index_cast %add3A_123 : i32 to index
        %get3A_125 = tpu.vector_load %arg7[%get3A_124] {strides = array<i32>} : memref<4096xf32, #tpu.memory_space<vmem>>, vector<16xf32>,
        %add3A_126 = arith.addf %add3A_119, %get3A_125 : vector<16xf32>
        %mul3A_127 = arith.constant 16 : i32
        %mul3A_128 = arith.muli %scan3A_66, %mul3A_127 : i32
        %add3A_129 = arith.constant 2304 : i32
        %add3A_130 = arith.addi %add3A_129, %mul3A_128 : i32
        %get3A_131 = arith.index_cast %add3A_130 : i32 to index
        %get3A_132 = tpu.vector_load %arg7[%get3A_131] {strides = array<i32>} : memref<4096xf32, #tpu.memory_space<vmem>>, vector<16xf32>,
        %add3A_133 = arith.addf %add3A_126, %get3A_132 : vector<16xf32>
        %mul3A_134 = arith.constant 16 : i32
        %mul3A_135 = arith.muli %scan3A_66, %mul3A_134 : i32
        %add3A_136 = arith.constant 2560 : i32
        %add3A_137 = arith.addi %add3A_136, %mul3A_135 : i32
        %get3A_138 = arith.index_cast %add3A_137 : i32 to index
        %get3A_139 = tpu.vector_load %arg7[%get3A_138] {strides = array<i32>} : memref<4096xf32, #tpu.memory_space<vmem>>, vector<16xf32>,
        %add3A_140 = arith.addf %add3A_133, %get3A_139 : vector<16xf32>
        %mul3A_141 = arith.constant 16 : i32
        %mul3A_142 = arith.muli %scan3A_66, %mul3A_141 : i32
        %add3A_143 = arith.constant 2816 : i32
        %add3A_144 = arith.addi %add3A_143, %mul3A_142 : i32
        %get3A_145 = arith.index_cast %add3A_144 : i32 to index
        %get3A_146 = tpu.vector_load %arg7[%get3A_145] {strides = array<i32>} : memref<4096xf32, #tpu.memory_space<vmem>>, vector<16xf32>,
        %add3A_147 = arith.addf %add3A_140, %get3A_146 : vector<16xf32>
        %mul3A_148 = arith.constant 16 : i32
        %mul3A_149 = arith.muli %scan3A_66, %mul3A_148 : i32
        %add3A_150 = arith.constant 3072 : i32
        %add3A_151 = arith.addi %add3A_150, %mul3A_149 : i32
        %get3A_152 = arith.index_cast %add3A_151 : i32 to index
        %get3A_153 = tpu.vector_load %arg7[%get3A_152] {strides = array<i32>} : memref<4096xf32, #tpu.memory_space<vmem>>, vector<16xf32>,
        %add3A_154 = arith.addf %add3A_147, %get3A_153 : vector<16xf32>
        %mul3A_155 = arith.constant 16 : i32
        %mul3A_156 = arith.muli %scan3A_66, %mul3A_155 : i32
        %add3A_157 = arith.constant 3328 : i32
        %add3A_158 = arith.addi %add3A_157, %mul3A_156 : i32
        %get3A_159 = arith.index_cast %add3A_158 : i32 to index
        %get3A_160 = tpu.vector_load %arg7[%get3A_159] {strides = array<i32>} : memref<4096xf32, #tpu.memory_space<vmem>>, vector<16xf32>,
        %add3A_161 = arith.addf %add3A_154, %get3A_160 : vector<16xf32>
        %mul3A_162 = arith.constant 16 : i32
        %mul3A_163 = arith.muli %scan3A_66, %mul3A_162 : i32
        %add3A_164 = arith.constant 3584 : i32
        %add3A_165 = arith.addi %add3A_164, %mul3A_163 : i32
        %get3A_166 = arith.index_cast %add3A_165 : i32 to index
        %get3A_167 = tpu.vector_load %arg7[%get3A_166] {strides = array<i32>} : memref<4096xf32, #tpu.memory_space<vmem>>, vector<16xf32>,
        %add3A_168 = arith.addf %add3A_161, %get3A_167 : vector<16xf32>
        %mul3A_169 = arith.constant 16 : i32
        %mul3A_170 = arith.muli %scan3A_66, %mul3A_169 : i32
        %add3A_171 = arith.constant 3840 : i32
        %add3A_172 = arith.addi %add3A_171, %mul3A_170 : i32
        %get3A_173 = arith.index_cast %add3A_172 : i32 to index
        %get3A_174 = tpu.vector_load %arg7[%get3A_173] {strides = array<i32>} : memref<4096xf32, #tpu.memory_space<vmem>>, vector<16xf32>,
        %add3A_175 = arith.addf %add3A_168, %get3A_174 : vector<16xf32>
        %mul3A_176 = arith.constant 16 : i32
        %mul3A_177 = arith.muli %scan3A_66, %mul3A_176 : i32
        %swap3A = arith.index_cast %mul3A_177 : i32 to index
        %swap3A_178 = tpu.vector_load %arg8[%swap3A] {strides = array<i32>} : memref<256xf32, #tpu.memory_space<vmem>>, vector<16xf32>,
        tpu.vector_store %arg8[%swap3A], %add3A_175 {strides = array<i32>} : memref<256xf32, #tpu.memory_space<vmem>>, vector<16xf32>,
        %scan3A_179 = arith.constant 0 : i32
        scf.yield %scan3A_179 : i32
      }
      %scan3A_65 = arith.constant 16 : i32
      "tpu.region"() ({
        %run_scoped3A_66 = tpu.sem_alloc : memref<!tpu.dma_semaphore, #tpu.memory_space<semaphore_mem>>
        %dma_start3A = arith.constant 0 : i32
        %dma_start3A_67 = tpu.memref_slice %arg4[%add3A_16, %dma_start3A] : memref<90x256xf32, #tpu.memory_space<hbm>> -> memref<1x256xf32, #tpu.memory_space<hbm>>
        %dma_start3A_68 = tpu.memref_squeeze %dma_start3A_67 : memref<1x256xf32, #tpu.memory_space<hbm>> -> memref<256xf32, #tpu.memory_space<hbm>>
        %dma_start3A_69 = arith.constant 0 : i32
        %dma_start3A_70 = tpu.memref_slice %arg4[%add3A_16, %dma_start3A_69] : memref<90x256xf32, #tpu.memory_space<hbm>> -> memref<1x256xf32, #tpu.memory_space<hbm>>
        %dma_start3A_71 = tpu.memref_squeeze %dma_start3A_70 : memref<1x256xf32, #tpu.memory_space<hbm>> -> memref<256xf32, #tpu.memory_space<hbm>>
        tpu.enqueue_dma source(%arg8 : memref<256xf32, #tpu.memory_space<vmem>>) target(%dma_start3A_71 : memref<256xf32, #tpu.memory_space<hbm>>) target_semaphore(%run_scoped3A_66 : memref<!tpu.dma_semaphore, #tpu.memory_space<semaphore_mem>>)
        %dma_wait3A = arith.constant 0 : i32
        %dma_wait3A_72 = tpu.memref_slice %arg4[%add3A_16, %dma_wait3A] : memref<90x256xf32, #tpu.memory_space<hbm>> -> memref<1x256xf32, #tpu.memory_space<hbm>>
        %dma_wait3A_73 = tpu.memref_squeeze %dma_wait3A_72 : memref<1x256xf32, #tpu.memory_space<hbm>> -> memref<256xf32, #tpu.memory_space<hbm>>
        %dma_wait3A_74 = arith.constant 0 : i32
        %dma_wait3A_75 = tpu.memref_slice %arg4[%add3A_16, %dma_wait3A_74] : memref<90x256xf32, #tpu.memory_space<hbm>> -> memref<1x256xf32, #tpu.memory_space<hbm>>
        %dma_wait3A_76 = tpu.memref_squeeze %dma_wait3A_75 : memref<1x256xf32, #tpu.memory_space<hbm>> -> memref<256xf32, #tpu.memory_space<hbm>>
        tpu.wait_dma2 semaphore(%run_scoped3A_66 : memref<!tpu.dma_semaphore, #tpu.memory_space<semaphore_mem>>) src(%arg8 : memref<256xf32, #tpu.memory_space<vmem>>) dst(%dma_wait3A_76 : memref<256xf32, #tpu.memory_space<hbm>>)
        tpu.yield
      }) : () -> ()
    } else {
    }
    return
  }
}

#map = affine_map<(d0, d1) -> (0)>
#map1 = affine_map<(d0, d1) -> (0, 0, 0)>
#map2 = affine_map<(d0, d1) -> (0, 0)>
module attributes {stable_mosaic.version = 14 : i64} {
  func.func @_pass_gather_b(%arg0: i32, %arg1: i32, %arg2: memref<23040xf32, #tpu.memory_space<hbm>>, %arg3: memref<32x8x23040xi32, #tpu.memory_space<hbm>>, %arg4: memref<32x2048xf32, #tpu.memory_space<hbm>>, %arg5: memref<23040xf32, #tpu.memory_space<vmem>>, %arg6: memref<23040xi32, #tpu.memory_space<vmem>>, %arg7: memref<2048xf32, #tpu.memory_space<vmem>>) attributes {dimension_semantics = [#tpu.dimension_semantics<core_parallel>, #tpu.dimension_semantics<subcore_parallel>], iteration_bounds = array<i64: 2, 16>, scalar_prefetch = 0 : i64, scratch_operands = 3 : i64, tpu.core_type = #tpu.core_type<sc_vector_subcore>, window_params = [{transform_indices = #map}, {transform_indices = #map1}, {transform_indices = #map2}]} {
    %mul3A = arith.constant 2 : i32
    %mul3A_0 = arith.muli %arg1, %mul3A : i32
    %add3A = arith.addi %mul3A_0, %arg0 : i32
    "tpu.region"() ({
      %run_scoped3A_63 = tpu.sem_alloc : memref<!tpu.dma_semaphore, #tpu.memory_space<semaphore_mem>>
      tpu.enqueue_dma source(%arg2 : memref<23040xf32, #tpu.memory_space<hbm>>) target(%arg5 : memref<23040xf32, #tpu.memory_space<vmem>>) target_semaphore(%run_scoped3A_63 : memref<!tpu.dma_semaphore, #tpu.memory_space<semaphore_mem>>)
      tpu.wait_dma2 semaphore(%run_scoped3A_63 : memref<!tpu.dma_semaphore, #tpu.memory_space<semaphore_mem>>) src(%arg2 : memref<23040xf32, #tpu.memory_space<hbm>>) dst(%arg5 : memref<23040xf32, #tpu.memory_space<vmem>>)
      tpu.yield
    }) : () -> ()
    %run_scoped3A = arith.constant 0 : i32
    "tpu.region"() ({
      %run_scoped3A_63 = tpu.sem_alloc : memref<!tpu.dma_semaphore, #tpu.memory_space<semaphore_mem>>
      %dma_start3A = arith.constant 0 : i32
      %dma_start3A_64 = tpu.memref_slice %arg3[%add3A, %run_scoped3A, %dma_start3A] : memref<32x8x23040xi32, #tpu.memory_space<hbm>> -> memref<1x1x23040xi32, #tpu.memory_space<hbm>>
      %dma_start3A_65 = tpu.memref_squeeze %dma_start3A_64 : memref<1x1x23040xi32, #tpu.memory_space<hbm>> -> memref<23040xi32, #tpu.memory_space<hbm>>
      %dma_start3A_66 = arith.constant 0 : i32
      %dma_start3A_67 = tpu.memref_slice %arg3[%add3A, %run_scoped3A, %dma_start3A_66] : memref<32x8x23040xi32, #tpu.memory_space<hbm>> -> memref<1x1x23040xi32, #tpu.memory_space<hbm>>
      %dma_start3A_68 = tpu.memref_squeeze %dma_start3A_67 : memref<1x1x23040xi32, #tpu.memory_space<hbm>> -> memref<23040xi32, #tpu.memory_space<hbm>>
      tpu.enqueue_dma source(%dma_start3A_68 : memref<23040xi32, #tpu.memory_space<hbm>>) target(%arg6 : memref<23040xi32, #tpu.memory_space<vmem>>) target_semaphore(%run_scoped3A_63 : memref<!tpu.dma_semaphore, #tpu.memory_space<semaphore_mem>>)
      %dma_wait3A = arith.constant 0 : i32
      %dma_wait3A_69 = tpu.memref_slice %arg3[%add3A, %run_scoped3A, %dma_wait3A] : memref<32x8x23040xi32, #tpu.memory_space<hbm>> -> memref<1x1x23040xi32, #tpu.memory_space<hbm>>
      %dma_wait3A_70 = tpu.memref_squeeze %dma_wait3A_69 : memref<1x1x23040xi32, #tpu.memory_space<hbm>> -> memref<23040xi32, #tpu.memory_space<hbm>>
      %dma_wait3A_71 = arith.constant 0 : i32
      %dma_wait3A_72 = tpu.memref_slice %arg3[%add3A, %run_scoped3A, %dma_wait3A_71] : memref<32x8x23040xi32, #tpu.memory_space<hbm>> -> memref<1x1x23040xi32, #tpu.memory_space<hbm>>
      %dma_wait3A_73 = tpu.memref_squeeze %dma_wait3A_72 : memref<1x1x23040xi32, #tpu.memory_space<hbm>> -> memref<23040xi32, #tpu.memory_space<hbm>>
      tpu.wait_dma2 semaphore(%run_scoped3A_63 : memref<!tpu.dma_semaphore, #tpu.memory_space<semaphore_mem>>) src(%dma_wait3A_73 : memref<23040xi32, #tpu.memory_space<hbm>>) dst(%arg6 : memref<23040xi32, #tpu.memory_space<vmem>>)
      tpu.yield
    }) : () -> ()
    %scan3A = arith.constant 0 : i32
    %scan3A_1 = arith.constant 0 : i32
    %scan3A_2 = arith.constant 16 : i32
    %scan3A_3 = arith.addi %scan3A_1, %scan3A_2 : i32
    %scan3A_4 = arith.constant 1 : i32
    %scan3A_5 = scf.for %scan3A_63 = %scan3A_1 to %scan3A_3 step %scan3A_4 iter_args(%scan3A_64 = %scan3A) -> (i32)  : i32 {
      %broadcast_in_dim3A = arith.constant 0.000000e+00 : f32
      %broadcast_in_dim3A_65 = vector.broadcast %broadcast_in_dim3A : f32 to vector<16xf32>
      %scan3A_66 = arith.constant 0 : i32
      %scan3A_67 = arith.constant 90 : i32
      %scan3A_68 = arith.addi %scan3A_66, %scan3A_67 : i32
      %scan3A_69 = arith.constant 1 : i32
      %scan3A_70 = scf.for %scan3A_81 = %scan3A_66 to %scan3A_68 step %scan3A_69 iter_args(%scan3A_82 = %broadcast_in_dim3A_65) -> (vector<16xf32>)  : i32 {
        %mul3A_83 = arith.constant 90 : i32
        %mul3A_84 = arith.muli %scan3A_63, %mul3A_83 : i32
        %add3A_85 = arith.addi %mul3A_84, %scan3A_81 : i32
        %mul3A_86 = arith.constant 16 : i32
        %mul3A_87 = arith.muli %add3A_85, %mul3A_86 : i32
        %get3A = arith.index_cast %mul3A_87 : i32 to index
        %get3A_88 = tpu.vector_load %arg6[%get3A] {strides = array<i32>} : memref<23040xi32, #tpu.memory_space<vmem>>, vector<16xi32>,
        %gather3A = tpu.vector_load_idx %arg5[%get3A_88] : memref<23040xf32, #tpu.memory_space<vmem>>[vector<16xi32>], vector<16xf32>,
        %add3A_89 = arith.addf %scan3A_82, %gather3A : vector<16xf32>
        scf.yield %add3A_89 : vector<16xf32>
      }
      %scan3A_71 = arith.constant 90 : i32
      %mul3A_72 = arith.constant 0.0111111114 : f32
      %mul3A_73 = vector.broadcast %mul3A_72 : f32 to vector<16xf32>
      %mul3A_74 = arith.mulf %scan3A_70, %mul3A_73 : vector<16xf32>
      %add3A_75 = arith.constant 0 : i32
      %add3A_76 = arith.addi %add3A_75, %scan3A_63 : i32
      %mul3A_77 = arith.constant 16 : i32
      %mul3A_78 = arith.muli %add3A_76, %mul3A_77 : i32
      %swap3A = arith.index_cast %mul3A_78 : i32 to index
      %swap3A_79 = tpu.vector_load %arg7[%swap3A] {strides = array<i32>} : memref<2048xf32, #tpu.memory_space<vmem>>, vector<16xf32>,
      tpu.vector_store %arg7[%swap3A], %mul3A_74 {strides = array<i32>} : memref<2048xf32, #tpu.memory_space<vmem>>, vector<16xf32>,
      %scan3A_80 = arith.constant 0 : i32
      scf.yield %scan3A_80 : i32
    }
    %scan3A_6 = arith.constant 16 : i32
    %run_scoped3A_7 = arith.constant 1 : i32
    "tpu.region"() ({
      %run_scoped3A_63 = tpu.sem_alloc : memref<!tpu.dma_semaphore, #tpu.memory_space<semaphore_mem>>
      %dma_start3A = arith.constant 0 : i32
      %dma_start3A_64 = tpu.memref_slice %arg3[%add3A, %run_scoped3A_7, %dma_start3A] : memref<32x8x23040xi32, #tpu.memory_space<hbm>> -> memref<1x1x23040xi32, #tpu.memory_space<hbm>>
      %dma_start3A_65 = tpu.memref_squeeze %dma_start3A_64 : memref<1x1x23040xi32, #tpu.memory_space<hbm>> -> memref<23040xi32, #tpu.memory_space<hbm>>
      %dma_start3A_66 = arith.constant 0 : i32
      %dma_start3A_67 = tpu.memref_slice %arg3[%add3A, %run_scoped3A_7, %dma_start3A_66] : memref<32x8x23040xi32, #tpu.memory_space<hbm>> -> memref<1x1x23040xi32, #tpu.memory_space<hbm>>
      %dma_start3A_68 = tpu.memref_squeeze %dma_start3A_67 : memref<1x1x23040xi32, #tpu.memory_space<hbm>> -> memref<23040xi32, #tpu.memory_space<hbm>>
      tpu.enqueue_dma source(%dma_start3A_68 : memref<23040xi32, #tpu.memory_space<hbm>>) target(%arg6 : memref<23040xi32, #tpu.memory_space<vmem>>) target_semaphore(%run_scoped3A_63 : memref<!tpu.dma_semaphore, #tpu.memory_space<semaphore_mem>>)
      %dma_wait3A = arith.constant 0 : i32
      %dma_wait3A_69 = tpu.memref_slice %arg3[%add3A, %run_scoped3A_7, %dma_wait3A] : memref<32x8x23040xi32, #tpu.memory_space<hbm>> -> memref<1x1x23040xi32, #tpu.memory_space<hbm>>
      %dma_wait3A_70 = tpu.memref_squeeze %dma_wait3A_69 : memref<1x1x23040xi32, #tpu.memory_space<hbm>> -> memref<23040xi32, #tpu.memory_space<hbm>>
      %dma_wait3A_71 = arith.constant 0 : i32
      %dma_wait3A_72 = tpu.memref_slice %arg3[%add3A, %run_scoped3A_7, %dma_wait3A_71] : memref<32x8x23040xi32, #tpu.memory_space<hbm>> -> memref<1x1x23040xi32, #tpu.memory_space<hbm>>
      %dma_wait3A_73 = tpu.memref_squeeze %dma_wait3A_72 : memref<1x1x23040xi32, #tpu.memory_space<hbm>> -> memref<23040xi32, #tpu.memory_space<hbm>>
      tpu.wait_dma2 semaphore(%run_scoped3A_63 : memref<!tpu.dma_semaphore, #tpu.memory_space<semaphore_mem>>) src(%dma_wait3A_73 : memref<23040xi32, #tpu.memory_space<hbm>>) dst(%arg6 : memref<23040xi32, #tpu.memory_space<vmem>>)
      tpu.yield
    }) : () -> ()
    %scan3A_8 = arith.constant 0 : i32
    %scan3A_9 = arith.constant 0 : i32
    %scan3A_10 = arith.constant 16 : i32
    %scan3A_11 = arith.addi %scan3A_9, %scan3A_10 : i32
    %scan3A_12 = arith.constant 1 : i32
    %scan3A_13 = scf.for %scan3A_63 = %scan3A_9 to %scan3A_11 step %scan3A_12 iter_args(%scan3A_64 = %scan3A_8) -> (i32)  : i32 {
      %broadcast_in_dim3A = arith.constant 0.000000e+00 : f32
      %broadcast_in_dim3A_65 = vector.broadcast %broadcast_in_dim3A : f32 to vector<16xf32>
      %scan3A_66 = arith.constant 0 : i32
      %scan3A_67 = arith.constant 90 : i32
      %scan3A_68 = arith.addi %scan3A_66, %scan3A_67 : i32
      %scan3A_69 = arith.constant 1 : i32
      %scan3A_70 = scf.for %scan3A_81 = %scan3A_66 to %scan3A_68 step %scan3A_69 iter_args(%scan3A_82 = %broadcast_in_dim3A_65) -> (vector<16xf32>)  : i32 {
        %mul3A_83 = arith.constant 90 : i32
        %mul3A_84 = arith.muli %scan3A_63, %mul3A_83 : i32
        %add3A_85 = arith.addi %mul3A_84, %scan3A_81 : i32
        %mul3A_86 = arith.constant 16 : i32
        %mul3A_87 = arith.muli %add3A_85, %mul3A_86 : i32
        %get3A = arith.index_cast %mul3A_87 : i32 to index
        %get3A_88 = tpu.vector_load %arg6[%get3A] {strides = array<i32>} : memref<23040xi32, #tpu.memory_space<vmem>>, vector<16xi32>,
        %gather3A = tpu.vector_load_idx %arg5[%get3A_88] : memref<23040xf32, #tpu.memory_space<vmem>>[vector<16xi32>], vector<16xf32>,
        %add3A_89 = arith.addf %scan3A_82, %gather3A : vector<16xf32>
        scf.yield %add3A_89 : vector<16xf32>
      }
      %scan3A_71 = arith.constant 90 : i32
      %mul3A_72 = arith.constant 0.0111111114 : f32
      %mul3A_73 = vector.broadcast %mul3A_72 : f32 to vector<16xf32>
      %mul3A_74 = arith.mulf %scan3A_70, %mul3A_73 : vector<16xf32>
      %add3A_75 = arith.constant 16 : i32
      %add3A_76 = arith.addi %add3A_75, %scan3A_63 : i32
      %mul3A_77 = arith.constant 16 : i32
      %mul3A_78 = arith.muli %add3A_76, %mul3A_77 : i32
      %swap3A = arith.index_cast %mul3A_78 : i32 to index
      %swap3A_79 = tpu.vector_load %arg7[%swap3A] {strides = array<i32>} : memref<2048xf32, #tpu.memory_space<vmem>>, vector<16xf32>,
      tpu.vector_store %arg7[%swap3A], %mul3A_74 {strides = array<i32>} : memref<2048xf32, #tpu.memory_space<vmem>>, vector<16xf32>,
      %scan3A_80 = arith.constant 0 : i32
      scf.yield %scan3A_80 : i32
    }
    %scan3A_14 = arith.constant 16 : i32
    %run_scoped3A_15 = arith.constant 2 : i32
    "tpu.region"() ({
      %run_scoped3A_63 = tpu.sem_alloc : memref<!tpu.dma_semaphore, #tpu.memory_space<semaphore_mem>>
      %dma_start3A = arith.constant 0 : i32
      %dma_start3A_64 = tpu.memref_slice %arg3[%add3A, %run_scoped3A_15, %dma_start3A] : memref<32x8x23040xi32, #tpu.memory_space<hbm>> -> memref<1x1x23040xi32, #tpu.memory_space<hbm>>
      %dma_start3A_65 = tpu.memref_squeeze %dma_start3A_64 : memref<1x1x23040xi32, #tpu.memory_space<hbm>> -> memref<23040xi32, #tpu.memory_space<hbm>>
      %dma_start3A_66 = arith.constant 0 : i32
      %dma_start3A_67 = tpu.memref_slice %arg3[%add3A, %run_scoped3A_15, %dma_start3A_66] : memref<32x8x23040xi32, #tpu.memory_space<hbm>> -> memref<1x1x23040xi32, #tpu.memory_space<hbm>>
      %dma_start3A_68 = tpu.memref_squeeze %dma_start3A_67 : memref<1x1x23040xi32, #tpu.memory_space<hbm>> -> memref<23040xi32, #tpu.memory_space<hbm>>
      tpu.enqueue_dma source(%dma_start3A_68 : memref<23040xi32, #tpu.memory_space<hbm>>) target(%arg6 : memref<23040xi32, #tpu.memory_space<vmem>>) target_semaphore(%run_scoped3A_63 : memref<!tpu.dma_semaphore, #tpu.memory_space<semaphore_mem>>)
      %dma_wait3A = arith.constant 0 : i32
      %dma_wait3A_69 = tpu.memref_slice %arg3[%add3A, %run_scoped3A_15, %dma_wait3A] : memref<32x8x23040xi32, #tpu.memory_space<hbm>> -> memref<1x1x23040xi32, #tpu.memory_space<hbm>>
      %dma_wait3A_70 = tpu.memref_squeeze %dma_wait3A_69 : memref<1x1x23040xi32, #tpu.memory_space<hbm>> -> memref<23040xi32, #tpu.memory_space<hbm>>
      %dma_wait3A_71 = arith.constant 0 : i32
      %dma_wait3A_72 = tpu.memref_slice %arg3[%add3A, %run_scoped3A_15, %dma_wait3A_71] : memref<32x8x23040xi32, #tpu.memory_space<hbm>> -> memref<1x1x23040xi32, #tpu.memory_space<hbm>>
      %dma_wait3A_73 = tpu.memref_squeeze %dma_wait3A_72 : memref<1x1x23040xi32, #tpu.memory_space<hbm>> -> memref<23040xi32, #tpu.memory_space<hbm>>
      tpu.wait_dma2 semaphore(%run_scoped3A_63 : memref<!tpu.dma_semaphore, #tpu.memory_space<semaphore_mem>>) src(%dma_wait3A_73 : memref<23040xi32, #tpu.memory_space<hbm>>) dst(%arg6 : memref<23040xi32, #tpu.memory_space<vmem>>)
      tpu.yield
    }) : () -> ()
    %scan3A_16 = arith.constant 0 : i32
    %scan3A_17 = arith.constant 0 : i32
    %scan3A_18 = arith.constant 16 : i32
    %scan3A_19 = arith.addi %scan3A_17, %scan3A_18 : i32
    %scan3A_20 = arith.constant 1 : i32
    %scan3A_21 = scf.for %scan3A_63 = %scan3A_17 to %scan3A_19 step %scan3A_20 iter_args(%scan3A_64 = %scan3A_16) -> (i32)  : i32 {
      %broadcast_in_dim3A = arith.constant 0.000000e+00 : f32
      %broadcast_in_dim3A_65 = vector.broadcast %broadcast_in_dim3A : f32 to vector<16xf32>
      %scan3A_66 = arith.constant 0 : i32
      %scan3A_67 = arith.constant 90 : i32
      %scan3A_68 = arith.addi %scan3A_66, %scan3A_67 : i32
      %scan3A_69 = arith.constant 1 : i32
      %scan3A_70 = scf.for %scan3A_81 = %scan3A_66 to %scan3A_68 step %scan3A_69 iter_args(%scan3A_82 = %broadcast_in_dim3A_65) -> (vector<16xf32>)  : i32 {
        %mul3A_83 = arith.constant 90 : i32
        %mul3A_84 = arith.muli %scan3A_63, %mul3A_83 : i32
        %add3A_85 = arith.addi %mul3A_84, %scan3A_81 : i32
        %mul3A_86 = arith.constant 16 : i32
        %mul3A_87 = arith.muli %add3A_85, %mul3A_86 : i32
        %get3A = arith.index_cast %mul3A_87 : i32 to index
        %get3A_88 = tpu.vector_load %arg6[%get3A] {strides = array<i32>} : memref<23040xi32, #tpu.memory_space<vmem>>, vector<16xi32>,
        %gather3A = tpu.vector_load_idx %arg5[%get3A_88] : memref<23040xf32, #tpu.memory_space<vmem>>[vector<16xi32>], vector<16xf32>,
        %add3A_89 = arith.addf %scan3A_82, %gather3A : vector<16xf32>
        scf.yield %add3A_89 : vector<16xf32>
      }
      %scan3A_71 = arith.constant 90 : i32
      %mul3A_72 = arith.constant 0.0111111114 : f32
      %mul3A_73 = vector.broadcast %mul3A_72 : f32 to vector<16xf32>
      %mul3A_74 = arith.mulf %scan3A_70, %mul3A_73 : vector<16xf32>
      %add3A_75 = arith.constant 32 : i32
      %add3A_76 = arith.addi %add3A_75, %scan3A_63 : i32
      %mul3A_77 = arith.constant 16 : i32
      %mul3A_78 = arith.muli %add3A_76, %mul3A_77 : i32
      %swap3A = arith.index_cast %mul3A_78 : i32 to index
      %swap3A_79 = tpu.vector_load %arg7[%swap3A] {strides = array<i32>} : memref<2048xf32, #tpu.memory_space<vmem>>, vector<16xf32>,
      tpu.vector_store %arg7[%swap3A], %mul3A_74 {strides = array<i32>} : memref<2048xf32, #tpu.memory_space<vmem>>, vector<16xf32>,
      %scan3A_80 = arith.constant 0 : i32
      scf.yield %scan3A_80 : i32
    }
    %scan3A_22 = arith.constant 16 : i32
    %run_scoped3A_23 = arith.constant 3 : i32
    "tpu.region"() ({
      %run_scoped3A_63 = tpu.sem_alloc : memref<!tpu.dma_semaphore, #tpu.memory_space<semaphore_mem>>
      %dma_start3A = arith.constant 0 : i32
      %dma_start3A_64 = tpu.memref_slice %arg3[%add3A, %run_scoped3A_23, %dma_start3A] : memref<32x8x23040xi32, #tpu.memory_space<hbm>> -> memref<1x1x23040xi32, #tpu.memory_space<hbm>>
      %dma_start3A_65 = tpu.memref_squeeze %dma_start3A_64 : memref<1x1x23040xi32, #tpu.memory_space<hbm>> -> memref<23040xi32, #tpu.memory_space<hbm>>
      %dma_start3A_66 = arith.constant 0 : i32
      %dma_start3A_67 = tpu.memref_slice %arg3[%add3A, %run_scoped3A_23, %dma_start3A_66] : memref<32x8x23040xi32, #tpu.memory_space<hbm>> -> memref<1x1x23040xi32, #tpu.memory_space<hbm>>
      %dma_start3A_68 = tpu.memref_squeeze %dma_start3A_67 : memref<1x1x23040xi32, #tpu.memory_space<hbm>> -> memref<23040xi32, #tpu.memory_space<hbm>>
      tpu.enqueue_dma source(%dma_start3A_68 : memref<23040xi32, #tpu.memory_space<hbm>>) target(%arg6 : memref<23040xi32, #tpu.memory_space<vmem>>) target_semaphore(%run_scoped3A_63 : memref<!tpu.dma_semaphore, #tpu.memory_space<semaphore_mem>>)
      %dma_wait3A = arith.constant 0 : i32
      %dma_wait3A_69 = tpu.memref_slice %arg3[%add3A, %run_scoped3A_23, %dma_wait3A] : memref<32x8x23040xi32, #tpu.memory_space<hbm>> -> memref<1x1x23040xi32, #tpu.memory_space<hbm>>
      %dma_wait3A_70 = tpu.memref_squeeze %dma_wait3A_69 : memref<1x1x23040xi32, #tpu.memory_space<hbm>> -> memref<23040xi32, #tpu.memory_space<hbm>>
      %dma_wait3A_71 = arith.constant 0 : i32
      %dma_wait3A_72 = tpu.memref_slice %arg3[%add3A, %run_scoped3A_23, %dma_wait3A_71] : memref<32x8x23040xi32, #tpu.memory_space<hbm>> -> memref<1x1x23040xi32, #tpu.memory_space<hbm>>
      %dma_wait3A_73 = tpu.memref_squeeze %dma_wait3A_72 : memref<1x1x23040xi32, #tpu.memory_space<hbm>> -> memref<23040xi32, #tpu.memory_space<hbm>>
      tpu.wait_dma2 semaphore(%run_scoped3A_63 : memref<!tpu.dma_semaphore, #tpu.memory_space<semaphore_mem>>) src(%dma_wait3A_73 : memref<23040xi32, #tpu.memory_space<hbm>>) dst(%arg6 : memref<23040xi32, #tpu.memory_space<vmem>>)
      tpu.yield
    }) : () -> ()
    %scan3A_24 = arith.constant 0 : i32
    %scan3A_25 = arith.constant 0 : i32
    %scan3A_26 = arith.constant 16 : i32
    %scan3A_27 = arith.addi %scan3A_25, %scan3A_26 : i32
    %scan3A_28 = arith.constant 1 : i32
    %scan3A_29 = scf.for %scan3A_63 = %scan3A_25 to %scan3A_27 step %scan3A_28 iter_args(%scan3A_64 = %scan3A_24) -> (i32)  : i32 {
      %broadcast_in_dim3A = arith.constant 0.000000e+00 : f32
      %broadcast_in_dim3A_65 = vector.broadcast %broadcast_in_dim3A : f32 to vector<16xf32>
      %scan3A_66 = arith.constant 0 : i32
      %scan3A_67 = arith.constant 90 : i32
      %scan3A_68 = arith.addi %scan3A_66, %scan3A_67 : i32
      %scan3A_69 = arith.constant 1 : i32
      %scan3A_70 = scf.for %scan3A_81 = %scan3A_66 to %scan3A_68 step %scan3A_69 iter_args(%scan3A_82 = %broadcast_in_dim3A_65) -> (vector<16xf32>)  : i32 {
        %mul3A_83 = arith.constant 90 : i32
        %mul3A_84 = arith.muli %scan3A_63, %mul3A_83 : i32
        %add3A_85 = arith.addi %mul3A_84, %scan3A_81 : i32
        %mul3A_86 = arith.constant 16 : i32
        %mul3A_87 = arith.muli %add3A_85, %mul3A_86 : i32
        %get3A = arith.index_cast %mul3A_87 : i32 to index
        %get3A_88 = tpu.vector_load %arg6[%get3A] {strides = array<i32>} : memref<23040xi32, #tpu.memory_space<vmem>>, vector<16xi32>,
        %gather3A = tpu.vector_load_idx %arg5[%get3A_88] : memref<23040xf32, #tpu.memory_space<vmem>>[vector<16xi32>], vector<16xf32>,
        %add3A_89 = arith.addf %scan3A_82, %gather3A : vector<16xf32>
        scf.yield %add3A_89 : vector<16xf32>
      }
      %scan3A_71 = arith.constant 90 : i32
      %mul3A_72 = arith.constant 0.0111111114 : f32
      %mul3A_73 = vector.broadcast %mul3A_72 : f32 to vector<16xf32>
      %mul3A_74 = arith.mulf %scan3A_70, %mul3A_73 : vector<16xf32>
      %add3A_75 = arith.constant 48 : i32
      %add3A_76 = arith.addi %add3A_75, %scan3A_63 : i32
      %mul3A_77 = arith.constant 16 : i32
      %mul3A_78 = arith.muli %add3A_76, %mul3A_77 : i32
      %swap3A = arith.index_cast %mul3A_78 : i32 to index
      %swap3A_79 = tpu.vector_load %arg7[%swap3A] {strides = array<i32>} : memref<2048xf32, #tpu.memory_space<vmem>>, vector<16xf32>,
      tpu.vector_store %arg7[%swap3A], %mul3A_74 {strides = array<i32>} : memref<2048xf32, #tpu.memory_space<vmem>>, vector<16xf32>,
      %scan3A_80 = arith.constant 0 : i32
      scf.yield %scan3A_80 : i32
    }
    %scan3A_30 = arith.constant 16 : i32
    %run_scoped3A_31 = arith.constant 4 : i32
    "tpu.region"() ({
      %run_scoped3A_63 = tpu.sem_alloc : memref<!tpu.dma_semaphore, #tpu.memory_space<semaphore_mem>>
      %dma_start3A = arith.constant 0 : i32
      %dma_start3A_64 = tpu.memref_slice %arg3[%add3A, %run_scoped3A_31, %dma_start3A] : memref<32x8x23040xi32, #tpu.memory_space<hbm>> -> memref<1x1x23040xi32, #tpu.memory_space<hbm>>
      %dma_start3A_65 = tpu.memref_squeeze %dma_start3A_64 : memref<1x1x23040xi32, #tpu.memory_space<hbm>> -> memref<23040xi32, #tpu.memory_space<hbm>>
      %dma_start3A_66 = arith.constant 0 : i32
      %dma_start3A_67 = tpu.memref_slice %arg3[%add3A, %run_scoped3A_31, %dma_start3A_66] : memref<32x8x23040xi32, #tpu.memory_space<hbm>> -> memref<1x1x23040xi32, #tpu.memory_space<hbm>>
      %dma_start3A_68 = tpu.memref_squeeze %dma_start3A_67 : memref<1x1x23040xi32, #tpu.memory_space<hbm>> -> memref<23040xi32, #tpu.memory_space<hbm>>
      tpu.enqueue_dma source(%dma_start3A_68 : memref<23040xi32, #tpu.memory_space<hbm>>) target(%arg6 : memref<23040xi32, #tpu.memory_space<vmem>>) target_semaphore(%run_scoped3A_63 : memref<!tpu.dma_semaphore, #tpu.memory_space<semaphore_mem>>)
      %dma_wait3A = arith.constant 0 : i32
      %dma_wait3A_69 = tpu.memref_slice %arg3[%add3A, %run_scoped3A_31, %dma_wait3A] : memref<32x8x23040xi32, #tpu.memory_space<hbm>> -> memref<1x1x23040xi32, #tpu.memory_space<hbm>>
      %dma_wait3A_70 = tpu.memref_squeeze %dma_wait3A_69 : memref<1x1x23040xi32, #tpu.memory_space<hbm>> -> memref<23040xi32, #tpu.memory_space<hbm>>
      %dma_wait3A_71 = arith.constant 0 : i32
      %dma_wait3A_72 = tpu.memref_slice %arg3[%add3A, %run_scoped3A_31, %dma_wait3A_71] : memref<32x8x23040xi32, #tpu.memory_space<hbm>> -> memref<1x1x23040xi32, #tpu.memory_space<hbm>>
      %dma_wait3A_73 = tpu.memref_squeeze %dma_wait3A_72 : memref<1x1x23040xi32, #tpu.memory_space<hbm>> -> memref<23040xi32, #tpu.memory_space<hbm>>
      tpu.wait_dma2 semaphore(%run_scoped3A_63 : memref<!tpu.dma_semaphore, #tpu.memory_space<semaphore_mem>>) src(%dma_wait3A_73 : memref<23040xi32, #tpu.memory_space<hbm>>) dst(%arg6 : memref<23040xi32, #tpu.memory_space<vmem>>)
      tpu.yield
    }) : () -> ()
    %scan3A_32 = arith.constant 0 : i32
    %scan3A_33 = arith.constant 0 : i32
    %scan3A_34 = arith.constant 16 : i32
    %scan3A_35 = arith.addi %scan3A_33, %scan3A_34 : i32
    %scan3A_36 = arith.constant 1 : i32
    %scan3A_37 = scf.for %scan3A_63 = %scan3A_33 to %scan3A_35 step %scan3A_36 iter_args(%scan3A_64 = %scan3A_32) -> (i32)  : i32 {
      %broadcast_in_dim3A = arith.constant 0.000000e+00 : f32
      %broadcast_in_dim3A_65 = vector.broadcast %broadcast_in_dim3A : f32 to vector<16xf32>
      %scan3A_66 = arith.constant 0 : i32
      %scan3A_67 = arith.constant 90 : i32
      %scan3A_68 = arith.addi %scan3A_66, %scan3A_67 : i32
      %scan3A_69 = arith.constant 1 : i32
      %scan3A_70 = scf.for %scan3A_81 = %scan3A_66 to %scan3A_68 step %scan3A_69 iter_args(%scan3A_82 = %broadcast_in_dim3A_65) -> (vector<16xf32>)  : i32 {
        %mul3A_83 = arith.constant 90 : i32
        %mul3A_84 = arith.muli %scan3A_63, %mul3A_83 : i32
        %add3A_85 = arith.addi %mul3A_84, %scan3A_81 : i32
        %mul3A_86 = arith.constant 16 : i32
        %mul3A_87 = arith.muli %add3A_85, %mul3A_86 : i32
        %get3A = arith.index_cast %mul3A_87 : i32 to index
        %get3A_88 = tpu.vector_load %arg6[%get3A] {strides = array<i32>} : memref<23040xi32, #tpu.memory_space<vmem>>, vector<16xi32>,
        %gather3A = tpu.vector_load_idx %arg5[%get3A_88] : memref<23040xf32, #tpu.memory_space<vmem>>[vector<16xi32>], vector<16xf32>,
        %add3A_89 = arith.addf %scan3A_82, %gather3A : vector<16xf32>
        scf.yield %add3A_89 : vector<16xf32>
      }
      %scan3A_71 = arith.constant 90 : i32
      %mul3A_72 = arith.constant 0.0111111114 : f32
      %mul3A_73 = vector.broadcast %mul3A_72 : f32 to vector<16xf32>
      %mul3A_74 = arith.mulf %scan3A_70, %mul3A_73 : vector<16xf32>
      %add3A_75 = arith.constant 64 : i32
      %add3A_76 = arith.addi %add3A_75, %scan3A_63 : i32
      %mul3A_77 = arith.constant 16 : i32
      %mul3A_78 = arith.muli %add3A_76, %mul3A_77 : i32
      %swap3A = arith.index_cast %mul3A_78 : i32 to index
      %swap3A_79 = tpu.vector_load %arg7[%swap3A] {strides = array<i32>} : memref<2048xf32, #tpu.memory_space<vmem>>, vector<16xf32>,
      tpu.vector_store %arg7[%swap3A], %mul3A_74 {strides = array<i32>} : memref<2048xf32, #tpu.memory_space<vmem>>, vector<16xf32>,
      %scan3A_80 = arith.constant 0 : i32
      scf.yield %scan3A_80 : i32
    }
    %scan3A_38 = arith.constant 16 : i32
    %run_scoped3A_39 = arith.constant 5 : i32
    "tpu.region"() ({
      %run_scoped3A_63 = tpu.sem_alloc : memref<!tpu.dma_semaphore, #tpu.memory_space<semaphore_mem>>
      %dma_start3A = arith.constant 0 : i32
      %dma_start3A_64 = tpu.memref_slice %arg3[%add3A, %run_scoped3A_39, %dma_start3A] : memref<32x8x23040xi32, #tpu.memory_space<hbm>> -> memref<1x1x23040xi32, #tpu.memory_space<hbm>>
      %dma_start3A_65 = tpu.memref_squeeze %dma_start3A_64 : memref<1x1x23040xi32, #tpu.memory_space<hbm>> -> memref<23040xi32, #tpu.memory_space<hbm>>
      %dma_start3A_66 = arith.constant 0 : i32
      %dma_start3A_67 = tpu.memref_slice %arg3[%add3A, %run_scoped3A_39, %dma_start3A_66] : memref<32x8x23040xi32, #tpu.memory_space<hbm>> -> memref<1x1x23040xi32, #tpu.memory_space<hbm>>
      %dma_start3A_68 = tpu.memref_squeeze %dma_start3A_67 : memref<1x1x23040xi32, #tpu.memory_space<hbm>> -> memref<23040xi32, #tpu.memory_space<hbm>>
      tpu.enqueue_dma source(%dma_start3A_68 : memref<23040xi32, #tpu.memory_space<hbm>>) target(%arg6 : memref<23040xi32, #tpu.memory_space<vmem>>) target_semaphore(%run_scoped3A_63 : memref<!tpu.dma_semaphore, #tpu.memory_space<semaphore_mem>>)
      %dma_wait3A = arith.constant 0 : i32
      %dma_wait3A_69 = tpu.memref_slice %arg3[%add3A, %run_scoped3A_39, %dma_wait3A] : memref<32x8x23040xi32, #tpu.memory_space<hbm>> -> memref<1x1x23040xi32, #tpu.memory_space<hbm>>
      %dma_wait3A_70 = tpu.memref_squeeze %dma_wait3A_69 : memref<1x1x23040xi32, #tpu.memory_space<hbm>> -> memref<23040xi32, #tpu.memory_space<hbm>>
      %dma_wait3A_71 = arith.constant 0 : i32
      %dma_wait3A_72 = tpu.memref_slice %arg3[%add3A, %run_scoped3A_39, %dma_wait3A_71] : memref<32x8x23040xi32, #tpu.memory_space<hbm>> -> memref<1x1x23040xi32, #tpu.memory_space<hbm>>
      %dma_wait3A_73 = tpu.memref_squeeze %dma_wait3A_72 : memref<1x1x23040xi32, #tpu.memory_space<hbm>> -> memref<23040xi32, #tpu.memory_space<hbm>>
      tpu.wait_dma2 semaphore(%run_scoped3A_63 : memref<!tpu.dma_semaphore, #tpu.memory_space<semaphore_mem>>) src(%dma_wait3A_73 : memref<23040xi32, #tpu.memory_space<hbm>>) dst(%arg6 : memref<23040xi32, #tpu.memory_space<vmem>>)
      tpu.yield
    }) : () -> ()
    %scan3A_40 = arith.constant 0 : i32
    %scan3A_41 = arith.constant 0 : i32
    %scan3A_42 = arith.constant 16 : i32
    %scan3A_43 = arith.addi %scan3A_41, %scan3A_42 : i32
    %scan3A_44 = arith.constant 1 : i32
    %scan3A_45 = scf.for %scan3A_63 = %scan3A_41 to %scan3A_43 step %scan3A_44 iter_args(%scan3A_64 = %scan3A_40) -> (i32)  : i32 {
      %broadcast_in_dim3A = arith.constant 0.000000e+00 : f32
      %broadcast_in_dim3A_65 = vector.broadcast %broadcast_in_dim3A : f32 to vector<16xf32>
      %scan3A_66 = arith.constant 0 : i32
      %scan3A_67 = arith.constant 90 : i32
      %scan3A_68 = arith.addi %scan3A_66, %scan3A_67 : i32
      %scan3A_69 = arith.constant 1 : i32
      %scan3A_70 = scf.for %scan3A_81 = %scan3A_66 to %scan3A_68 step %scan3A_69 iter_args(%scan3A_82 = %broadcast_in_dim3A_65) -> (vector<16xf32>)  : i32 {
        %mul3A_83 = arith.constant 90 : i32
        %mul3A_84 = arith.muli %scan3A_63, %mul3A_83 : i32
        %add3A_85 = arith.addi %mul3A_84, %scan3A_81 : i32
        %mul3A_86 = arith.constant 16 : i32
        %mul3A_87 = arith.muli %add3A_85, %mul3A_86 : i32
        %get3A = arith.index_cast %mul3A_87 : i32 to index
        %get3A_88 = tpu.vector_load %arg6[%get3A] {strides = array<i32>} : memref<23040xi32, #tpu.memory_space<vmem>>, vector<16xi32>,
        %gather3A = tpu.vector_load_idx %arg5[%get3A_88] : memref<23040xf32, #tpu.memory_space<vmem>>[vector<16xi32>], vector<16xf32>,
        %add3A_89 = arith.addf %scan3A_82, %gather3A : vector<16xf32>
        scf.yield %add3A_89 : vector<16xf32>
      }
      %scan3A_71 = arith.constant 90 : i32
      %mul3A_72 = arith.constant 0.0111111114 : f32
      %mul3A_73 = vector.broadcast %mul3A_72 : f32 to vector<16xf32>
      %mul3A_74 = arith.mulf %scan3A_70, %mul3A_73 : vector<16xf32>
      %add3A_75 = arith.constant 80 : i32
      %add3A_76 = arith.addi %add3A_75, %scan3A_63 : i32
      %mul3A_77 = arith.constant 16 : i32
      %mul3A_78 = arith.muli %add3A_76, %mul3A_77 : i32
      %swap3A = arith.index_cast %mul3A_78 : i32 to index
      %swap3A_79 = tpu.vector_load %arg7[%swap3A] {strides = array<i32>} : memref<2048xf32, #tpu.memory_space<vmem>>, vector<16xf32>,
      tpu.vector_store %arg7[%swap3A], %mul3A_74 {strides = array<i32>} : memref<2048xf32, #tpu.memory_space<vmem>>, vector<16xf32>,
      %scan3A_80 = arith.constant 0 : i32
      scf.yield %scan3A_80 : i32
    }
    %scan3A_46 = arith.constant 16 : i32
    %run_scoped3A_47 = arith.constant 6 : i32
    "tpu.region"() ({
      %run_scoped3A_63 = tpu.sem_alloc : memref<!tpu.dma_semaphore, #tpu.memory_space<semaphore_mem>>
      %dma_start3A = arith.constant 0 : i32
      %dma_start3A_64 = tpu.memref_slice %arg3[%add3A, %run_scoped3A_47, %dma_start3A] : memref<32x8x23040xi32, #tpu.memory_space<hbm>> -> memref<1x1x23040xi32, #tpu.memory_space<hbm>>
      %dma_start3A_65 = tpu.memref_squeeze %dma_start3A_64 : memref<1x1x23040xi32, #tpu.memory_space<hbm>> -> memref<23040xi32, #tpu.memory_space<hbm>>
      %dma_start3A_66 = arith.constant 0 : i32
      %dma_start3A_67 = tpu.memref_slice %arg3[%add3A, %run_scoped3A_47, %dma_start3A_66] : memref<32x8x23040xi32, #tpu.memory_space<hbm>> -> memref<1x1x23040xi32, #tpu.memory_space<hbm>>
      %dma_start3A_68 = tpu.memref_squeeze %dma_start3A_67 : memref<1x1x23040xi32, #tpu.memory_space<hbm>> -> memref<23040xi32, #tpu.memory_space<hbm>>
      tpu.enqueue_dma source(%dma_start3A_68 : memref<23040xi32, #tpu.memory_space<hbm>>) target(%arg6 : memref<23040xi32, #tpu.memory_space<vmem>>) target_semaphore(%run_scoped3A_63 : memref<!tpu.dma_semaphore, #tpu.memory_space<semaphore_mem>>)
      %dma_wait3A = arith.constant 0 : i32
      %dma_wait3A_69 = tpu.memref_slice %arg3[%add3A, %run_scoped3A_47, %dma_wait3A] : memref<32x8x23040xi32, #tpu.memory_space<hbm>> -> memref<1x1x23040xi32, #tpu.memory_space<hbm>>
      %dma_wait3A_70 = tpu.memref_squeeze %dma_wait3A_69 : memref<1x1x23040xi32, #tpu.memory_space<hbm>> -> memref<23040xi32, #tpu.memory_space<hbm>>
      %dma_wait3A_71 = arith.constant 0 : i32
      %dma_wait3A_72 = tpu.memref_slice %arg3[%add3A, %run_scoped3A_47, %dma_wait3A_71] : memref<32x8x23040xi32, #tpu.memory_space<hbm>> -> memref<1x1x23040xi32, #tpu.memory_space<hbm>>
      %dma_wait3A_73 = tpu.memref_squeeze %dma_wait3A_72 : memref<1x1x23040xi32, #tpu.memory_space<hbm>> -> memref<23040xi32, #tpu.memory_space<hbm>>
      tpu.wait_dma2 semaphore(%run_scoped3A_63 : memref<!tpu.dma_semaphore, #tpu.memory_space<semaphore_mem>>) src(%dma_wait3A_73 : memref<23040xi32, #tpu.memory_space<hbm>>) dst(%arg6 : memref<23040xi32, #tpu.memory_space<vmem>>)
      tpu.yield
    }) : () -> ()
    %scan3A_48 = arith.constant 0 : i32
    %scan3A_49 = arith.constant 0 : i32
    %scan3A_50 = arith.constant 16 : i32
    %scan3A_51 = arith.addi %scan3A_49, %scan3A_50 : i32
    %scan3A_52 = arith.constant 1 : i32
    %scan3A_53 = scf.for %scan3A_63 = %scan3A_49 to %scan3A_51 step %scan3A_52 iter_args(%scan3A_64 = %scan3A_48) -> (i32)  : i32 {
      %broadcast_in_dim3A = arith.constant 0.000000e+00 : f32
      %broadcast_in_dim3A_65 = vector.broadcast %broadcast_in_dim3A : f32 to vector<16xf32>
      %scan3A_66 = arith.constant 0 : i32
      %scan3A_67 = arith.constant 90 : i32
      %scan3A_68 = arith.addi %scan3A_66, %scan3A_67 : i32
      %scan3A_69 = arith.constant 1 : i32
      %scan3A_70 = scf.for %scan3A_81 = %scan3A_66 to %scan3A_68 step %scan3A_69 iter_args(%scan3A_82 = %broadcast_in_dim3A_65) -> (vector<16xf32>)  : i32 {
        %mul3A_83 = arith.constant 90 : i32
        %mul3A_84 = arith.muli %scan3A_63, %mul3A_83 : i32
        %add3A_85 = arith.addi %mul3A_84, %scan3A_81 : i32
        %mul3A_86 = arith.constant 16 : i32
        %mul3A_87 = arith.muli %add3A_85, %mul3A_86 : i32
        %get3A = arith.index_cast %mul3A_87 : i32 to index
        %get3A_88 = tpu.vector_load %arg6[%get3A] {strides = array<i32>} : memref<23040xi32, #tpu.memory_space<vmem>>, vector<16xi32>,
        %gather3A = tpu.vector_load_idx %arg5[%get3A_88] : memref<23040xf32, #tpu.memory_space<vmem>>[vector<16xi32>], vector<16xf32>,
        %add3A_89 = arith.addf %scan3A_82, %gather3A : vector<16xf32>
        scf.yield %add3A_89 : vector<16xf32>
      }
      %scan3A_71 = arith.constant 90 : i32
      %mul3A_72 = arith.constant 0.0111111114 : f32
      %mul3A_73 = vector.broadcast %mul3A_72 : f32 to vector<16xf32>
      %mul3A_74 = arith.mulf %scan3A_70, %mul3A_73 : vector<16xf32>
      %add3A_75 = arith.constant 96 : i32
      %add3A_76 = arith.addi %add3A_75, %scan3A_63 : i32
      %mul3A_77 = arith.constant 16 : i32
      %mul3A_78 = arith.muli %add3A_76, %mul3A_77 : i32
      %swap3A = arith.index_cast %mul3A_78 : i32 to index
      %swap3A_79 = tpu.vector_load %arg7[%swap3A] {strides = array<i32>} : memref<2048xf32, #tpu.memory_space<vmem>>, vector<16xf32>,
      tpu.vector_store %arg7[%swap3A], %mul3A_74 {strides = array<i32>} : memref<2048xf32, #tpu.memory_space<vmem>>, vector<16xf32>,
      %scan3A_80 = arith.constant 0 : i32
      scf.yield %scan3A_80 : i32
    }
    %scan3A_54 = arith.constant 16 : i32
    %run_scoped3A_55 = arith.constant 7 : i32
    "tpu.region"() ({
      %run_scoped3A_63 = tpu.sem_alloc : memref<!tpu.dma_semaphore, #tpu.memory_space<semaphore_mem>>
      %dma_start3A = arith.constant 0 : i32
      %dma_start3A_64 = tpu.memref_slice %arg3[%add3A, %run_scoped3A_55, %dma_start3A] : memref<32x8x23040xi32, #tpu.memory_space<hbm>> -> memref<1x1x23040xi32, #tpu.memory_space<hbm>>
      %dma_start3A_65 = tpu.memref_squeeze %dma_start3A_64 : memref<1x1x23040xi32, #tpu.memory_space<hbm>> -> memref<23040xi32, #tpu.memory_space<hbm>>
      %dma_start3A_66 = arith.constant 0 : i32
      %dma_start3A_67 = tpu.memref_slice %arg3[%add3A, %run_scoped3A_55, %dma_start3A_66] : memref<32x8x23040xi32, #tpu.memory_space<hbm>> -> memref<1x1x23040xi32, #tpu.memory_space<hbm>>
      %dma_start3A_68 = tpu.memref_squeeze %dma_start3A_67 : memref<1x1x23040xi32, #tpu.memory_space<hbm>> -> memref<23040xi32, #tpu.memory_space<hbm>>
      tpu.enqueue_dma source(%dma_start3A_68 : memref<23040xi32, #tpu.memory_space<hbm>>) target(%arg6 : memref<23040xi32, #tpu.memory_space<vmem>>) target_semaphore(%run_scoped3A_63 : memref<!tpu.dma_semaphore, #tpu.memory_space<semaphore_mem>>)
      %dma_wait3A = arith.constant 0 : i32
      %dma_wait3A_69 = tpu.memref_slice %arg3[%add3A, %run_scoped3A_55, %dma_wait3A] : memref<32x8x23040xi32, #tpu.memory_space<hbm>> -> memref<1x1x23040xi32, #tpu.memory_space<hbm>>
      %dma_wait3A_70 = tpu.memref_squeeze %dma_wait3A_69 : memref<1x1x23040xi32, #tpu.memory_space<hbm>> -> memref<23040xi32, #tpu.memory_space<hbm>>
      %dma_wait3A_71 = arith.constant 0 : i32
      %dma_wait3A_72 = tpu.memref_slice %arg3[%add3A, %run_scoped3A_55, %dma_wait3A_71] : memref<32x8x23040xi32, #tpu.memory_space<hbm>> -> memref<1x1x23040xi32, #tpu.memory_space<hbm>>
      %dma_wait3A_73 = tpu.memref_squeeze %dma_wait3A_72 : memref<1x1x23040xi32, #tpu.memory_space<hbm>> -> memref<23040xi32, #tpu.memory_space<hbm>>
      tpu.wait_dma2 semaphore(%run_scoped3A_63 : memref<!tpu.dma_semaphore, #tpu.memory_space<semaphore_mem>>) src(%dma_wait3A_73 : memref<23040xi32, #tpu.memory_space<hbm>>) dst(%arg6 : memref<23040xi32, #tpu.memory_space<vmem>>)
      tpu.yield
    }) : () -> ()
    %scan3A_56 = arith.constant 0 : i32
    %scan3A_57 = arith.constant 0 : i32
    %scan3A_58 = arith.constant 16 : i32
    %scan3A_59 = arith.addi %scan3A_57, %scan3A_58 : i32
    %scan3A_60 = arith.constant 1 : i32
    %scan3A_61 = scf.for %scan3A_63 = %scan3A_57 to %scan3A_59 step %scan3A_60 iter_args(%scan3A_64 = %scan3A_56) -> (i32)  : i32 {
      %broadcast_in_dim3A = arith.constant 0.000000e+00 : f32
      %broadcast_in_dim3A_65 = vector.broadcast %broadcast_in_dim3A : f32 to vector<16xf32>
      %scan3A_66 = arith.constant 0 : i32
      %scan3A_67 = arith.constant 90 : i32
      %scan3A_68 = arith.addi %scan3A_66, %scan3A_67 : i32
      %scan3A_69 = arith.constant 1 : i32
      %scan3A_70 = scf.for %scan3A_81 = %scan3A_66 to %scan3A_68 step %scan3A_69 iter_args(%scan3A_82 = %broadcast_in_dim3A_65) -> (vector<16xf32>)  : i32 {
        %mul3A_83 = arith.constant 90 : i32
        %mul3A_84 = arith.muli %scan3A_63, %mul3A_83 : i32
        %add3A_85 = arith.addi %mul3A_84, %scan3A_81 : i32
        %mul3A_86 = arith.constant 16 : i32
        %mul3A_87 = arith.muli %add3A_85, %mul3A_86 : i32
        %get3A = arith.index_cast %mul3A_87 : i32 to index
        %get3A_88 = tpu.vector_load %arg6[%get3A] {strides = array<i32>} : memref<23040xi32, #tpu.memory_space<vmem>>, vector<16xi32>,
        %gather3A = tpu.vector_load_idx %arg5[%get3A_88] : memref<23040xf32, #tpu.memory_space<vmem>>[vector<16xi32>], vector<16xf32>,
        %add3A_89 = arith.addf %scan3A_82, %gather3A : vector<16xf32>
        scf.yield %add3A_89 : vector<16xf32>
      }
      %scan3A_71 = arith.constant 90 : i32
      %mul3A_72 = arith.constant 0.0111111114 : f32
      %mul3A_73 = vector.broadcast %mul3A_72 : f32 to vector<16xf32>
      %mul3A_74 = arith.mulf %scan3A_70, %mul3A_73 : vector<16xf32>
      %add3A_75 = arith.constant 112 : i32
      %add3A_76 = arith.addi %add3A_75, %scan3A_63 : i32
      %mul3A_77 = arith.constant 16 : i32
      %mul3A_78 = arith.muli %add3A_76, %mul3A_77 : i32
      %swap3A = arith.index_cast %mul3A_78 : i32 to index
      %swap3A_79 = tpu.vector_load %arg7[%swap3A] {strides = array<i32>} : memref<2048xf32, #tpu.memory_space<vmem>>, vector<16xf32>,
      tpu.vector_store %arg7[%swap3A], %mul3A_74 {strides = array<i32>} : memref<2048xf32, #tpu.memory_space<vmem>>, vector<16xf32>,
      %scan3A_80 = arith.constant 0 : i32
      scf.yield %scan3A_80 : i32
    }
    %scan3A_62 = arith.constant 16 : i32
    "tpu.region"() ({
      %run_scoped3A_63 = tpu.sem_alloc : memref<!tpu.dma_semaphore, #tpu.memory_space<semaphore_mem>>
      %dma_start3A = arith.constant 0 : i32
      %dma_start3A_64 = tpu.memref_slice %arg4[%add3A, %dma_start3A] : memref<32x2048xf32, #tpu.memory_space<hbm>> -> memref<1x2048xf32, #tpu.memory_space<hbm>>
      %dma_start3A_65 = tpu.memref_squeeze %dma_start3A_64 : memref<1x2048xf32, #tpu.memory_space<hbm>> -> memref<2048xf32, #tpu.memory_space<hbm>>
      %dma_start3A_66 = arith.constant 0 : i32
      %dma_start3A_67 = tpu.memref_slice %arg4[%add3A, %dma_start3A_66] : memref<32x2048xf32, #tpu.memory_space<hbm>> -> memref<1x2048xf32, #tpu.memory_space<hbm>>
      %dma_start3A_68 = tpu.memref_squeeze %dma_start3A_67 : memref<1x2048xf32, #tpu.memory_space<hbm>> -> memref<2048xf32, #tpu.memory_space<hbm>>
      tpu.enqueue_dma source(%arg7 : memref<2048xf32, #tpu.memory_space<vmem>>) target(%dma_start3A_68 : memref<2048xf32, #tpu.memory_space<hbm>>) target_semaphore(%run_scoped3A_63 : memref<!tpu.dma_semaphore, #tpu.memory_space<semaphore_mem>>)
      %dma_wait3A = arith.constant 0 : i32
      %dma_wait3A_69 = tpu.memref_slice %arg4[%add3A, %dma_wait3A] : memref<32x2048xf32, #tpu.memory_space<hbm>> -> memref<1x2048xf32, #tpu.memory_space<hbm>>
      %dma_wait3A_70 = tpu.memref_squeeze %dma_wait3A_69 : memref<1x2048xf32, #tpu.memory_space<hbm>> -> memref<2048xf32, #tpu.memory_space<hbm>>
      %dma_wait3A_71 = arith.constant 0 : i32
      %dma_wait3A_72 = tpu.memref_slice %arg4[%add3A, %dma_wait3A_71] : memref<32x2048xf32, #tpu.memory_space<hbm>> -> memref<1x2048xf32, #tpu.memory_space<hbm>>
      %dma_wait3A_73 = tpu.memref_squeeze %dma_wait3A_72 : memref<1x2048xf32, #tpu.memory_space<hbm>> -> memref<2048xf32, #tpu.memory_space<hbm>>
      tpu.wait_dma2 semaphore(%run_scoped3A_63 : memref<!tpu.dma_semaphore, #tpu.memory_space<semaphore_mem>>) src(%arg7 : memref<2048xf32, #tpu.memory_space<vmem>>) dst(%dma_wait3A_73 : memref<2048xf32, #tpu.memory_space<hbm>>)
      tpu.yield
    }) : () -> ()
    return
  }
}

#map = affine_map<(d0, d1) -> (0)>
#map1 = affine_map<(d0, d1) -> (0, 0)>
#map2 = affine_map<(d0, d1) -> (0, 0, 0)>
module attributes {stable_mosaic.version = 14 : i64} {
  func.func @_pass_backproj(%arg0: i32, %arg1: i32, %arg2: memref<23040xf32, #tpu.memory_space<hbm>>, %arg3: memref<32x2048xf32, #tpu.memory_space<hbm>>, %arg4: memref<32x8x23040xi32, #tpu.memory_space<hbm>>, %arg5: memref<32x2048xf32, #tpu.memory_space<hbm>>, %arg6: memref<23040xf32, #tpu.memory_space<vmem>>, %arg7: memref<23040xi32, #tpu.memory_space<vmem>>, %arg8: memref<2048xf32, #tpu.memory_space<vmem>>, %arg9: memref<2048xf32, #tpu.memory_space<vmem>>) attributes {dimension_semantics = [#tpu.dimension_semantics<core_parallel>, #tpu.dimension_semantics<subcore_parallel>], iteration_bounds = array<i64: 2, 16>, scalar_prefetch = 0 : i64, scratch_operands = 4 : i64, tpu.core_type = #tpu.core_type<sc_vector_subcore>, window_params = [{transform_indices = #map}, {transform_indices = #map1}, {transform_indices = #map2}, {transform_indices = #map1}]} {
    %mul3A = arith.constant 2 : i32
    %mul3A_0 = arith.muli %arg1, %mul3A : i32
    %add3A = arith.addi %mul3A_0, %arg0 : i32
    "tpu.region"() ({
      %run_scoped3A_63 = tpu.sem_alloc : memref<!tpu.dma_semaphore, #tpu.memory_space<semaphore_mem>>
      tpu.enqueue_dma source(%arg2 : memref<23040xf32, #tpu.memory_space<hbm>>) target(%arg6 : memref<23040xf32, #tpu.memory_space<vmem>>) target_semaphore(%run_scoped3A_63 : memref<!tpu.dma_semaphore, #tpu.memory_space<semaphore_mem>>)
      tpu.wait_dma2 semaphore(%run_scoped3A_63 : memref<!tpu.dma_semaphore, #tpu.memory_space<semaphore_mem>>) src(%arg2 : memref<23040xf32, #tpu.memory_space<hbm>>) dst(%arg6 : memref<23040xf32, #tpu.memory_space<vmem>>)
      tpu.yield
    }) : () -> ()
    "tpu.region"() ({
      %run_scoped3A_63 = tpu.sem_alloc : memref<!tpu.dma_semaphore, #tpu.memory_space<semaphore_mem>>
      %dma_start3A = arith.constant 0 : i32
      %dma_start3A_64 = tpu.memref_slice %arg3[%add3A, %dma_start3A] : memref<32x2048xf32, #tpu.memory_space<hbm>> -> memref<1x2048xf32, #tpu.memory_space<hbm>>
      %dma_start3A_65 = tpu.memref_squeeze %dma_start3A_64 : memref<1x2048xf32, #tpu.memory_space<hbm>> -> memref<2048xf32, #tpu.memory_space<hbm>>
      %dma_start3A_66 = arith.constant 0 : i32
      %dma_start3A_67 = tpu.memref_slice %arg3[%add3A, %dma_start3A_66] : memref<32x2048xf32, #tpu.memory_space<hbm>> -> memref<1x2048xf32, #tpu.memory_space<hbm>>
      %dma_start3A_68 = tpu.memref_squeeze %dma_start3A_67 : memref<1x2048xf32, #tpu.memory_space<hbm>> -> memref<2048xf32, #tpu.memory_space<hbm>>
      tpu.enqueue_dma source(%dma_start3A_68 : memref<2048xf32, #tpu.memory_space<hbm>>) target(%arg8 : memref<2048xf32, #tpu.memory_space<vmem>>) target_semaphore(%run_scoped3A_63 : memref<!tpu.dma_semaphore, #tpu.memory_space<semaphore_mem>>)
      %dma_wait3A = arith.constant 0 : i32
      %dma_wait3A_69 = tpu.memref_slice %arg3[%add3A, %dma_wait3A] : memref<32x2048xf32, #tpu.memory_space<hbm>> -> memref<1x2048xf32, #tpu.memory_space<hbm>>
      %dma_wait3A_70 = tpu.memref_squeeze %dma_wait3A_69 : memref<1x2048xf32, #tpu.memory_space<hbm>> -> memref<2048xf32, #tpu.memory_space<hbm>>
      %dma_wait3A_71 = arith.constant 0 : i32
      %dma_wait3A_72 = tpu.memref_slice %arg3[%add3A, %dma_wait3A_71] : memref<32x2048xf32, #tpu.memory_space<hbm>> -> memref<1x2048xf32, #tpu.memory_space<hbm>>
      %dma_wait3A_73 = tpu.memref_squeeze %dma_wait3A_72 : memref<1x2048xf32, #tpu.memory_space<hbm>> -> memref<2048xf32, #tpu.memory_space<hbm>>
      tpu.wait_dma2 semaphore(%run_scoped3A_63 : memref<!tpu.dma_semaphore, #tpu.memory_space<semaphore_mem>>) src(%dma_wait3A_73 : memref<2048xf32, #tpu.memory_space<hbm>>) dst(%arg8 : memref<2048xf32, #tpu.memory_space<vmem>>)
      tpu.yield
    }) : () -> ()
    %run_scoped3A = arith.constant 0 : i32
    "tpu.region"() ({
      %run_scoped3A_63 = tpu.sem_alloc : memref<!tpu.dma_semaphore, #tpu.memory_space<semaphore_mem>>
      %dma_start3A = arith.constant 0 : i32
      %dma_start3A_64 = tpu.memref_slice %arg4[%add3A, %run_scoped3A, %dma_start3A] : memref<32x8x23040xi32, #tpu.memory_space<hbm>> -> memref<1x1x23040xi32, #tpu.memory_space<hbm>>
      %dma_start3A_65 = tpu.memref_squeeze %dma_start3A_64 : memref<1x1x23040xi32, #tpu.memory_space<hbm>> -> memref<23040xi32, #tpu.memory_space<hbm>>
      %dma_start3A_66 = arith.constant 0 : i32
      %dma_start3A_67 = tpu.memref_slice %arg4[%add3A, %run_scoped3A, %dma_start3A_66] : memref<32x8x23040xi32, #tpu.memory_space<hbm>> -> memref<1x1x23040xi32, #tpu.memory_space<hbm>>
      %dma_start3A_68 = tpu.memref_squeeze %dma_start3A_67 : memref<1x1x23040xi32, #tpu.memory_space<hbm>> -> memref<23040xi32, #tpu.memory_space<hbm>>
      tpu.enqueue_dma source(%dma_start3A_68 : memref<23040xi32, #tpu.memory_space<hbm>>) target(%arg7 : memref<23040xi32, #tpu.memory_space<vmem>>) target_semaphore(%run_scoped3A_63 : memref<!tpu.dma_semaphore, #tpu.memory_space<semaphore_mem>>)
      %dma_wait3A = arith.constant 0 : i32
      %dma_wait3A_69 = tpu.memref_slice %arg4[%add3A, %run_scoped3A, %dma_wait3A] : memref<32x8x23040xi32, #tpu.memory_space<hbm>> -> memref<1x1x23040xi32, #tpu.memory_space<hbm>>
      %dma_wait3A_70 = tpu.memref_squeeze %dma_wait3A_69 : memref<1x1x23040xi32, #tpu.memory_space<hbm>> -> memref<23040xi32, #tpu.memory_space<hbm>>
      %dma_wait3A_71 = arith.constant 0 : i32
      %dma_wait3A_72 = tpu.memref_slice %arg4[%add3A, %run_scoped3A, %dma_wait3A_71] : memref<32x8x23040xi32, #tpu.memory_space<hbm>> -> memref<1x1x23040xi32, #tpu.memory_space<hbm>>
      %dma_wait3A_73 = tpu.memref_squeeze %dma_wait3A_72 : memref<1x1x23040xi32, #tpu.memory_space<hbm>> -> memref<23040xi32, #tpu.memory_space<hbm>>
      tpu.wait_dma2 semaphore(%run_scoped3A_63 : memref<!tpu.dma_semaphore, #tpu.memory_space<semaphore_mem>>) src(%dma_wait3A_73 : memref<23040xi32, #tpu.memory_space<hbm>>) dst(%arg7 : memref<23040xi32, #tpu.memory_space<vmem>>)
      tpu.yield
    }) : () -> ()
    %scan3A = arith.constant 0 : i32
    %scan3A_1 = arith.constant 0 : i32
    %scan3A_2 = arith.constant 16 : i32
    %scan3A_3 = arith.addi %scan3A_1, %scan3A_2 : i32
    %scan3A_4 = arith.constant 1 : i32
    %scan3A_5 = scf.for %scan3A_63 = %scan3A_1 to %scan3A_3 step %scan3A_4 iter_args(%scan3A_64 = %scan3A) -> (i32)  : i32 {
      %broadcast_in_dim3A = arith.constant 0.000000e+00 : f32
      %broadcast_in_dim3A_65 = vector.broadcast %broadcast_in_dim3A : f32 to vector<16xf32>
      %scan3A_66 = arith.constant 0 : i32
      %scan3A_67 = arith.constant 90 : i32
      %scan3A_68 = arith.addi %scan3A_66, %scan3A_67 : i32
      %scan3A_69 = arith.constant 1 : i32
      %scan3A_70 = scf.for %scan3A_85 = %scan3A_66 to %scan3A_68 step %scan3A_69 iter_args(%scan3A_86 = %broadcast_in_dim3A_65) -> (vector<16xf32>)  : i32 {
        %mul3A_87 = arith.constant 90 : i32
        %mul3A_88 = arith.muli %scan3A_63, %mul3A_87 : i32
        %add3A_89 = arith.addi %mul3A_88, %scan3A_85 : i32
        %mul3A_90 = arith.constant 16 : i32
        %mul3A_91 = arith.muli %add3A_89, %mul3A_90 : i32
        %get3A_92 = arith.index_cast %mul3A_91 : i32 to index
        %get3A_93 = tpu.vector_load %arg7[%get3A_92] {strides = array<i32>} : memref<23040xi32, #tpu.memory_space<vmem>>, vector<16xi32>,
        %gather3A = tpu.vector_load_idx %arg6[%get3A_93] : memref<23040xf32, #tpu.memory_space<vmem>>[vector<16xi32>], vector<16xf32>,
        %add3A_94 = arith.addf %scan3A_86, %gather3A : vector<16xf32>
        scf.yield %add3A_94 : vector<16xf32>
      }
      %scan3A_71 = arith.constant 90 : i32
      %add3A_72 = arith.constant 0 : i32
      %add3A_73 = arith.addi %add3A_72, %scan3A_63 : i32
      %mul3A_74 = arith.constant 16 : i32
      %mul3A_75 = arith.muli %add3A_73, %mul3A_74 : i32
      %get3A = arith.index_cast %mul3A_75 : i32 to index
      %get3A_76 = tpu.vector_load %arg8[%get3A] {strides = array<i32>} : memref<2048xf32, #tpu.memory_space<vmem>>, vector<16xf32>,
      %mul3A_77 = arith.constant 2.000000e+00 : f32
      %mul3A_78 = vector.broadcast %mul3A_77 : f32 to vector<16xf32>
      %mul3A_79 = arith.mulf %get3A_76, %mul3A_78 : vector<16xf32>
      %mul3A_80 = arith.constant 0.0111111114 : f32
      %mul3A_81 = vector.broadcast %mul3A_80 : f32 to vector<16xf32>
      %mul3A_82 = arith.mulf %scan3A_70, %mul3A_81 : vector<16xf32>
      %sub3A = arith.subf %mul3A_79, %mul3A_82 : vector<16xf32>
      %swap3A = arith.index_cast %mul3A_75 : i32 to index
      %swap3A_83 = tpu.vector_load %arg9[%swap3A] {strides = array<i32>} : memref<2048xf32, #tpu.memory_space<vmem>>, vector<16xf32>,
      tpu.vector_store %arg9[%swap3A], %sub3A {strides = array<i32>} : memref<2048xf32, #tpu.memory_space<vmem>>, vector<16xf32>,
      %scan3A_84 = arith.constant 0 : i32
      scf.yield %scan3A_84 : i32
    }
    %scan3A_6 = arith.constant 16 : i32
    %run_scoped3A_7 = arith.constant 1 : i32
    "tpu.region"() ({
      %run_scoped3A_63 = tpu.sem_alloc : memref<!tpu.dma_semaphore, #tpu.memory_space<semaphore_mem>>
      %dma_start3A = arith.constant 0 : i32
      %dma_start3A_64 = tpu.memref_slice %arg4[%add3A, %run_scoped3A_7, %dma_start3A] : memref<32x8x23040xi32, #tpu.memory_space<hbm>> -> memref<1x1x23040xi32, #tpu.memory_space<hbm>>
      %dma_start3A_65 = tpu.memref_squeeze %dma_start3A_64 : memref<1x1x23040xi32, #tpu.memory_space<hbm>> -> memref<23040xi32, #tpu.memory_space<hbm>>
      %dma_start3A_66 = arith.constant 0 : i32
      %dma_start3A_67 = tpu.memref_slice %arg4[%add3A, %run_scoped3A_7, %dma_start3A_66] : memref<32x8x23040xi32, #tpu.memory_space<hbm>> -> memref<1x1x23040xi32, #tpu.memory_space<hbm>>
      %dma_start3A_68 = tpu.memref_squeeze %dma_start3A_67 : memref<1x1x23040xi32, #tpu.memory_space<hbm>> -> memref<23040xi32, #tpu.memory_space<hbm>>
      tpu.enqueue_dma source(%dma_start3A_68 : memref<23040xi32, #tpu.memory_space<hbm>>) target(%arg7 : memref<23040xi32, #tpu.memory_space<vmem>>) target_semaphore(%run_scoped3A_63 : memref<!tpu.dma_semaphore, #tpu.memory_space<semaphore_mem>>)
      %dma_wait3A = arith.constant 0 : i32
      %dma_wait3A_69 = tpu.memref_slice %arg4[%add3A, %run_scoped3A_7, %dma_wait3A] : memref<32x8x23040xi32, #tpu.memory_space<hbm>> -> memref<1x1x23040xi32, #tpu.memory_space<hbm>>
      %dma_wait3A_70 = tpu.memref_squeeze %dma_wait3A_69 : memref<1x1x23040xi32, #tpu.memory_space<hbm>> -> memref<23040xi32, #tpu.memory_space<hbm>>
      %dma_wait3A_71 = arith.constant 0 : i32
      %dma_wait3A_72 = tpu.memref_slice %arg4[%add3A, %run_scoped3A_7, %dma_wait3A_71] : memref<32x8x23040xi32, #tpu.memory_space<hbm>> -> memref<1x1x23040xi32, #tpu.memory_space<hbm>>
      %dma_wait3A_73 = tpu.memref_squeeze %dma_wait3A_72 : memref<1x1x23040xi32, #tpu.memory_space<hbm>> -> memref<23040xi32, #tpu.memory_space<hbm>>
      tpu.wait_dma2 semaphore(%run_scoped3A_63 : memref<!tpu.dma_semaphore, #tpu.memory_space<semaphore_mem>>) src(%dma_wait3A_73 : memref<23040xi32, #tpu.memory_space<hbm>>) dst(%arg7 : memref<23040xi32, #tpu.memory_space<vmem>>)
      tpu.yield
    }) : () -> ()
    %scan3A_8 = arith.constant 0 : i32
    %scan3A_9 = arith.constant 0 : i32
    %scan3A_10 = arith.constant 16 : i32
    %scan3A_11 = arith.addi %scan3A_9, %scan3A_10 : i32
    %scan3A_12 = arith.constant 1 : i32
    %scan3A_13 = scf.for %scan3A_63 = %scan3A_9 to %scan3A_11 step %scan3A_12 iter_args(%scan3A_64 = %scan3A_8) -> (i32)  : i32 {
      %broadcast_in_dim3A = arith.constant 0.000000e+00 : f32
      %broadcast_in_dim3A_65 = vector.broadcast %broadcast_in_dim3A : f32 to vector<16xf32>
      %scan3A_66 = arith.constant 0 : i32
      %scan3A_67 = arith.constant 90 : i32
      %scan3A_68 = arith.addi %scan3A_66, %scan3A_67 : i32
      %scan3A_69 = arith.constant 1 : i32
      %scan3A_70 = scf.for %scan3A_85 = %scan3A_66 to %scan3A_68 step %scan3A_69 iter_args(%scan3A_86 = %broadcast_in_dim3A_65) -> (vector<16xf32>)  : i32 {
        %mul3A_87 = arith.constant 90 : i32
        %mul3A_88 = arith.muli %scan3A_63, %mul3A_87 : i32
        %add3A_89 = arith.addi %mul3A_88, %scan3A_85 : i32
        %mul3A_90 = arith.constant 16 : i32
        %mul3A_91 = arith.muli %add3A_89, %mul3A_90 : i32
        %get3A_92 = arith.index_cast %mul3A_91 : i32 to index
        %get3A_93 = tpu.vector_load %arg7[%get3A_92] {strides = array<i32>} : memref<23040xi32, #tpu.memory_space<vmem>>, vector<16xi32>,
        %gather3A = tpu.vector_load_idx %arg6[%get3A_93] : memref<23040xf32, #tpu.memory_space<vmem>>[vector<16xi32>], vector<16xf32>,
        %add3A_94 = arith.addf %scan3A_86, %gather3A : vector<16xf32>
        scf.yield %add3A_94 : vector<16xf32>
      }
      %scan3A_71 = arith.constant 90 : i32
      %add3A_72 = arith.constant 16 : i32
      %add3A_73 = arith.addi %add3A_72, %scan3A_63 : i32
      %mul3A_74 = arith.constant 16 : i32
      %mul3A_75 = arith.muli %add3A_73, %mul3A_74 : i32
      %get3A = arith.index_cast %mul3A_75 : i32 to index
      %get3A_76 = tpu.vector_load %arg8[%get3A] {strides = array<i32>} : memref<2048xf32, #tpu.memory_space<vmem>>, vector<16xf32>,
      %mul3A_77 = arith.constant 2.000000e+00 : f32
      %mul3A_78 = vector.broadcast %mul3A_77 : f32 to vector<16xf32>
      %mul3A_79 = arith.mulf %get3A_76, %mul3A_78 : vector<16xf32>
      %mul3A_80 = arith.constant 0.0111111114 : f32
      %mul3A_81 = vector.broadcast %mul3A_80 : f32 to vector<16xf32>
      %mul3A_82 = arith.mulf %scan3A_70, %mul3A_81 : vector<16xf32>
      %sub3A = arith.subf %mul3A_79, %mul3A_82 : vector<16xf32>
      %swap3A = arith.index_cast %mul3A_75 : i32 to index
      %swap3A_83 = tpu.vector_load %arg9[%swap3A] {strides = array<i32>} : memref<2048xf32, #tpu.memory_space<vmem>>, vector<16xf32>,
      tpu.vector_store %arg9[%swap3A], %sub3A {strides = array<i32>} : memref<2048xf32, #tpu.memory_space<vmem>>, vector<16xf32>,
      %scan3A_84 = arith.constant 0 : i32
      scf.yield %scan3A_84 : i32
    }
    %scan3A_14 = arith.constant 16 : i32
    %run_scoped3A_15 = arith.constant 2 : i32
    "tpu.region"() ({
      %run_scoped3A_63 = tpu.sem_alloc : memref<!tpu.dma_semaphore, #tpu.memory_space<semaphore_mem>>
      %dma_start3A = arith.constant 0 : i32
      %dma_start3A_64 = tpu.memref_slice %arg4[%add3A, %run_scoped3A_15, %dma_start3A] : memref<32x8x23040xi32, #tpu.memory_space<hbm>> -> memref<1x1x23040xi32, #tpu.memory_space<hbm>>
      %dma_start3A_65 = tpu.memref_squeeze %dma_start3A_64 : memref<1x1x23040xi32, #tpu.memory_space<hbm>> -> memref<23040xi32, #tpu.memory_space<hbm>>
      %dma_start3A_66 = arith.constant 0 : i32
      %dma_start3A_67 = tpu.memref_slice %arg4[%add3A, %run_scoped3A_15, %dma_start3A_66] : memref<32x8x23040xi32, #tpu.memory_space<hbm>> -> memref<1x1x23040xi32, #tpu.memory_space<hbm>>
      %dma_start3A_68 = tpu.memref_squeeze %dma_start3A_67 : memref<1x1x23040xi32, #tpu.memory_space<hbm>> -> memref<23040xi32, #tpu.memory_space<hbm>>
      tpu.enqueue_dma source(%dma_start3A_68 : memref<23040xi32, #tpu.memory_space<hbm>>) target(%arg7 : memref<23040xi32, #tpu.memory_space<vmem>>) target_semaphore(%run_scoped3A_63 : memref<!tpu.dma_semaphore, #tpu.memory_space<semaphore_mem>>)
      %dma_wait3A = arith.constant 0 : i32
      %dma_wait3A_69 = tpu.memref_slice %arg4[%add3A, %run_scoped3A_15, %dma_wait3A] : memref<32x8x23040xi32, #tpu.memory_space<hbm>> -> memref<1x1x23040xi32, #tpu.memory_space<hbm>>
      %dma_wait3A_70 = tpu.memref_squeeze %dma_wait3A_69 : memref<1x1x23040xi32, #tpu.memory_space<hbm>> -> memref<23040xi32, #tpu.memory_space<hbm>>
      %dma_wait3A_71 = arith.constant 0 : i32
      %dma_wait3A_72 = tpu.memref_slice %arg4[%add3A, %run_scoped3A_15, %dma_wait3A_71] : memref<32x8x23040xi32, #tpu.memory_space<hbm>> -> memref<1x1x23040xi32, #tpu.memory_space<hbm>>
      %dma_wait3A_73 = tpu.memref_squeeze %dma_wait3A_72 : memref<1x1x23040xi32, #tpu.memory_space<hbm>> -> memref<23040xi32, #tpu.memory_space<hbm>>
      tpu.wait_dma2 semaphore(%run_scoped3A_63 : memref<!tpu.dma_semaphore, #tpu.memory_space<semaphore_mem>>) src(%dma_wait3A_73 : memref<23040xi32, #tpu.memory_space<hbm>>) dst(%arg7 : memref<23040xi32, #tpu.memory_space<vmem>>)
      tpu.yield
    }) : () -> ()
    %scan3A_16 = arith.constant 0 : i32
    %scan3A_17 = arith.constant 0 : i32
    %scan3A_18 = arith.constant 16 : i32
    %scan3A_19 = arith.addi %scan3A_17, %scan3A_18 : i32
    %scan3A_20 = arith.constant 1 : i32
    %scan3A_21 = scf.for %scan3A_63 = %scan3A_17 to %scan3A_19 step %scan3A_20 iter_args(%scan3A_64 = %scan3A_16) -> (i32)  : i32 {
      %broadcast_in_dim3A = arith.constant 0.000000e+00 : f32
      %broadcast_in_dim3A_65 = vector.broadcast %broadcast_in_dim3A : f32 to vector<16xf32>
      %scan3A_66 = arith.constant 0 : i32
      %scan3A_67 = arith.constant 90 : i32
      %scan3A_68 = arith.addi %scan3A_66, %scan3A_67 : i32
      %scan3A_69 = arith.constant 1 : i32
      %scan3A_70 = scf.for %scan3A_85 = %scan3A_66 to %scan3A_68 step %scan3A_69 iter_args(%scan3A_86 = %broadcast_in_dim3A_65) -> (vector<16xf32>)  : i32 {
        %mul3A_87 = arith.constant 90 : i32
        %mul3A_88 = arith.muli %scan3A_63, %mul3A_87 : i32
        %add3A_89 = arith.addi %mul3A_88, %scan3A_85 : i32
        %mul3A_90 = arith.constant 16 : i32
        %mul3A_91 = arith.muli %add3A_89, %mul3A_90 : i32
        %get3A_92 = arith.index_cast %mul3A_91 : i32 to index
        %get3A_93 = tpu.vector_load %arg7[%get3A_92] {strides = array<i32>} : memref<23040xi32, #tpu.memory_space<vmem>>, vector<16xi32>,
        %gather3A = tpu.vector_load_idx %arg6[%get3A_93] : memref<23040xf32, #tpu.memory_space<vmem>>[vector<16xi32>], vector<16xf32>,
        %add3A_94 = arith.addf %scan3A_86, %gather3A : vector<16xf32>
        scf.yield %add3A_94 : vector<16xf32>
      }
      %scan3A_71 = arith.constant 90 : i32
      %add3A_72 = arith.constant 32 : i32
      %add3A_73 = arith.addi %add3A_72, %scan3A_63 : i32
      %mul3A_74 = arith.constant 16 : i32
      %mul3A_75 = arith.muli %add3A_73, %mul3A_74 : i32
      %get3A = arith.index_cast %mul3A_75 : i32 to index
      %get3A_76 = tpu.vector_load %arg8[%get3A] {strides = array<i32>} : memref<2048xf32, #tpu.memory_space<vmem>>, vector<16xf32>,
      %mul3A_77 = arith.constant 2.000000e+00 : f32
      %mul3A_78 = vector.broadcast %mul3A_77 : f32 to vector<16xf32>
      %mul3A_79 = arith.mulf %get3A_76, %mul3A_78 : vector<16xf32>
      %mul3A_80 = arith.constant 0.0111111114 : f32
      %mul3A_81 = vector.broadcast %mul3A_80 : f32 to vector<16xf32>
      %mul3A_82 = arith.mulf %scan3A_70, %mul3A_81 : vector<16xf32>
      %sub3A = arith.subf %mul3A_79, %mul3A_82 : vector<16xf32>
      %swap3A = arith.index_cast %mul3A_75 : i32 to index
      %swap3A_83 = tpu.vector_load %arg9[%swap3A] {strides = array<i32>} : memref<2048xf32, #tpu.memory_space<vmem>>, vector<16xf32>,
      tpu.vector_store %arg9[%swap3A], %sub3A {strides = array<i32>} : memref<2048xf32, #tpu.memory_space<vmem>>, vector<16xf32>,
      %scan3A_84 = arith.constant 0 : i32
      scf.yield %scan3A_84 : i32
    }
    %scan3A_22 = arith.constant 16 : i32
    %run_scoped3A_23 = arith.constant 3 : i32
    "tpu.region"() ({
      %run_scoped3A_63 = tpu.sem_alloc : memref<!tpu.dma_semaphore, #tpu.memory_space<semaphore_mem>>
      %dma_start3A = arith.constant 0 : i32
      %dma_start3A_64 = tpu.memref_slice %arg4[%add3A, %run_scoped3A_23, %dma_start3A] : memref<32x8x23040xi32, #tpu.memory_space<hbm>> -> memref<1x1x23040xi32, #tpu.memory_space<hbm>>
      %dma_start3A_65 = tpu.memref_squeeze %dma_start3A_64 : memref<1x1x23040xi32, #tpu.memory_space<hbm>> -> memref<23040xi32, #tpu.memory_space<hbm>>
      %dma_start3A_66 = arith.constant 0 : i32
      %dma_start3A_67 = tpu.memref_slice %arg4[%add3A, %run_scoped3A_23, %dma_start3A_66] : memref<32x8x23040xi32, #tpu.memory_space<hbm>> -> memref<1x1x23040xi32, #tpu.memory_space<hbm>>
      %dma_start3A_68 = tpu.memref_squeeze %dma_start3A_67 : memref<1x1x23040xi32, #tpu.memory_space<hbm>> -> memref<23040xi32, #tpu.memory_space<hbm>>
      tpu.enqueue_dma source(%dma_start3A_68 : memref<23040xi32, #tpu.memory_space<hbm>>) target(%arg7 : memref<23040xi32, #tpu.memory_space<vmem>>) target_semaphore(%run_scoped3A_63 : memref<!tpu.dma_semaphore, #tpu.memory_space<semaphore_mem>>)
      %dma_wait3A = arith.constant 0 : i32
      %dma_wait3A_69 = tpu.memref_slice %arg4[%add3A, %run_scoped3A_23, %dma_wait3A] : memref<32x8x23040xi32, #tpu.memory_space<hbm>> -> memref<1x1x23040xi32, #tpu.memory_space<hbm>>
      %dma_wait3A_70 = tpu.memref_squeeze %dma_wait3A_69 : memref<1x1x23040xi32, #tpu.memory_space<hbm>> -> memref<23040xi32, #tpu.memory_space<hbm>>
      %dma_wait3A_71 = arith.constant 0 : i32
      %dma_wait3A_72 = tpu.memref_slice %arg4[%add3A, %run_scoped3A_23, %dma_wait3A_71] : memref<32x8x23040xi32, #tpu.memory_space<hbm>> -> memref<1x1x23040xi32, #tpu.memory_space<hbm>>
      %dma_wait3A_73 = tpu.memref_squeeze %dma_wait3A_72 : memref<1x1x23040xi32, #tpu.memory_space<hbm>> -> memref<23040xi32, #tpu.memory_space<hbm>>
      tpu.wait_dma2 semaphore(%run_scoped3A_63 : memref<!tpu.dma_semaphore, #tpu.memory_space<semaphore_mem>>) src(%dma_wait3A_73 : memref<23040xi32, #tpu.memory_space<hbm>>) dst(%arg7 : memref<23040xi32, #tpu.memory_space<vmem>>)
      tpu.yield
    }) : () -> ()
    %scan3A_24 = arith.constant 0 : i32
    %scan3A_25 = arith.constant 0 : i32
    %scan3A_26 = arith.constant 16 : i32
    %scan3A_27 = arith.addi %scan3A_25, %scan3A_26 : i32
    %scan3A_28 = arith.constant 1 : i32
    %scan3A_29 = scf.for %scan3A_63 = %scan3A_25 to %scan3A_27 step %scan3A_28 iter_args(%scan3A_64 = %scan3A_24) -> (i32)  : i32 {
      %broadcast_in_dim3A = arith.constant 0.000000e+00 : f32
      %broadcast_in_dim3A_65 = vector.broadcast %broadcast_in_dim3A : f32 to vector<16xf32>
      %scan3A_66 = arith.constant 0 : i32
      %scan3A_67 = arith.constant 90 : i32
      %scan3A_68 = arith.addi %scan3A_66, %scan3A_67 : i32
      %scan3A_69 = arith.constant 1 : i32
      %scan3A_70 = scf.for %scan3A_85 = %scan3A_66 to %scan3A_68 step %scan3A_69 iter_args(%scan3A_86 = %broadcast_in_dim3A_65) -> (vector<16xf32>)  : i32 {
        %mul3A_87 = arith.constant 90 : i32
        %mul3A_88 = arith.muli %scan3A_63, %mul3A_87 : i32
        %add3A_89 = arith.addi %mul3A_88, %scan3A_85 : i32
        %mul3A_90 = arith.constant 16 : i32
        %mul3A_91 = arith.muli %add3A_89, %mul3A_90 : i32
        %get3A_92 = arith.index_cast %mul3A_91 : i32 to index
        %get3A_93 = tpu.vector_load %arg7[%get3A_92] {strides = array<i32>} : memref<23040xi32, #tpu.memory_space<vmem>>, vector<16xi32>,
        %gather3A = tpu.vector_load_idx %arg6[%get3A_93] : memref<23040xf32, #tpu.memory_space<vmem>>[vector<16xi32>], vector<16xf32>,
        %add3A_94 = arith.addf %scan3A_86, %gather3A : vector<16xf32>
        scf.yield %add3A_94 : vector<16xf32>
      }
      %scan3A_71 = arith.constant 90 : i32
      %add3A_72 = arith.constant 48 : i32
      %add3A_73 = arith.addi %add3A_72, %scan3A_63 : i32
      %mul3A_74 = arith.constant 16 : i32
      %mul3A_75 = arith.muli %add3A_73, %mul3A_74 : i32
      %get3A = arith.index_cast %mul3A_75 : i32 to index
      %get3A_76 = tpu.vector_load %arg8[%get3A] {strides = array<i32>} : memref<2048xf32, #tpu.memory_space<vmem>>, vector<16xf32>,
      %mul3A_77 = arith.constant 2.000000e+00 : f32
      %mul3A_78 = vector.broadcast %mul3A_77 : f32 to vector<16xf32>
      %mul3A_79 = arith.mulf %get3A_76, %mul3A_78 : vector<16xf32>
      %mul3A_80 = arith.constant 0.0111111114 : f32
      %mul3A_81 = vector.broadcast %mul3A_80 : f32 to vector<16xf32>
      %mul3A_82 = arith.mulf %scan3A_70, %mul3A_81 : vector<16xf32>
      %sub3A = arith.subf %mul3A_79, %mul3A_82 : vector<16xf32>
      %swap3A = arith.index_cast %mul3A_75 : i32 to index
      %swap3A_83 = tpu.vector_load %arg9[%swap3A] {strides = array<i32>} : memref<2048xf32, #tpu.memory_space<vmem>>, vector<16xf32>,
      tpu.vector_store %arg9[%swap3A], %sub3A {strides = array<i32>} : memref<2048xf32, #tpu.memory_space<vmem>>, vector<16xf32>,
      %scan3A_84 = arith.constant 0 : i32
      scf.yield %scan3A_84 : i32
    }
    %scan3A_30 = arith.constant 16 : i32
    %run_scoped3A_31 = arith.constant 4 : i32
    "tpu.region"() ({
      %run_scoped3A_63 = tpu.sem_alloc : memref<!tpu.dma_semaphore, #tpu.memory_space<semaphore_mem>>
      %dma_start3A = arith.constant 0 : i32
      %dma_start3A_64 = tpu.memref_slice %arg4[%add3A, %run_scoped3A_31, %dma_start3A] : memref<32x8x23040xi32, #tpu.memory_space<hbm>> -> memref<1x1x23040xi32, #tpu.memory_space<hbm>>
      %dma_start3A_65 = tpu.memref_squeeze %dma_start3A_64 : memref<1x1x23040xi32, #tpu.memory_space<hbm>> -> memref<23040xi32, #tpu.memory_space<hbm>>
      %dma_start3A_66 = arith.constant 0 : i32
      %dma_start3A_67 = tpu.memref_slice %arg4[%add3A, %run_scoped3A_31, %dma_start3A_66] : memref<32x8x23040xi32, #tpu.memory_space<hbm>> -> memref<1x1x23040xi32, #tpu.memory_space<hbm>>
      %dma_start3A_68 = tpu.memref_squeeze %dma_start3A_67 : memref<1x1x23040xi32, #tpu.memory_space<hbm>> -> memref<23040xi32, #tpu.memory_space<hbm>>
      tpu.enqueue_dma source(%dma_start3A_68 : memref<23040xi32, #tpu.memory_space<hbm>>) target(%arg7 : memref<23040xi32, #tpu.memory_space<vmem>>) target_semaphore(%run_scoped3A_63 : memref<!tpu.dma_semaphore, #tpu.memory_space<semaphore_mem>>)
      %dma_wait3A = arith.constant 0 : i32
      %dma_wait3A_69 = tpu.memref_slice %arg4[%add3A, %run_scoped3A_31, %dma_wait3A] : memref<32x8x23040xi32, #tpu.memory_space<hbm>> -> memref<1x1x23040xi32, #tpu.memory_space<hbm>>
      %dma_wait3A_70 = tpu.memref_squeeze %dma_wait3A_69 : memref<1x1x23040xi32, #tpu.memory_space<hbm>> -> memref<23040xi32, #tpu.memory_space<hbm>>
      %dma_wait3A_71 = arith.constant 0 : i32
      %dma_wait3A_72 = tpu.memref_slice %arg4[%add3A, %run_scoped3A_31, %dma_wait3A_71] : memref<32x8x23040xi32, #tpu.memory_space<hbm>> -> memref<1x1x23040xi32, #tpu.memory_space<hbm>>
      %dma_wait3A_73 = tpu.memref_squeeze %dma_wait3A_72 : memref<1x1x23040xi32, #tpu.memory_space<hbm>> -> memref<23040xi32, #tpu.memory_space<hbm>>
      tpu.wait_dma2 semaphore(%run_scoped3A_63 : memref<!tpu.dma_semaphore, #tpu.memory_space<semaphore_mem>>) src(%dma_wait3A_73 : memref<23040xi32, #tpu.memory_space<hbm>>) dst(%arg7 : memref<23040xi32, #tpu.memory_space<vmem>>)
      tpu.yield
    }) : () -> ()
    %scan3A_32 = arith.constant 0 : i32
    %scan3A_33 = arith.constant 0 : i32
    %scan3A_34 = arith.constant 16 : i32
    %scan3A_35 = arith.addi %scan3A_33, %scan3A_34 : i32
    %scan3A_36 = arith.constant 1 : i32
    %scan3A_37 = scf.for %scan3A_63 = %scan3A_33 to %scan3A_35 step %scan3A_36 iter_args(%scan3A_64 = %scan3A_32) -> (i32)  : i32 {
      %broadcast_in_dim3A = arith.constant 0.000000e+00 : f32
      %broadcast_in_dim3A_65 = vector.broadcast %broadcast_in_dim3A : f32 to vector<16xf32>
      %scan3A_66 = arith.constant 0 : i32
      %scan3A_67 = arith.constant 90 : i32
      %scan3A_68 = arith.addi %scan3A_66, %scan3A_67 : i32
      %scan3A_69 = arith.constant 1 : i32
      %scan3A_70 = scf.for %scan3A_85 = %scan3A_66 to %scan3A_68 step %scan3A_69 iter_args(%scan3A_86 = %broadcast_in_dim3A_65) -> (vector<16xf32>)  : i32 {
        %mul3A_87 = arith.constant 90 : i32
        %mul3A_88 = arith.muli %scan3A_63, %mul3A_87 : i32
        %add3A_89 = arith.addi %mul3A_88, %scan3A_85 : i32
        %mul3A_90 = arith.constant 16 : i32
        %mul3A_91 = arith.muli %add3A_89, %mul3A_90 : i32
        %get3A_92 = arith.index_cast %mul3A_91 : i32 to index
        %get3A_93 = tpu.vector_load %arg7[%get3A_92] {strides = array<i32>} : memref<23040xi32, #tpu.memory_space<vmem>>, vector<16xi32>,
        %gather3A = tpu.vector_load_idx %arg6[%get3A_93] : memref<23040xf32, #tpu.memory_space<vmem>>[vector<16xi32>], vector<16xf32>,
        %add3A_94 = arith.addf %scan3A_86, %gather3A : vector<16xf32>
        scf.yield %add3A_94 : vector<16xf32>
      }
      %scan3A_71 = arith.constant 90 : i32
      %add3A_72 = arith.constant 64 : i32
      %add3A_73 = arith.addi %add3A_72, %scan3A_63 : i32
      %mul3A_74 = arith.constant 16 : i32
      %mul3A_75 = arith.muli %add3A_73, %mul3A_74 : i32
      %get3A = arith.index_cast %mul3A_75 : i32 to index
      %get3A_76 = tpu.vector_load %arg8[%get3A] {strides = array<i32>} : memref<2048xf32, #tpu.memory_space<vmem>>, vector<16xf32>,
      %mul3A_77 = arith.constant 2.000000e+00 : f32
      %mul3A_78 = vector.broadcast %mul3A_77 : f32 to vector<16xf32>
      %mul3A_79 = arith.mulf %get3A_76, %mul3A_78 : vector<16xf32>
      %mul3A_80 = arith.constant 0.0111111114 : f32
      %mul3A_81 = vector.broadcast %mul3A_80 : f32 to vector<16xf32>
      %mul3A_82 = arith.mulf %scan3A_70, %mul3A_81 : vector<16xf32>
      %sub3A = arith.subf %mul3A_79, %mul3A_82 : vector<16xf32>
      %swap3A = arith.index_cast %mul3A_75 : i32 to index
      %swap3A_83 = tpu.vector_load %arg9[%swap3A] {strides = array<i32>} : memref<2048xf32, #tpu.memory_space<vmem>>, vector<16xf32>,
      tpu.vector_store %arg9[%swap3A], %sub3A {strides = array<i32>} : memref<2048xf32, #tpu.memory_space<vmem>>, vector<16xf32>,
      %scan3A_84 = arith.constant 0 : i32
      scf.yield %scan3A_84 : i32
    }
    %scan3A_38 = arith.constant 16 : i32
    %run_scoped3A_39 = arith.constant 5 : i32
    "tpu.region"() ({
      %run_scoped3A_63 = tpu.sem_alloc : memref<!tpu.dma_semaphore, #tpu.memory_space<semaphore_mem>>
      %dma_start3A = arith.constant 0 : i32
      %dma_start3A_64 = tpu.memref_slice %arg4[%add3A, %run_scoped3A_39, %dma_start3A] : memref<32x8x23040xi32, #tpu.memory_space<hbm>> -> memref<1x1x23040xi32, #tpu.memory_space<hbm>>
      %dma_start3A_65 = tpu.memref_squeeze %dma_start3A_64 : memref<1x1x23040xi32, #tpu.memory_space<hbm>> -> memref<23040xi32, #tpu.memory_space<hbm>>
      %dma_start3A_66 = arith.constant 0 : i32
      %dma_start3A_67 = tpu.memref_slice %arg4[%add3A, %run_scoped3A_39, %dma_start3A_66] : memref<32x8x23040xi32, #tpu.memory_space<hbm>> -> memref<1x1x23040xi32, #tpu.memory_space<hbm>>
      %dma_start3A_68 = tpu.memref_squeeze %dma_start3A_67 : memref<1x1x23040xi32, #tpu.memory_space<hbm>> -> memref<23040xi32, #tpu.memory_space<hbm>>
      tpu.enqueue_dma source(%dma_start3A_68 : memref<23040xi32, #tpu.memory_space<hbm>>) target(%arg7 : memref<23040xi32, #tpu.memory_space<vmem>>) target_semaphore(%run_scoped3A_63 : memref<!tpu.dma_semaphore, #tpu.memory_space<semaphore_mem>>)
      %dma_wait3A = arith.constant 0 : i32
      %dma_wait3A_69 = tpu.memref_slice %arg4[%add3A, %run_scoped3A_39, %dma_wait3A] : memref<32x8x23040xi32, #tpu.memory_space<hbm>> -> memref<1x1x23040xi32, #tpu.memory_space<hbm>>
      %dma_wait3A_70 = tpu.memref_squeeze %dma_wait3A_69 : memref<1x1x23040xi32, #tpu.memory_space<hbm>> -> memref<23040xi32, #tpu.memory_space<hbm>>
      %dma_wait3A_71 = arith.constant 0 : i32
      %dma_wait3A_72 = tpu.memref_slice %arg4[%add3A, %run_scoped3A_39, %dma_wait3A_71] : memref<32x8x23040xi32, #tpu.memory_space<hbm>> -> memref<1x1x23040xi32, #tpu.memory_space<hbm>>
      %dma_wait3A_73 = tpu.memref_squeeze %dma_wait3A_72 : memref<1x1x23040xi32, #tpu.memory_space<hbm>> -> memref<23040xi32, #tpu.memory_space<hbm>>
      tpu.wait_dma2 semaphore(%run_scoped3A_63 : memref<!tpu.dma_semaphore, #tpu.memory_space<semaphore_mem>>) src(%dma_wait3A_73 : memref<23040xi32, #tpu.memory_space<hbm>>) dst(%arg7 : memref<23040xi32, #tpu.memory_space<vmem>>)
      tpu.yield
    }) : () -> ()
    %scan3A_40 = arith.constant 0 : i32
    %scan3A_41 = arith.constant 0 : i32
    %scan3A_42 = arith.constant 16 : i32
    %scan3A_43 = arith.addi %scan3A_41, %scan3A_42 : i32
    %scan3A_44 = arith.constant 1 : i32
    %scan3A_45 = scf.for %scan3A_63 = %scan3A_41 to %scan3A_43 step %scan3A_44 iter_args(%scan3A_64 = %scan3A_40) -> (i32)  : i32 {
      %broadcast_in_dim3A = arith.constant 0.000000e+00 : f32
      %broadcast_in_dim3A_65 = vector.broadcast %broadcast_in_dim3A : f32 to vector<16xf32>
      %scan3A_66 = arith.constant 0 : i32
      %scan3A_67 = arith.constant 90 : i32
      %scan3A_68 = arith.addi %scan3A_66, %scan3A_67 : i32
      %scan3A_69 = arith.constant 1 : i32
      %scan3A_70 = scf.for %scan3A_85 = %scan3A_66 to %scan3A_68 step %scan3A_69 iter_args(%scan3A_86 = %broadcast_in_dim3A_65) -> (vector<16xf32>)  : i32 {
        %mul3A_87 = arith.constant 90 : i32
        %mul3A_88 = arith.muli %scan3A_63, %mul3A_87 : i32
        %add3A_89 = arith.addi %mul3A_88, %scan3A_85 : i32
        %mul3A_90 = arith.constant 16 : i32
        %mul3A_91 = arith.muli %add3A_89, %mul3A_90 : i32
        %get3A_92 = arith.index_cast %mul3A_91 : i32 to index
        %get3A_93 = tpu.vector_load %arg7[%get3A_92] {strides = array<i32>} : memref<23040xi32, #tpu.memory_space<vmem>>, vector<16xi32>,
        %gather3A = tpu.vector_load_idx %arg6[%get3A_93] : memref<23040xf32, #tpu.memory_space<vmem>>[vector<16xi32>], vector<16xf32>,
        %add3A_94 = arith.addf %scan3A_86, %gather3A : vector<16xf32>
        scf.yield %add3A_94 : vector<16xf32>
      }
      %scan3A_71 = arith.constant 90 : i32
      %add3A_72 = arith.constant 80 : i32
      %add3A_73 = arith.addi %add3A_72, %scan3A_63 : i32
      %mul3A_74 = arith.constant 16 : i32
      %mul3A_75 = arith.muli %add3A_73, %mul3A_74 : i32
      %get3A = arith.index_cast %mul3A_75 : i32 to index
      %get3A_76 = tpu.vector_load %arg8[%get3A] {strides = array<i32>} : memref<2048xf32, #tpu.memory_space<vmem>>, vector<16xf32>,
      %mul3A_77 = arith.constant 2.000000e+00 : f32
      %mul3A_78 = vector.broadcast %mul3A_77 : f32 to vector<16xf32>
      %mul3A_79 = arith.mulf %get3A_76, %mul3A_78 : vector<16xf32>
      %mul3A_80 = arith.constant 0.0111111114 : f32
      %mul3A_81 = vector.broadcast %mul3A_80 : f32 to vector<16xf32>
      %mul3A_82 = arith.mulf %scan3A_70, %mul3A_81 : vector<16xf32>
      %sub3A = arith.subf %mul3A_79, %mul3A_82 : vector<16xf32>
      %swap3A = arith.index_cast %mul3A_75 : i32 to index
      %swap3A_83 = tpu.vector_load %arg9[%swap3A] {strides = array<i32>} : memref<2048xf32, #tpu.memory_space<vmem>>, vector<16xf32>,
      tpu.vector_store %arg9[%swap3A], %sub3A {strides = array<i32>} : memref<2048xf32, #tpu.memory_space<vmem>>, vector<16xf32>,
      %scan3A_84 = arith.constant 0 : i32
      scf.yield %scan3A_84 : i32
    }
    %scan3A_46 = arith.constant 16 : i32
    %run_scoped3A_47 = arith.constant 6 : i32
    "tpu.region"() ({
      %run_scoped3A_63 = tpu.sem_alloc : memref<!tpu.dma_semaphore, #tpu.memory_space<semaphore_mem>>
      %dma_start3A = arith.constant 0 : i32
      %dma_start3A_64 = tpu.memref_slice %arg4[%add3A, %run_scoped3A_47, %dma_start3A] : memref<32x8x23040xi32, #tpu.memory_space<hbm>> -> memref<1x1x23040xi32, #tpu.memory_space<hbm>>
      %dma_start3A_65 = tpu.memref_squeeze %dma_start3A_64 : memref<1x1x23040xi32, #tpu.memory_space<hbm>> -> memref<23040xi32, #tpu.memory_space<hbm>>
      %dma_start3A_66 = arith.constant 0 : i32
      %dma_start3A_67 = tpu.memref_slice %arg4[%add3A, %run_scoped3A_47, %dma_start3A_66] : memref<32x8x23040xi32, #tpu.memory_space<hbm>> -> memref<1x1x23040xi32, #tpu.memory_space<hbm>>
      %dma_start3A_68 = tpu.memref_squeeze %dma_start3A_67 : memref<1x1x23040xi32, #tpu.memory_space<hbm>> -> memref<23040xi32, #tpu.memory_space<hbm>>
      tpu.enqueue_dma source(%dma_start3A_68 : memref<23040xi32, #tpu.memory_space<hbm>>) target(%arg7 : memref<23040xi32, #tpu.memory_space<vmem>>) target_semaphore(%run_scoped3A_63 : memref<!tpu.dma_semaphore, #tpu.memory_space<semaphore_mem>>)
      %dma_wait3A = arith.constant 0 : i32
      %dma_wait3A_69 = tpu.memref_slice %arg4[%add3A, %run_scoped3A_47, %dma_wait3A] : memref<32x8x23040xi32, #tpu.memory_space<hbm>> -> memref<1x1x23040xi32, #tpu.memory_space<hbm>>
      %dma_wait3A_70 = tpu.memref_squeeze %dma_wait3A_69 : memref<1x1x23040xi32, #tpu.memory_space<hbm>> -> memref<23040xi32, #tpu.memory_space<hbm>>
      %dma_wait3A_71 = arith.constant 0 : i32
      %dma_wait3A_72 = tpu.memref_slice %arg4[%add3A, %run_scoped3A_47, %dma_wait3A_71] : memref<32x8x23040xi32, #tpu.memory_space<hbm>> -> memref<1x1x23040xi32, #tpu.memory_space<hbm>>
      %dma_wait3A_73 = tpu.memref_squeeze %dma_wait3A_72 : memref<1x1x23040xi32, #tpu.memory_space<hbm>> -> memref<23040xi32, #tpu.memory_space<hbm>>
      tpu.wait_dma2 semaphore(%run_scoped3A_63 : memref<!tpu.dma_semaphore, #tpu.memory_space<semaphore_mem>>) src(%dma_wait3A_73 : memref<23040xi32, #tpu.memory_space<hbm>>) dst(%arg7 : memref<23040xi32, #tpu.memory_space<vmem>>)
      tpu.yield
    }) : () -> ()
    %scan3A_48 = arith.constant 0 : i32
    %scan3A_49 = arith.constant 0 : i32
    %scan3A_50 = arith.constant 16 : i32
    %scan3A_51 = arith.addi %scan3A_49, %scan3A_50 : i32
    %scan3A_52 = arith.constant 1 : i32
    %scan3A_53 = scf.for %scan3A_63 = %scan3A_49 to %scan3A_51 step %scan3A_52 iter_args(%scan3A_64 = %scan3A_48) -> (i32)  : i32 {
      %broadcast_in_dim3A = arith.constant 0.000000e+00 : f32
      %broadcast_in_dim3A_65 = vector.broadcast %broadcast_in_dim3A : f32 to vector<16xf32>
      %scan3A_66 = arith.constant 0 : i32
      %scan3A_67 = arith.constant 90 : i32
      %scan3A_68 = arith.addi %scan3A_66, %scan3A_67 : i32
      %scan3A_69 = arith.constant 1 : i32
      %scan3A_70 = scf.for %scan3A_85 = %scan3A_66 to %scan3A_68 step %scan3A_69 iter_args(%scan3A_86 = %broadcast_in_dim3A_65) -> (vector<16xf32>)  : i32 {
        %mul3A_87 = arith.constant 90 : i32
        %mul3A_88 = arith.muli %scan3A_63, %mul3A_87 : i32
        %add3A_89 = arith.addi %mul3A_88, %scan3A_85 : i32
        %mul3A_90 = arith.constant 16 : i32
        %mul3A_91 = arith.muli %add3A_89, %mul3A_90 : i32
        %get3A_92 = arith.index_cast %mul3A_91 : i32 to index
        %get3A_93 = tpu.vector_load %arg7[%get3A_92] {strides = array<i32>} : memref<23040xi32, #tpu.memory_space<vmem>>, vector<16xi32>,
        %gather3A = tpu.vector_load_idx %arg6[%get3A_93] : memref<23040xf32, #tpu.memory_space<vmem>>[vector<16xi32>], vector<16xf32>,
        %add3A_94 = arith.addf %scan3A_86, %gather3A : vector<16xf32>
        scf.yield %add3A_94 : vector<16xf32>
      }
      %scan3A_71 = arith.constant 90 : i32
      %add3A_72 = arith.constant 96 : i32
      %add3A_73 = arith.addi %add3A_72, %scan3A_63 : i32
      %mul3A_74 = arith.constant 16 : i32
      %mul3A_75 = arith.muli %add3A_73, %mul3A_74 : i32
      %get3A = arith.index_cast %mul3A_75 : i32 to index
      %get3A_76 = tpu.vector_load %arg8[%get3A] {strides = array<i32>} : memref<2048xf32, #tpu.memory_space<vmem>>, vector<16xf32>,
      %mul3A_77 = arith.constant 2.000000e+00 : f32
      %mul3A_78 = vector.broadcast %mul3A_77 : f32 to vector<16xf32>
      %mul3A_79 = arith.mulf %get3A_76, %mul3A_78 : vector<16xf32>
      %mul3A_80 = arith.constant 0.0111111114 : f32
      %mul3A_81 = vector.broadcast %mul3A_80 : f32 to vector<16xf32>
      %mul3A_82 = arith.mulf %scan3A_70, %mul3A_81 : vector<16xf32>
      %sub3A = arith.subf %mul3A_79, %mul3A_82 : vector<16xf32>
      %swap3A = arith.index_cast %mul3A_75 : i32 to index
      %swap3A_83 = tpu.vector_load %arg9[%swap3A] {strides = array<i32>} : memref<2048xf32, #tpu.memory_space<vmem>>, vector<16xf32>,
      tpu.vector_store %arg9[%swap3A], %sub3A {strides = array<i32>} : memref<2048xf32, #tpu.memory_space<vmem>>, vector<16xf32>,
      %scan3A_84 = arith.constant 0 : i32
      scf.yield %scan3A_84 : i32
    }
    %scan3A_54 = arith.constant 16 : i32
    %run_scoped3A_55 = arith.constant 7 : i32
    "tpu.region"() ({
      %run_scoped3A_63 = tpu.sem_alloc : memref<!tpu.dma_semaphore, #tpu.memory_space<semaphore_mem>>
      %dma_start3A = arith.constant 0 : i32
      %dma_start3A_64 = tpu.memref_slice %arg4[%add3A, %run_scoped3A_55, %dma_start3A] : memref<32x8x23040xi32, #tpu.memory_space<hbm>> -> memref<1x1x23040xi32, #tpu.memory_space<hbm>>
      %dma_start3A_65 = tpu.memref_squeeze %dma_start3A_64 : memref<1x1x23040xi32, #tpu.memory_space<hbm>> -> memref<23040xi32, #tpu.memory_space<hbm>>
      %dma_start3A_66 = arith.constant 0 : i32
      %dma_start3A_67 = tpu.memref_slice %arg4[%add3A, %run_scoped3A_55, %dma_start3A_66] : memref<32x8x23040xi32, #tpu.memory_space<hbm>> -> memref<1x1x23040xi32, #tpu.memory_space<hbm>>
      %dma_start3A_68 = tpu.memref_squeeze %dma_start3A_67 : memref<1x1x23040xi32, #tpu.memory_space<hbm>> -> memref<23040xi32, #tpu.memory_space<hbm>>
      tpu.enqueue_dma source(%dma_start3A_68 : memref<23040xi32, #tpu.memory_space<hbm>>) target(%arg7 : memref<23040xi32, #tpu.memory_space<vmem>>) target_semaphore(%run_scoped3A_63 : memref<!tpu.dma_semaphore, #tpu.memory_space<semaphore_mem>>)
      %dma_wait3A = arith.constant 0 : i32
      %dma_wait3A_69 = tpu.memref_slice %arg4[%add3A, %run_scoped3A_55, %dma_wait3A] : memref<32x8x23040xi32, #tpu.memory_space<hbm>> -> memref<1x1x23040xi32, #tpu.memory_space<hbm>>
      %dma_wait3A_70 = tpu.memref_squeeze %dma_wait3A_69 : memref<1x1x23040xi32, #tpu.memory_space<hbm>> -> memref<23040xi32, #tpu.memory_space<hbm>>
      %dma_wait3A_71 = arith.constant 0 : i32
      %dma_wait3A_72 = tpu.memref_slice %arg4[%add3A, %run_scoped3A_55, %dma_wait3A_71] : memref<32x8x23040xi32, #tpu.memory_space<hbm>> -> memref<1x1x23040xi32, #tpu.memory_space<hbm>>
      %dma_wait3A_73 = tpu.memref_squeeze %dma_wait3A_72 : memref<1x1x23040xi32, #tpu.memory_space<hbm>> -> memref<23040xi32, #tpu.memory_space<hbm>>
      tpu.wait_dma2 semaphore(%run_scoped3A_63 : memref<!tpu.dma_semaphore, #tpu.memory_space<semaphore_mem>>) src(%dma_wait3A_73 : memref<23040xi32, #tpu.memory_space<hbm>>) dst(%arg7 : memref<23040xi32, #tpu.memory_space<vmem>>)
      tpu.yield
    }) : () -> ()
    %scan3A_56 = arith.constant 0 : i32
    %scan3A_57 = arith.constant 0 : i32
    %scan3A_58 = arith.constant 16 : i32
    %scan3A_59 = arith.addi %scan3A_57, %scan3A_58 : i32
    %scan3A_60 = arith.constant 1 : i32
    %scan3A_61 = scf.for %scan3A_63 = %scan3A_57 to %scan3A_59 step %scan3A_60 iter_args(%scan3A_64 = %scan3A_56) -> (i32)  : i32 {
      %broadcast_in_dim3A = arith.constant 0.000000e+00 : f32
      %broadcast_in_dim3A_65 = vector.broadcast %broadcast_in_dim3A : f32 to vector<16xf32>
      %scan3A_66 = arith.constant 0 : i32
      %scan3A_67 = arith.constant 90 : i32
      %scan3A_68 = arith.addi %scan3A_66, %scan3A_67 : i32
      %scan3A_69 = arith.constant 1 : i32
      %scan3A_70 = scf.for %scan3A_85 = %scan3A_66 to %scan3A_68 step %scan3A_69 iter_args(%scan3A_86 = %broadcast_in_dim3A_65) -> (vector<16xf32>)  : i32 {
        %mul3A_87 = arith.constant 90 : i32
        %mul3A_88 = arith.muli %scan3A_63, %mul3A_87 : i32
        %add3A_89 = arith.addi %mul3A_88, %scan3A_85 : i32
        %mul3A_90 = arith.constant 16 : i32
        %mul3A_91 = arith.muli %add3A_89, %mul3A_90 : i32
        %get3A_92 = arith.index_cast %mul3A_91 : i32 to index
        %get3A_93 = tpu.vector_load %arg7[%get3A_92] {strides = array<i32>} : memref<23040xi32, #tpu.memory_space<vmem>>, vector<16xi32>,
        %gather3A = tpu.vector_load_idx %arg6[%get3A_93] : memref<23040xf32, #tpu.memory_space<vmem>>[vector<16xi32>], vector<16xf32>,
        %add3A_94 = arith.addf %scan3A_86, %gather3A : vector<16xf32>
        scf.yield %add3A_94 : vector<16xf32>
      }
      %scan3A_71 = arith.constant 90 : i32
      %add3A_72 = arith.constant 112 : i32
      %add3A_73 = arith.addi %add3A_72, %scan3A_63 : i32
      %mul3A_74 = arith.constant 16 : i32
      %mul3A_75 = arith.muli %add3A_73, %mul3A_74 : i32
      %get3A = arith.index_cast %mul3A_75 : i32 to index
      %get3A_76 = tpu.vector_load %arg8[%get3A] {strides = array<i32>} : memref<2048xf32, #tpu.memory_space<vmem>>, vector<16xf32>,
      %mul3A_77 = arith.constant 2.000000e+00 : f32
      %mul3A_78 = vector.broadcast %mul3A_77 : f32 to vector<16xf32>
      %mul3A_79 = arith.mulf %get3A_76, %mul3A_78 : vector<16xf32>
      %mul3A_80 = arith.constant 0.0111111114 : f32
      %mul3A_81 = vector.broadcast %mul3A_80 : f32 to vector<16xf32>
      %mul3A_82 = arith.mulf %scan3A_70, %mul3A_81 : vector<16xf32>
      %sub3A = arith.subf %mul3A_79, %mul3A_82 : vector<16xf32>
      %swap3A = arith.index_cast %mul3A_75 : i32 to index
      %swap3A_83 = tpu.vector_load %arg9[%swap3A] {strides = array<i32>} : memref<2048xf32, #tpu.memory_space<vmem>>, vector<16xf32>,
      tpu.vector_store %arg9[%swap3A], %sub3A {strides = array<i32>} : memref<2048xf32, #tpu.memory_space<vmem>>, vector<16xf32>,
      %scan3A_84 = arith.constant 0 : i32
      scf.yield %scan3A_84 : i32
    }
    %scan3A_62 = arith.constant 16 : i32
    "tpu.region"() ({
      %run_scoped3A_63 = tpu.sem_alloc : memref<!tpu.dma_semaphore, #tpu.memory_space<semaphore_mem>>
      %dma_start3A = arith.constant 0 : i32
      %dma_start3A_64 = tpu.memref_slice %arg5[%add3A, %dma_start3A] : memref<32x2048xf32, #tpu.memory_space<hbm>> -> memref<1x2048xf32, #tpu.memory_space<hbm>>
      %dma_start3A_65 = tpu.memref_squeeze %dma_start3A_64 : memref<1x2048xf32, #tpu.memory_space<hbm>> -> memref<2048xf32, #tpu.memory_space<hbm>>
      %dma_start3A_66 = arith.constant 0 : i32
      %dma_start3A_67 = tpu.memref_slice %arg5[%add3A, %dma_start3A_66] : memref<32x2048xf32, #tpu.memory_space<hbm>> -> memref<1x2048xf32, #tpu.memory_space<hbm>>
      %dma_start3A_68 = tpu.memref_squeeze %dma_start3A_67 : memref<1x2048xf32, #tpu.memory_space<hbm>> -> memref<2048xf32, #tpu.memory_space<hbm>>
      tpu.enqueue_dma source(%arg9 : memref<2048xf32, #tpu.memory_space<vmem>>) target(%dma_start3A_68 : memref<2048xf32, #tpu.memory_space<hbm>>) target_semaphore(%run_scoped3A_63 : memref<!tpu.dma_semaphore, #tpu.memory_space<semaphore_mem>>)
      %dma_wait3A = arith.constant 0 : i32
      %dma_wait3A_69 = tpu.memref_slice %arg5[%add3A, %dma_wait3A] : memref<32x2048xf32, #tpu.memory_space<hbm>> -> memref<1x2048xf32, #tpu.memory_space<hbm>>
      %dma_wait3A_70 = tpu.memref_squeeze %dma_wait3A_69 : memref<1x2048xf32, #tpu.memory_space<hbm>> -> memref<2048xf32, #tpu.memory_space<hbm>>
      %dma_wait3A_71 = arith.constant 0 : i32
      %dma_wait3A_72 = tpu.memref_slice %arg5[%add3A, %dma_wait3A_71] : memref<32x2048xf32, #tpu.memory_space<hbm>> -> memref<1x2048xf32, #tpu.memory_space<hbm>>
      %dma_wait3A_73 = tpu.memref_squeeze %dma_wait3A_72 : memref<1x2048xf32, #tpu.memory_space<hbm>> -> memref<2048xf32, #tpu.memory_space<hbm>>
      tpu.wait_dma2 semaphore(%run_scoped3A_63 : memref<!tpu.dma_semaphore, #tpu.memory_space<semaphore_mem>>) src(%arg9 : memref<2048xf32, #tpu.memory_space<vmem>>) dst(%dma_wait3A_73 : memref<2048xf32, #tpu.memory_space<hbm>>)
      tpu.yield
    }) : () -> ()
    return
  }
}

</mosaic_0001>

<sc_bundles>
// kernel: kernel.11.cloned.1.call-start
scs
__scs_entry_jumppad:
0x0: {  	(pc) =	sbr.rel $0x88, $3  }
0x1: {  	(tag) =	ssettag $0x0;
	lr =	simm.s32 $0x1  }
0x2: {  	[smem:$0x3FA0] =	sst lr;
	_ =	strace $0xD0000000  }
0x3: {  	_ = 	snop  }
0x4: {  	_ = 	snop  }
0x5: {  	_ = 	snop  }
0x6: {  	_ = 	snop  }
0x7: {  	_ = 	snop  }
__scs_overlays_trampoline_lowered:
0x8: {  	[smem:$0x3FAF] =	sst s0  }
0x9: {  	[smem:$0x3FB0] =	sst s1  }
0xa: {  	[smem:$0x3FB1] =	sst s2  }
0xb: {  	[smem:$0x3FB2] =	sst s3  }
0xc: {  	[smem:$0x3FB3] =	sst s4  }
0xd: {  	[smem:$0x3FB4] =	sst s5  }
0xe: {  	[smem:$0x3FB5] =	sst s6  }
0xf: {  	[smem:$0x3FB6] =	sst s7  }
0x10: {  	[smem:$0x3FB7] =	sst s8  }
0x11: {  	[smem:$0x3FB8] =	sst s9;
	s0 =	simm.s32 @!p0 $0x0  }
0x12: {  	s1 =	sld [smem:$0x3F9E];
	s0 =	simm.s32 @p0 $0x1  }
0x13: {  	[smem:$0x3FB9] =	sst s0;
	s0 =	simm.s32 @!p1 $0x0  }
0x14: {  	s2 =	sld [smem:$0x3F9D];
	s0 =	simm.s32 @p1 $0x1  }
0x15: {  	[smem:$0x3FBA] =	sst s0;
	s0 =	simm.s32 @!p2 $0x0  }
0x16: {  	s3 =	sld [smem:$0x3FDB];
	s0 =	simm.s32 @p2 $0x1  }
0x17: {  	s4 =	simm.s32 $0x1BF5;
	[smem:$0x3FBC] =	sst s0  }
0x18: {  	s0 =	sld [smem:$0x3F9F];
	_ =	swait.ge [sflag:s4], $0x0  }
0x19: {  	s7 =	sld [smem:$0x3FA0]  }
0x1a: {  	s8 =	sadd.s32 $0xFFFFE003, lr  }
0x1b: {  	s9 =	sadd.s32 $0xFFFFFEF7, lr;
	s5 =	simm.s32 $0xFFFFFFFF;
	p2 =	slt.u32 s8, $0xFFFFF086  }
0x1c: {  	p1 =	slt.u32 s9, $0xF7A;
	s5 =	simm.s32 @!p2 $0x0  }
0x1d: {  	s5 =	simm.s32 @p1 $0x1;
	p0 =	seq.s32 s7, s2  }
0x1e: {  	s7 =	smul.u32 @!p0 $0xF7A, s2;
	p2 =	seq.s32 @!p0 s5, $0x0  }
0x1f: {  	s9 =	smul.u32 $0xF7A, s1;
	s8 =	simm.s32 @!p0 $0x1BF5;
	p2 =	por !p2, p0  }
0x20: {  	[sflag:s8] =	ssyncset.s32 @!p0 $0xFFFFF086;
	s6 =	sadd.s32 @!p0 s3, s7;
	s7 =	simm.s32 @!p0 $0x108  }
0x21: {  	s3 =	sadd.s32 s3, s9;
	s6 =	sadd.s32 @!p0 $0x88, s6;
	s7 =	simm.s32 @p2 $0x1082  }
0x22: {  	[simem:s7], [sflag:s8] =	dma.local @!p0 [hbm:s6], $0xF7A  }
0x23: {  	s9 =	sor.u32 $0xD0000000, s2;
	s6 =	simm.s32 $0x108;
	_ =	swait.ge @!p0 [sflag:s8], $0x0  }
0x24: {  	s3 =	sadd.s32 $0x88, s3;
	s6 =	simm.s32 @!p1 $0x1082;
	[sflag:s4] =	ssyncset.s32 $0xFFFFF086  }
0x25: {  	[simem:s6], [sflag:s4] =	dma.local [hbm:s3], $0xF7A  }
0x26: {  	[smem:$0x3FA0] =	sst s1;
	(tag) =	ssettag s2;
	_ =	strace s9  }
0x27: {  	s1 =	sld [smem:$0x3FB0]  }
0x28: {  	s2 =	sld [smem:$0x3FB1]  }
0x29: {  	s4 =	sld [smem:$0x3FB3]  }
0x2a: {  	p0 =	seq.s32 s5, $0x0;
	s5 =	sld [smem:$0x3FB4]  }
0x2b: {  	s6 =	sld [smem:$0x3FB5]  }
0x2c: {  	s7 =	sld [smem:$0x3FB6]  }
0x2d: {  	s3 =	simm.s32 $0x108;
	s8 =	sld [smem:$0x3FB7]  }
0x2e: {  	s3 =	simm.s32 @!p0 $0x1082;
	s9 =	sld [smem:$0x3FB8]  }
0x2f: {  	lr =	sadd.s32 s0, s3;
	s0 =	sld [smem:$0x3FAF]  }
0x30: {  	s3 =	sld [smem:$0x3FB2]  }
0x31: {  	[smem:$0x3FBB] =	sst s10  }
0x32: {  	s10 =	sld [smem:$0x3FB9];
	_ =	sdelay $0x3  }
0x33: {  	p0 =	seq.s32 s10, $0x1;
	s10 =	sld [smem:$0x3FBB];
	_ =	sdelay $0x3  }
0x34: {  	[smem:$0x3FBB] =	sst s10  }
0x35: {  	s10 =	sld [smem:$0x3FBA];
	_ =	sdelay $0x3  }
0x36: {  	p1 =	seq.s32 s10, $0x1;
	s10 =	sld [smem:$0x3FBB];
	_ =	sdelay $0x3  }
0x37: {  	[smem:$0x3FBB] =	sst s10  }
0x38: {  	s10 =	sld [smem:$0x3FBC]  }
0x39: {  	_ = 	snop;
	(pc) =	sbr.ind lr, $3  }
0x3a: {  	_ = 	snop  }
0x3b: {  	_ = 	snop  }
0x3c: {  	p2 =	seq.s32 s10, $0x1;
	s10 =	sld [smem:$0x3FBB]  }
0x3d: {  	_ =	shalt  }
0x3e: {  	_ =	shalt  }
0x3f: {  	_ =	shalt  }
0x40: {  	_ =	shalt  }
0x41: {  	_ =	shalt  }
0x42: {  	_ =	shalt  }
0x43: {  	_ =	shalt  }
0x44: {  	_ =	shalt  }
0x45: {  	_ =	shalt  }
0x46: {  	_ =	shalt  }
0x47: {  	_ =	shalt  }
0x48: {  	_ =	shalt  }
0x49: {  	_ =	shalt  }
0x4a: {  	_ =	shalt  }
0x4b: {  	_ =	shalt  }
0x4c: {  	_ =	shalt  }
0x4d: {  	_ =	shalt  }
0x4e: {  	_ =	shalt  }
0x4f: {  	_ =	shalt  }
0x50: {  	_ =	shalt  }
0x51: {  	_ =	shalt  }
0x52: {  	_ =	shalt  }
0x53: {  	_ =	shalt  }
0x54: {  	_ =	shalt  }
0x55: {  	_ =	shalt  }
0x56: {  	_ =	shalt  }
0x57: {  	_ =	shalt  }
0x58: {  	_ =	shalt  }
0x59: {  	_ =	shalt  }
0x5a: {  	_ =	shalt  }
0x5b: {  	_ =	shalt  }
0x5c: {  	_ =	shalt  }
0x5d: {  	_ =	shalt  }
0x5e: {  	_ =	shalt  }
0x5f: {  	_ =	shalt  }
0x60: {  	_ =	shalt  }
0x61: {  	_ =	shalt  }
0x62: {  	_ =	shalt  }
0x63: {  	_ =	shalt  }
0x64: {  	_ =	shalt  }
0x65: {  	_ =	shalt  }
0x66: {  	_ =	shalt  }
0x67: {  	_ =	shalt  }
0x68: {  	_ =	shalt  }
0x69: {  	_ =	shalt  }
0x6a: {  	_ =	shalt  }
0x6b: {  	_ =	shalt  }
0x6c: {  	_ =	shalt  }
0x6d: {  	_ =	shalt  }
0x6e: {  	_ =	shalt  }
0x6f: {  	_ =	shalt  }
0x70: {  	_ =	shalt  }
0x71: {  	_ =	shalt  }
0x72: {  	_ =	shalt  }
0x73: {  	_ =	shalt  }
0x74: {  	_ =	shalt  }
0x75: {  	_ =	shalt  }
0x76: {  	_ =	shalt  }
0x77: {  	_ =	shalt  }
0x78: {  	_ =	shalt  }
0x79: {  	_ =	shalt  }
0x7a: {  	_ =	shalt  }
0x7b: {  	_ =	shalt  }
0x7c: {  	_ =	shalt  }
0x7d: {  	_ =	shalt  }
0x7e: {  	_ =	shalt  }
0x7f: {  	_ =	shalt  }
0x80: {  	_ =	shalt  }
0x81: {  	_ =	shalt  }
0x82: {  	_ =	shalt  }
0x83: {  	_ =	shalt  }
0x84: {  	_ =	shalt  }
0x85: {  	_ =	shalt  }
0x86: {  	_ =	shalt  }
0x87: {  	_ =	shalt  }
.Lfunc_end0:
.L_simem_size_0:
called_computation.2_lowered:
.L_overlay_start_0:
0x88: {  	s2 =	sld [smem:$0x3FD9]  }
0x89: {  	s3 =	sld [smem:$0x3FFE];
	_ =	sdelay $0x1  }
0x8a: {  	s1 =	srdreg.scid  }
0x8b: {  	s0 =	sand.u32 $0x1, s1  }
0x8c: {  	s17 =	sshll.u32 s0, $0xA;
	s2 =	sadd.s32 s3, s2  }
0x8d: {  	s2 =	sadd.s32 s2, s17  }
0x8e: {  	[smem:$0x3FC7] =	sst s2  }
0x8f: {  	_ = 	snop  }
0x90: {  	s2 =	sld [smem:$0x3FD0];
	(tm) =	ssettm $0x1  }
0x91: {  	s18 =	sld [smem:$0x3FFB];
	_ =	sdelay $0x3  }
0x92: {  	_ =	strace s18  }
0x93: {  	s3 =	sld [smem:$0x3FFC];
	_ =	sdelay $0x3  }
0x94: {  	_ =	strace s3  }
0x95: {  	s3 =	sld [smem:$0x3FFD];
	_ =	sdelay $0x3  }
0x96: {  	_ =	strace s3  }
0x97: {  	_ =	strace $0x8FFFFFFF  }
0x98: {  	s19 =	sld [smem:$0x3FDB];
	_ =	sdelay $0x1  }
0x99: {  	s4 =	simm.s32 $_scs_section_size  }
0x9a: {  	s5 =	simm.s32 $_size__tile_overlayer_lowered;
	s6 =	simm.s32 $_tile_overlayer_lowered  }
0x9b: {  	s22 =	simm.s32 $0x1BFF;
	s21 =	sshll.u32 s6, $0x1;
	s3 =	sadd.s32 s4, s19  }
0x9c: {  	s7 =	simm.s32 $0x0;
	s20 =	sshll.u32 s5, $0x1;
	s5 =	sadd.s32 s21, s3  }
0x9d: {  	[timem:s7], [sflag:s22] =	dma.local [hbm:s5], s20  }
0x9e: {  	_ =	swait.ge [sflag:s22], s20  }
0x9f: {  	s4 =	ssub.s32 $0x0, s20;
	[sflag:s22] =	ssyncset.done $0x0  }
0xa0: {  	[sflag:s22] =	ssyncadd.s32 s4;
	_ =	sdelay $0x1  }
0xa1: {  	s23 =	simm.s32 $0x1B8B  }
0xa2: {  	_ =	swait.ge [sflag:s23], $0x1  }
0xa3: {  	[sflag:s23] =	ssyncset.done $0x0  }
0xa4: {  	s25 =	simm.s32 $0x1B8E;
	s24 =	sld [smem:$0x3FFE];
	[sflag:s23] =	ssyncadd.s32 $0xFFFFFFFF  }
0xa5: {  	s26 =	simm.s32 $execute0_lowered;
	[smem:$0x3FD2] =	sst s25  }
0xa6: {  	s5 =	sshll.u32 s26, $0x1;
	_ =	strace $0x8000004C;
	[dreg:$0x1] =	wrdreg $0xFFFFFFFF  }
0xa7: {  	s28 =	simm.s32 $_size_execute0_lowered;
	s3 =	sadd.s32 s3, s5;
	[dreg:$0x0] =	wrdreg $0x0  }
0xa8: {  	s5 =	sshll.u32 s28, $0x1;
	[dreg:$0x2] =	wrdreg s3  }
0xa9: {  	[dreg:$0x3] =	wrdreg s5  }
0xaa: {  	[dreg:$0x4] =	wrdreg $0xC0  }
0xab: {  	_ =	task [dreg:s7], $0x5FFFF  }
0xac: {  	[dreg:$0x1] =	wrdreg $0xFFFFFFFF  }
0xad: {  	[dreg:$0x0] =	wrdreg $0x60  }
0xae: {  	[dreg:$0x2] =	wrdreg s24  }
0xaf: {  	[dreg:$0x3] =	wrdreg s2  }
0xb0: {  	[dreg:$0x4] =	wrdreg $0x9  }
0xb1: {  	_ =	task.clear_ibuf [dreg:s7], $0x5FFFF;
	_ =	strace $0x9000004C  }
0xb2: {  	s29 =	simm.s32 $0x9;
	_ =	strace $0x8000004E  }
0xb3: {  	_ =	swait.ge [sflag:s29], $0x1  }
0xb4: {  	[sflag:s29] =	ssyncadd.s32 $0xFFFFFFFF  }
0xb5: {  	_ =	strace $0x9000004E  }
0xb6: {  	_ =	sfence  }
0xb7: {  	s30 =	sld [smem:$0x0];
	_ =	sdelay $0x2  }
0xb8: {  	s31 =	sshll.u32 s1, $0xD;
	s1 =	sshrl.u32 s1, $0x2  }
0xb9: {  	s3 =	sand.u32 $0x4000, s31;
	s1 =	sadd.s32 s1, s30  }
0xba: {  	s0 =	sor.u32 s3, s0;
	s1 =	sshll.u32 s1, $0x11  }
0xbb: {  	s0 =	sor.u32 s1, s0  }
0xbc: {  	s0 =	sadd.s32 $0x8F2B, s0  }
0xbd: {  	[sflag:s0] =	ssyncadd.remote.s32 $0x1  }
0xbe: {  	_ =	sfence.sel $0xFFFF  }
0xbf: {  	[dreg:$0x0] =	wrdreg $0xFFFFFFFF;
	(pc) =	sbr.abs _section_cstart, $3  }
0xc0: {  	[dreg:$0x1] =	wrdreg $0xFFFFFFFF  }
0xc1: {  	_ =	task.clear_ibuf [dreg:s7], $0x2FFFF;
	_ =	strace $0x9FFFFFFF  }
0xc2: {  	(tm) =	ssettm $0x7FFFFFFF  }
0xc3: {  	_ =	shalt  }
tec
execute0_lowered:
.L_overlay_start_1:
0x0: {  	(tag) =	ssettag $0x1  }
0x1: {  	s4 =	rddreg [dreg:$0x0]  }
0x2: {  	s1 =	srdreg.scid;
	s0 =	stileid.u32  }
0x3: {  	s13 =	rddreg [dreg:$0x1];
	s2 =	simm.s32 $0x0;
	s16 =	simm.s32 $0x80  }
0x4: {  	s17 =	simm.s32 $0x400;
	s18 =	simm.s32 $0xB400;
	s19 =	simm.s32 $0xBC00  }
0x5: {  	s5 =	sand.u32 $0x1, s1;
	s3 =	sshll.u32 s0, $0x1;
	s1 =	rddreg [dreg:$0x2]  }
0x6: {  	s20 =	simm.s32 $0x0;
	[smem:$0x7FF] =	sst s2;
	s3 =	sor.u32 s5, s3  }
0x7: {  	s6 =	sshll.u32 s0, $0x9;
	_ =	strace $0x8000004D;
	s7 =	sshll.u32 s3, $0x4  }
0x8: {  	s5 =	ssub.s32 $0x2, s5;
	s30 =	smul.u32 $0x5A00, s3;
	s6 =	sor.u32 s6, s7  }
0x9: {  	s3 =	sadd.s32 $0x3800, s4;
	s31 =	sshrl.u32 s5, $0x1;
	s14 =	sand.u32 $0x1870, s6  }
0xa: {  	s15 =	ssub.s32 s5, s31;
	s12 =	sadd.s32 s30, s4;
	s6 =	sadd.s32 s14, s4  }
0xb: {  	s5 =	sadd.s32 $0xB7800, s12;
	s7 =	sadd.s32 $0xB7820, s12;
	s8 =	sadd.s32 $0xB7830, s12  }
0xc: {  	s9 =	sadd.s32 $0xB7840, s12;
	s10 =	sadd.s32 $0xB7850, s12;
	s11 =	sadd.s32 $0xB7860, s12  }
0xd: {  	s13 =	sadd.s32 s13, s14;
	s14 =	smax.u32 s15, $0x1;
	s15 =	simm.s32 $0x1  }
0xe: {  	s4 =	sadd.s32 $0x16B800, s6;
	s6 =	sadd.s32 $0xB7810, s12;
	s12 =	sadd.s32 $0xB7870, s12  }
.LBB2_1:
0xf: {  	[tilespmem:s2], [sflag:$0x1] =	stream.linear.gather [hbm4b:s3+s2], $0x5A00, $0x38;
	[tilespmem:$0xC400] =	vst v63  }
0x10: {  	_ =	swait.ge [sflag:s15], $0x5A00  }
0x11: {  	[sflag:s15] =	ssyncset.done $0x0  }
0x12: {  	[sflag:s15] =	ssyncadd.s32 $0xFFFFA600  }
0x13: {  	[tilespmem:s18], [sflag:$0x1] =	stream.strided.gather [hbm4b:s4+s16], $0x800, s17, s16, $0x38;
	[tilespmem:$0xC400] =	vst v63  }
0x14: {  	_ =	swait.ge [sflag:s15], $0x800  }
0x15: {  	[sflag:s15] =	ssyncset.done $0x0  }
0x16: {  	s21 =	simm.s32 $0x5A00;
	[sflag:s15] =	ssyncadd.s32 $0xFFFFF800  }
0x17: {  	[tilespmem:s21], [sflag:$0x1] =	stream.strided.gather [hbm4b:s5+s16], $0x5A00, s17, s16, $0x38;
	[tilespmem:$0xC400] =	vst v63  }
0x18: {  	_ =	swait.ge [sflag:s15], $0x5A00  }
0x19: {  	[sflag:s15] =	ssyncset.done $0x0  }
0x1a: {  	s22 =	simm.s32 $0x0;
	[sflag:s15] =	ssyncadd.s32 $0xFFFFA600  }
.LBB2_2:
0x1b: {  	v1 =	vmov s21;
	_ =	sdelay $0x3  }
0x1c: {  	s23 =	simm.s32 $0x0  }
0x1d: {  	v2 =	vld.idx.msk [tilespmem:v1+s23+$0x0 ss:$0x1], $0xffff;
	_ =	sdelay $0x7  }
0x1e: {  	v0 =	vimm.f32 $0.0e+00;
	s24 =	simm.s32 $0x10;
	s23 =	simm.s32 $0x80;
	v2 =	vld.idx.msk [tilespmem:v2+s2+$0x0], $0xffff  }
.LBB2_3:
0x1f: {  	p0 =	sne.s32 s23, $0x1640;
	v3 =	vld.idx.msk [tilespmem:v1+s24+$0x0 ss:$0x1], $0xffff;
	_ =	sdelay $0x3  }
.Ltmp0:
0x20: {  	(pc) =	sbr.rel @p0 .LBB2_3-.Ltmp0, $2  }
0x21: {  	v0 =	vadd.f32 v2, v0;
	_ =	sdelay $0x2  }
0x22: {  	s24 =	sshra.s32 s23, $0x2;
	s23 =	sadd.s32 $0x40, s23;
	v2 =	vld.idx.msk [tilespmem:v3+s2+$0x0], $0xffff  }
0x23: {  	_ =	sdelay $0x3  }
0x24: {  	v1 =	vld.idx.msk [tilespmem:v1+s24+$0x0 ss:$0x1], $0xffff;
	_ =	sdelay $0x7  }
0x25: {  	v1 =	vld.idx.msk [tilespmem:v1+s2+$0x0], $0xffff  }
0x26: {  	s23 =	sshll.u32 s22, $0x4  }
0x27: {  	v3 =	vld [tilespmem:s23+$0xB400]  }
0x28: {  	v0 =	vadd.f32 v2, v0;
	_ =	sdelay $0x1  }
0x29: {  	s22 =	sadd.s32 $0x1, s22;
	v0 =	vadd.f32 v1, v0  }
0x2a: {  	p0 =	sne.s32 s22, $0x10  }
.Ltmp1:
0x2b: {  	v63 =	vadd.f32 v3, v3;
	v0 =	vmul.f32 $-1.111111140e-02, v0;
	(pc) =	sbr.rel @p0 .LBB2_2-.Ltmp1, $3  }
0x2c: {  	_ = 	snop  }
0x2d: {  	v0 =	vadd.f32 v0, v63;
	_ =	sdelay $0x1  }
0x2e: {  	s21 =	sadd.s32 $0x5A0, s21;
	[tilespmem:s23+$0xBC00] =	vst v0  }
0x2f: {  	s21 =	simm.s32 $0x5A00  }
0x30: {  	[tilespmem:s21], [sflag:$0x1] =	stream.strided.gather [hbm4b:s6+s16], $0x5A00, s17, s16, $0x38;
	[tilespmem:$0xC400] =	vst v63  }
0x31: {  	_ =	swait.ge [sflag:s15], $0x5A00  }
0x32: {  	[sflag:s15] =	ssyncset.done $0x0  }
0x33: {  	s22 =	simm.s32 $0x0;
	[sflag:s15] =	ssyncadd.s32 $0xFFFFA600  }
.LBB2_6:
0x34: {  	v1 =	vmov s21;
	_ =	sdelay $0x3  }
0x35: {  	s23 =	simm.s32 $0x0  }
0x36: {  	v2 =	vld.idx.msk [tilespmem:v1+s23+$0x0 ss:$0x1], $0xffff;
	_ =	sdelay $0x7  }
0x37: {  	v0 =	vimm.f32 $0.0e+00;
	s24 =	simm.s32 $0x10;
	s23 =	simm.s32 $0x80;
	v2 =	vld.idx.msk [tilespmem:v2+s2+$0x0], $0xffff  }
.LBB2_7:
0x38: {  	p0 =	sne.s32 s23, $0x1640;
	v3 =	vld.idx.msk [tilespmem:v1+s24+$0x0 ss:$0x1], $0xffff;
	_ =	sdelay $0x3  }
.Ltmp2:
0x39: {  	(pc) =	sbr.rel @p0 .LBB2_7-.Ltmp2, $2  }
0x3a: {  	v0 =	vadd.f32 v2, v0;
	_ =	sdelay $0x2  }
0x3b: {  	s24 =	sshra.s32 s23, $0x2;
	s23 =	sadd.s32 $0x40, s23;
	v2 =	vld.idx.msk [tilespmem:v3+s2+$0x0], $0xffff  }
0x3c: {  	_ =	sdelay $0x3  }
0x3d: {  	v1 =	vld.idx.msk [tilespmem:v1+s24+$0x0 ss:$0x1], $0xffff;
	_ =	sdelay $0x7  }
0x3e: {  	v1 =	vld.idx.msk [tilespmem:v1+s2+$0x0], $0xffff  }
0x3f: {  	s23 =	sshll.u32 s22, $0x4  }
0x40: {  	v3 =	vld [tilespmem:s23+$0xB500]  }
0x41: {  	v0 =	vadd.f32 v2, v0;
	_ =	sdelay $0x1  }
0x42: {  	s22 =	sadd.s32 $0x1, s22;
	v0 =	vadd.f32 v1, v0  }
0x43: {  	p0 =	sne.s32 s22, $0x10  }
.Ltmp3:
0x44: {  	v63 =	vadd.f32 v3, v3;
	v0 =	vmul.f32 $-1.111111140e-02, v0;
	(pc) =	sbr.rel @p0 .LBB2_6-.Ltmp3, $3  }
0x45: {  	_ = 	snop  }
0x46: {  	v0 =	vadd.f32 v0, v63;
	_ =	sdelay $0x1  }
0x47: {  	s21 =	sadd.s32 $0x5A0, s21;
	[tilespmem:s23+$0xBD00] =	vst v0  }
0x48: {  	s21 =	simm.s32 $0x5A00  }
0x49: {  	[tilespmem:s21], [sflag:$0x1] =	stream.strided.gather [hbm4b:s7+s16], $0x5A00, s17, s16, $0x38;
	[tilespmem:$0xC400] =	vst v63  }
0x4a: {  	_ =	swait.ge [sflag:s15], $0x5A00  }
0x4b: {  	[sflag:s15] =	ssyncset.done $0x0  }
0x4c: {  	s22 =	simm.s32 $0x0;
	[sflag:s15] =	ssyncadd.s32 $0xFFFFA600  }
.LBB2_10:
0x4d: {  	v1 =	vmov s21;
	_ =	sdelay $0x3  }
0x4e: {  	s23 =	simm.s32 $0x0  }
0x4f: {  	v2 =	vld.idx.msk [tilespmem:v1+s23+$0x0 ss:$0x1], $0xffff;
	_ =	sdelay $0x7  }
0x50: {  	v0 =	vimm.f32 $0.0e+00;
	s24 =	simm.s32 $0x10;
	s23 =	simm.s32 $0x80;
	v2 =	vld.idx.msk [tilespmem:v2+s2+$0x0], $0xffff  }
.LBB2_11:
0x51: {  	p0 =	sne.s32 s23, $0x1640;
	v3 =	vld.idx.msk [tilespmem:v1+s24+$0x0 ss:$0x1], $0xffff;
	_ =	sdelay $0x3  }
.Ltmp4:
0x52: {  	(pc) =	sbr.rel @p0 .LBB2_11-.Ltmp4, $2  }
0x53: {  	v0 =	vadd.f32 v2, v0;
	_ =	sdelay $0x2  }
0x54: {  	s24 =	sshra.s32 s23, $0x2;
	s23 =	sadd.s32 $0x40, s23;
	v2 =	vld.idx.msk [tilespmem:v3+s2+$0x0], $0xffff  }
0x55: {  	_ =	sdelay $0x3  }
0x56: {  	v1 =	vld.idx.msk [tilespmem:v1+s24+$0x0 ss:$0x1], $0xffff;
	_ =	sdelay $0x7  }
0x57: {  	v1 =	vld.idx.msk [tilespmem:v1+s2+$0x0], $0xffff  }
0x58: {  	s23 =	sshll.u32 s22, $0x4  }
0x59: {  	v3 =	vld [tilespmem:s23+$0xB600]  }
0x5a: {  	v0 =	vadd.f32 v2, v0;
	_ =	sdelay $0x1  }
0x5b: {  	s22 =	sadd.s32 $0x1, s22;
	v0 =	vadd.f32 v1, v0  }
0x5c: {  	p0 =	sne.s32 s22, $0x10  }
.Ltmp5:
0x5d: {  	v63 =	vadd.f32 v3, v3;
	v0 =	vmul.f32 $-1.111111140e-02, v0;
	(pc) =	sbr.rel @p0 .LBB2_10-.Ltmp5, $3  }
0x5e: {  	_ = 	snop  }
0x5f: {  	v0 =	vadd.f32 v0, v63;
	_ =	sdelay $0x1  }
0x60: {  	s21 =	sadd.s32 $0x5A0, s21;
	[tilespmem:s23+$0xBE00] =	vst v0  }
0x61: {  	s21 =	simm.s32 $0x5A00  }
0x62: {  	[tilespmem:s21], [sflag:$0x1] =	stream.strided.gather [hbm4b:s8+s16], $0x5A00, s17, s16, $0x38;
	[tilespmem:$0xC400] =	vst v63  }
0x63: {  	_ =	swait.ge [sflag:s15], $0x5A00  }
0x64: {  	[sflag:s15] =	ssyncset.done $0x0  }
0x65: {  	s22 =	simm.s32 $0x0;
	[sflag:s15] =	ssyncadd.s32 $0xFFFFA600  }
.LBB2_14:
0x66: {  	v1 =	vmov s21;
	_ =	sdelay $0x3  }
0x67: {  	s23 =	simm.s32 $0x0  }
0x68: {  	v2 =	vld.idx.msk [tilespmem:v1+s23+$0x0 ss:$0x1], $0xffff;
	_ =	sdelay $0x7  }
0x69: {  	v0 =	vimm.f32 $0.0e+00;
	s24 =	simm.s32 $0x10;
	s23 =	simm.s32 $0x80;
	v2 =	vld.idx.msk [tilespmem:v2+s2+$0x0], $0xffff  }
.LBB2_15:
0x6a: {  	p0 =	sne.s32 s23, $0x1640;
	v3 =	vld.idx.msk [tilespmem:v1+s24+$0x0 ss:$0x1], $0xffff;
	_ =	sdelay $0x3  }
.Ltmp6:
0x6b: {  	(pc) =	sbr.rel @p0 .LBB2_15-.Ltmp6, $2  }
0x6c: {  	v0 =	vadd.f32 v2, v0;
	_ =	sdelay $0x2  }
0x6d: {  	s24 =	sshra.s32 s23, $0x2;
	s23 =	sadd.s32 $0x40, s23;
	v2 =	vld.idx.msk [tilespmem:v3+s2+$0x0], $0xffff  }
0x6e: {  	_ =	sdelay $0x3  }
0x6f: {  	v1 =	vld.idx.msk [tilespmem:v1+s24+$0x0 ss:$0x1], $0xffff;
	_ =	sdelay $0x7  }
0x70: {  	v1 =	vld.idx.msk [tilespmem:v1+s2+$0x0], $0xffff  }
0x71: {  	s23 =	sshll.u32 s22, $0x4  }
0x72: {  	v3 =	vld [tilespmem:s23+$0xB700]  }
0x73: {  	v0 =	vadd.f32 v2, v0;
	_ =	sdelay $0x1  }
0x74: {  	s22 =	sadd.s32 $0x1, s22;
	v0 =	vadd.f32 v1, v0  }
0x75: {  	p0 =	sne.s32 s22, $0x10  }
.Ltmp7:
0x76: {  	v63 =	vadd.f32 v3, v3;
	v0 =	vmul.f32 $-1.111111140e-02, v0;
	(pc) =	sbr.rel @p0 .LBB2_14-.Ltmp7, $3  }
0x77: {  	_ = 	snop  }
0x78: {  	v0 =	vadd.f32 v0, v63;
	_ =	sdelay $0x1  }
0x79: {  	s21 =	sadd.s32 $0x5A0, s21;
	[tilespmem:s23+$0xBF00] =	vst v0  }
0x7a: {  	s21 =	simm.s32 $0x5A00  }
0x7b: {  	[tilespmem:s21], [sflag:$0x1] =	stream.strided.gather [hbm4b:s9+s16], $0x5A00, s17, s16, $0x38;
	[tilespmem:$0xC400] =	vst v63  }
0x7c: {  	_ =	swait.ge [sflag:s15], $0x5A00  }
0x7d: {  	[sflag:s15] =	ssyncset.done $0x0  }
0x7e: {  	s22 =	simm.s32 $0x0;
	[sflag:s15] =	ssyncadd.s32 $0xFFFFA600  }
.LBB2_18:
0x7f: {  	v1 =	vmov s21;
	_ =	sdelay $0x3  }
0x80: {  	s23 =	simm.s32 $0x0  }
0x81: {  	v2 =	vld.idx.msk [tilespmem:v1+s23+$0x0 ss:$0x1], $0xffff;
	_ =	sdelay $0x7  }
0x82: {  	v0 =	vimm.f32 $0.0e+00;
	s24 =	simm.s32 $0x10;
	s23 =	simm.s32 $0x80;
	v2 =	vld.idx.msk [tilespmem:v2+s2+$0x0], $0xffff  }
.LBB2_19:
0x83: {  	p0 =	sne.s32 s23, $0x1640;
	v3 =	vld.idx.msk [tilespmem:v1+s24+$0x0 ss:$0x1], $0xffff;
	_ =	sdelay $0x3  }
.Ltmp8:
0x84: {  	(pc) =	sbr.rel @p0 .LBB2_19-.Ltmp8, $2  }
0x85: {  	v0 =	vadd.f32 v2, v0;
	_ =	sdelay $0x2  }
0x86: {  	s24 =	sshra.s32 s23, $0x2;
	s23 =	sadd.s32 $0x40, s23;
	v2 =	vld.idx.msk [tilespmem:v3+s2+$0x0], $0xffff  }
0x87: {  	_ =	sdelay $0x3  }
0x88: {  	v1 =	vld.idx.msk [tilespmem:v1+s24+$0x0 ss:$0x1], $0xffff;
	_ =	sdelay $0x7  }
0x89: {  	v1 =	vld.idx.msk [tilespmem:v1+s2+$0x0], $0xffff  }
0x8a: {  	s23 =	sshll.u32 s22, $0x4  }
0x8b: {  	v3 =	vld [tilespmem:s23+$0xB800]  }
0x8c: {  	v0 =	vadd.f32 v2, v0;
	_ =	sdelay $0x1  }
0x8d: {  	s22 =	sadd.s32 $0x1, s22;
	v0 =	vadd.f32 v1, v0  }
0x8e: {  	p0 =	sne.s32 s22, $0x10  }
.Ltmp9:
0x8f: {  	v63 =	vadd.f32 v3, v3;
	v0 =	vmul.f32 $-1.111111140e-02, v0;
	(pc) =	sbr.rel @p0 .LBB2_18-.Ltmp9, $3  }
0x90: {  	_ = 	snop  }
0x91: {  	v0 =	vadd.f32 v0, v63;
	_ =	sdelay $0x1  }
0x92: {  	s21 =	sadd.s32 $0x5A0, s21;
	[tilespmem:s23+$0xC000] =	vst v0  }
0x93: {  	s21 =	simm.s32 $0x5A00  }
0x94: {  	[tilespmem:s21], [sflag:$0x1] =	stream.strided.gather [hbm4b:s10+s16], $0x5A00, s17, s16, $0x38;
	[tilespmem:$0xC400] =	vst v63  }
0x95: {  	_ =	swait.ge [sflag:s15], $0x5A00  }
0x96: {  	[sflag:s15] =	ssyncset.done $0x0  }
0x97: {  	s22 =	simm.s32 $0x0;
	[sflag:s15] =	ssyncadd.s32 $0xFFFFA600  }
.LBB2_22:
0x98: {  	v1 =	vmov s21;
	_ =	sdelay $0x3  }
0x99: {  	s23 =	simm.s32 $0x0  }
0x9a: {  	v2 =	vld.idx.msk [tilespmem:v1+s23+$0x0 ss:$0x1], $0xffff;
	_ =	sdelay $0x7  }
0x9b: {  	v0 =	vimm.f32 $0.0e+00;
	s24 =	simm.s32 $0x10;
	s23 =	simm.s32 $0x80;
	v2 =	vld.idx.msk [tilespmem:v2+s2+$0x0], $0xffff  }
.LBB2_23:
0x9c: {  	p0 =	sne.s32 s23, $0x1640;
	v3 =	vld.idx.msk [tilespmem:v1+s24+$0x0 ss:$0x1], $0xffff;
	_ =	sdelay $0x3  }
.Ltmp10:
0x9d: {  	(pc) =	sbr.rel @p0 .LBB2_23-.Ltmp10, $2  }
0x9e: {  	v0 =	vadd.f32 v2, v0;
	_ =	sdelay $0x2  }
0x9f: {  	s24 =	sshra.s32 s23, $0x2;
	s23 =	sadd.s32 $0x40, s23;
	v2 =	vld.idx.msk [tilespmem:v3+s2+$0x0], $0xffff  }
0xa0: {  	_ =	sdelay $0x3  }
0xa1: {  	v1 =	vld.idx.msk [tilespmem:v1+s24+$0x0 ss:$0x1], $0xffff;
	_ =	sdelay $0x7  }
0xa2: {  	v1 =	vld.idx.msk [tilespmem:v1+s2+$0x0], $0xffff  }
0xa3: {  	s23 =	sshll.u32 s22, $0x4  }
0xa4: {  	v3 =	vld [tilespmem:s23+$0xB900]  }
0xa5: {  	v0 =	vadd.f32 v2, v0;
	_ =	sdelay $0x1  }
0xa6: {  	s22 =	sadd.s32 $0x1, s22;
	v0 =	vadd.f32 v1, v0  }
0xa7: {  	p0 =	sne.s32 s22, $0x10  }
.Ltmp11:
0xa8: {  	v63 =	vadd.f32 v3, v3;
	v0 =	vmul.f32 $-1.111111140e-02, v0;
	(pc) =	sbr.rel @p0 .LBB2_22-.Ltmp11, $3  }
0xa9: {  	_ = 	snop  }
0xaa: {  	v0 =	vadd.f32 v0, v63;
	_ =	sdelay $0x1  }
0xab: {  	s21 =	sadd.s32 $0x5A0, s21;
	[tilespmem:s23+$0xC100] =	vst v0  }
0xac: {  	s21 =	simm.s32 $0x5A00  }
0xad: {  	[tilespmem:s21], [sflag:$0x1] =	stream.strided.gather [hbm4b:s11+s16], $0x5A00, s17, s16, $0x38;
	[tilespmem:$0xC400] =	vst v63  }
0xae: {  	_ =	swait.ge [sflag:s15], $0x5A00  }
0xaf: {  	[sflag:s15] =	ssyncset.done $0x0  }
0xb0: {  	s22 =	simm.s32 $0x0;
	[sflag:s15] =	ssyncadd.s32 $0xFFFFA600  }
.LBB2_26:
0xb1: {  	v1 =	vmov s21;
	_ =	sdelay $0x3  }
0xb2: {  	s23 =	simm.s32 $0x0  }
0xb3: {  	v2 =	vld.idx.msk [tilespmem:v1+s23+$0x0 ss:$0x1], $0xffff;
	_ =	sdelay $0x7  }
0xb4: {  	v0 =	vimm.f32 $0.0e+00;
	s24 =	simm.s32 $0x10;
	s23 =	simm.s32 $0x80;
	v2 =	vld.idx.msk [tilespmem:v2+s2+$0x0], $0xffff  }
.LBB2_27:
0xb5: {  	p0 =	sne.s32 s23, $0x1640;
	v3 =	vld.idx.msk [tilespmem:v1+s24+$0x0 ss:$0x1], $0xffff;
	_ =	sdelay $0x3  }
.Ltmp12:
0xb6: {  	(pc) =	sbr.rel @p0 .LBB2_27-.Ltmp12, $2  }
0xb7: {  	v0 =	vadd.f32 v2, v0;
	_ =	sdelay $0x2  }
0xb8: {  	s24 =	sshra.s32 s23, $0x2;
	s23 =	sadd.s32 $0x40, s23;
	v2 =	vld.idx.msk [tilespmem:v3+s2+$0x0], $0xffff  }
0xb9: {  	_ =	sdelay $0x3  }
0xba: {  	v1 =	vld.idx.msk [tilespmem:v1+s24+$0x0 ss:$0x1], $0xffff;
	_ =	sdelay $0x7  }
0xbb: {  	v1 =	vld.idx.msk [tilespmem:v1+s2+$0x0], $0xffff  }
0xbc: {  	s23 =	sshll.u32 s22, $0x4  }
0xbd: {  	v3 =	vld [tilespmem:s23+$0xBA00]  }
0xbe: {  	v0 =	vadd.f32 v2, v0;
	_ =	sdelay $0x1  }
0xbf: {  	s22 =	sadd.s32 $0x1, s22;
	v0 =	vadd.f32 v1, v0  }
0xc0: {  	p0 =	sne.s32 s22, $0x10  }
.Ltmp13:
0xc1: {  	v63 =	vadd.f32 v3, v3;
	v0 =	vmul.f32 $-1.111111140e-02, v0;
	(pc) =	sbr.rel @p0 .LBB2_26-.Ltmp13, $3  }
0xc2: {  	_ = 	snop  }
0xc3: {  	v0 =	vadd.f32 v0, v63;
	_ =	sdelay $0x1  }
0xc4: {  	s21 =	sadd.s32 $0x5A0, s21;
	[tilespmem:s23+$0xC200] =	vst v0  }
0xc5: {  	s21 =	simm.s32 $0x5A00  }
0xc6: {  	[tilespmem:s21], [sflag:$0x1] =	stream.strided.gather [hbm4b:s12+s16], $0x5A00, s17, s16, $0x38;
	[tilespmem:$0xC400] =	vst v63  }
0xc7: {  	_ =	swait.ge [sflag:s15], $0x5A00  }
0xc8: {  	[sflag:s15] =	ssyncset.done $0x0  }
0xc9: {  	s22 =	simm.s32 $0x0;
	[sflag:s15] =	ssyncadd.s32 $0xFFFFA600  }
.LBB2_30:
0xca: {  	v1 =	vmov s21;
	_ =	sdelay $0x3  }
0xcb: {  	s23 =	simm.s32 $0x0  }
0xcc: {  	v2 =	vld.idx.msk [tilespmem:v1+s23+$0x0 ss:$0x1], $0xffff;
	_ =	sdelay $0x7  }
0xcd: {  	v0 =	vimm.f32 $0.0e+00;
	s24 =	simm.s32 $0x10;
	s23 =	simm.s32 $0x80;
	v2 =	vld.idx.msk [tilespmem:v2+s2+$0x0], $0xffff  }
.LBB2_31:
0xce: {  	p0 =	sne.s32 s23, $0x1640;
	v3 =	vld.idx.msk [tilespmem:v1+s24+$0x0 ss:$0x1], $0xffff;
	_ =	sdelay $0x3  }
.Ltmp14:
0xcf: {  	(pc) =	sbr.rel @p0 .LBB2_31-.Ltmp14, $2  }
0xd0: {  	v0 =	vadd.f32 v2, v0;
	_ =	sdelay $0x2  }
0xd1: {  	s24 =	sshra.s32 s23, $0x2;
	s23 =	sadd.s32 $0x40, s23;
	v2 =	vld.idx.msk [tilespmem:v3+s2+$0x0], $0xffff  }
0xd2: {  	_ =	sdelay $0x3  }
0xd3: {  	v1 =	vld.idx.msk [tilespmem:v1+s24+$0x0 ss:$0x1], $0xffff;
	_ =	sdelay $0x7  }
0xd4: {  	v1 =	vld.idx.msk [tilespmem:v1+s2+$0x0], $0xffff  }
0xd5: {  	s23 =	sshll.u32 s22, $0x4  }
0xd6: {  	v3 =	vld [tilespmem:s23+$0xBB00]  }
0xd7: {  	v0 =	vadd.f32 v2, v0;
	_ =	sdelay $0x1  }
0xd8: {  	s22 =	sadd.s32 $0x1, s22;
	v0 =	vadd.f32 v1, v0  }
0xd9: {  	p0 =	sne.s32 s22, $0x10  }
.Ltmp15:
0xda: {  	v63 =	vadd.f32 v3, v3;
	v0 =	vmul.f32 $-1.111111140e-02, v0;
	(pc) =	sbr.rel @p0 .LBB2_30-.Ltmp15, $3  }
0xdb: {  	_ = 	snop  }
0xdc: {  	v0 =	vadd.f32 v0, v63;
	_ =	sdelay $0x1  }
0xdd: {  	s21 =	sadd.s32 $0x5A0, s21;
	[tilespmem:s23+$0xC300] =	vst v0  }
0xde: {  	s20 =	sadd.s32 $0x1, s20  }
0xdf: {  	p0 =	sne.s32 s20, s14  }
.Ltmp16:
0xe0: {  	_ = 	snop;
	(pc) =	sbr.rel @p0 .LBB2_1-.Ltmp16, $4  }
0xe1: {  	[hbm4b:s13+s16] =	stream.strided.scatter [tilespmem:s19], [sflag:$0x1], $0x800, s17, s16, $0x38;
	[tilespmem:$0xC400] =	vst v63  }
0xe2: {  	_ =	swait.ge [sflag:s15], $0x800  }
0xe3: {  	[sflag:s15] =	ssyncset.done $0x0  }
0xe4: {  	[sflag:s15] =	ssyncadd.s32 $0xFFFFF800  }
0xe5: {  	_ =	sfence.sel $0x180000  }
0xe6: {  	[bflag:$0x0] =	sbarrier.arrive $0xFFFF  }
0xe7: {  	p0 =	sne.s32 s0, $0x0;
	_ =	strace $0x9000004D  }
0xe8: {  	s0 =	sadd.s32 @!p0 $0x100000, s1;
	[bflag:$0x2] =	sbarrier.arrive $0xFFFF  }
0xe9: {  	[sflag:s0] =	ssyncadd.tile.s32 @!p0 $0x1;
	_ =	shalt  }
.Lfunc_end2:
_tile_overlayer_lowered:
.L_overlay_start_2:
0xea: {  	(tag) =	ssettag $0x2  }
0xeb: {  	s0 =	rddreg [dreg:$0x0];
	s2 =	stileid.u32  }
0xec: {  	s1 =	rddreg [dreg:$0x1];
	p0 =	sne.s32 s2, $0x0  }
0xed: {  	s3 =	rddreg [dreg:$0x2];
	[bflag:$0x3] =	sbarrier.arrive $0xFFFF;
	s2 =	simm.s32 @!p0 $0x1C01  }
0xee: {  	[timem:s3], [sflag:s2] =	dma.local @!p0 [hbm:s0], s1  }
0xef: {  	s0 =	simm.s32 @!p0 $0x1  }
0xf0: {  	_ =	swait.ge @!p0 [sflag:s0], s1  }
0xf1: {  	s1 =	ssub.s32 @!p0 $0x0, s1;
	[sflag:s0] =	ssyncset.done @!p0 $0x0  }
0xf2: {  	[sflag:s0] =	ssyncadd.s32 @!p0 s1  }
0xf3: {  	[bflag:$0x3] =	sbarrier.arrive $0xFFFF  }
0xf4: {  	_ =	shalt  }

// kernel: kernel.5.cloned.1.call-start
scs
__scs_entry_jumppad:
0x0: {  	(pc) =	sbr.rel $0x88, $3  }
0x1: {  	(tag) =	ssettag $0x0;
	lr =	simm.s32 $0x1  }
0x2: {  	[smem:$0x3FA0] =	sst lr;
	_ =	strace $0xD0000000  }
0x3: {  	_ = 	snop  }
0x4: {  	_ = 	snop  }
0x5: {  	_ = 	snop  }
0x6: {  	_ = 	snop  }
0x7: {  	_ = 	snop  }
__scs_overlays_trampoline_lowered:
0x8: {  	[smem:$0x3FAF] =	sst s0  }
0x9: {  	[smem:$0x3FB0] =	sst s1  }
0xa: {  	[smem:$0x3FB1] =	sst s2  }
0xb: {  	[smem:$0x3FB2] =	sst s3  }
0xc: {  	[smem:$0x3FB3] =	sst s4  }
0xd: {  	[smem:$0x3FB4] =	sst s5  }
0xe: {  	[smem:$0x3FB5] =	sst s6  }
0xf: {  	[smem:$0x3FB6] =	sst s7  }
0x10: {  	[smem:$0x3FB7] =	sst s8  }
0x11: {  	[smem:$0x3FB8] =	sst s9;
	s0 =	simm.s32 @!p0 $0x0  }
0x12: {  	s1 =	sld [smem:$0x3F9E];
	s0 =	simm.s32 @p0 $0x1  }
0x13: {  	[smem:$0x3FB9] =	sst s0;
	s0 =	simm.s32 @!p1 $0x0  }
0x14: {  	s2 =	sld [smem:$0x3F9D];
	s0 =	simm.s32 @p1 $0x1  }
0x15: {  	[smem:$0x3FBA] =	sst s0;
	s0 =	simm.s32 @!p2 $0x0  }
0x16: {  	s3 =	sld [smem:$0x3FDB];
	s0 =	simm.s32 @p2 $0x1  }
0x17: {  	s4 =	simm.s32 $0x1BF5;
	[smem:$0x3FBC] =	sst s0  }
0x18: {  	s0 =	sld [smem:$0x3F9F];
	_ =	swait.ge [sflag:s4], $0x0  }
0x19: {  	s7 =	sld [smem:$0x3FA0]  }
0x1a: {  	s8 =	sadd.s32 $0xFFFFE003, lr  }
0x1b: {  	s9 =	sadd.s32 $0xFFFFFEF7, lr;
	s5 =	simm.s32 $0xFFFFFFFF;
	p2 =	slt.u32 s8, $0xFFFFF086  }
0x1c: {  	p1 =	slt.u32 s9, $0xF7A;
	s5 =	simm.s32 @!p2 $0x0  }
0x1d: {  	s5 =	simm.s32 @p1 $0x1;
	p0 =	seq.s32 s7, s2  }
0x1e: {  	s7 =	smul.u32 @!p0 $0xF7A, s2;
	p2 =	seq.s32 @!p0 s5, $0x0  }
0x1f: {  	s9 =	smul.u32 $0xF7A, s1;
	s8 =	simm.s32 @!p0 $0x1BF5;
	p2 =	por !p2, p0  }
0x20: {  	[sflag:s8] =	ssyncset.s32 @!p0 $0xFFFFF086;
	s6 =	sadd.s32 @!p0 s3, s7;
	s7 =	simm.s32 @!p0 $0x108  }
0x21: {  	s3 =	sadd.s32 s3, s9;
	s6 =	sadd.s32 @!p0 $0x88, s6;
	s7 =	simm.s32 @p2 $0x1082  }
0x22: {  	[simem:s7], [sflag:s8] =	dma.local @!p0 [hbm:s6], $0xF7A  }
0x23: {  	s9 =	sor.u32 $0xD0000000, s2;
	s6 =	simm.s32 $0x108;
	_ =	swait.ge @!p0 [sflag:s8], $0x0  }
0x24: {  	s3 =	sadd.s32 $0x88, s3;
	s6 =	simm.s32 @!p1 $0x1082;
	[sflag:s4] =	ssyncset.s32 $0xFFFFF086  }
0x25: {  	[simem:s6], [sflag:s4] =	dma.local [hbm:s3], $0xF7A  }
0x26: {  	[smem:$0x3FA0] =	sst s1;
	(tag) =	ssettag s2;
	_ =	strace s9  }
0x27: {  	s1 =	sld [smem:$0x3FB0]  }
0x28: {  	s2 =	sld [smem:$0x3FB1]  }
0x29: {  	s4 =	sld [smem:$0x3FB3]  }
0x2a: {  	p0 =	seq.s32 s5, $0x0;
	s5 =	sld [smem:$0x3FB4]  }
0x2b: {  	s6 =	sld [smem:$0x3FB5]  }
0x2c: {  	s7 =	sld [smem:$0x3FB6]  }
0x2d: {  	s3 =	simm.s32 $0x108;
	s8 =	sld [smem:$0x3FB7]  }
0x2e: {  	s3 =	simm.s32 @!p0 $0x1082;
	s9 =	sld [smem:$0x3FB8]  }
0x2f: {  	lr =	sadd.s32 s0, s3;
	s0 =	sld [smem:$0x3FAF]  }
0x30: {  	s3 =	sld [smem:$0x3FB2]  }
0x31: {  	[smem:$0x3FBB] =	sst s10  }
0x32: {  	s10 =	sld [smem:$0x3FB9];
	_ =	sdelay $0x3  }
0x33: {  	p0 =	seq.s32 s10, $0x1;
	s10 =	sld [smem:$0x3FBB];
	_ =	sdelay $0x3  }
0x34: {  	[smem:$0x3FBB] =	sst s10  }
0x35: {  	s10 =	sld [smem:$0x3FBA];
	_ =	sdelay $0x3  }
0x36: {  	p1 =	seq.s32 s10, $0x1;
	s10 =	sld [smem:$0x3FBB];
	_ =	sdelay $0x3  }
0x37: {  	[smem:$0x3FBB] =	sst s10  }
0x38: {  	s10 =	sld [smem:$0x3FBC]  }
0x39: {  	_ = 	snop;
	(pc) =	sbr.ind lr, $3  }
0x3a: {  	_ = 	snop  }
0x3b: {  	_ = 	snop  }
0x3c: {  	p2 =	seq.s32 s10, $0x1;
	s10 =	sld [smem:$0x3FBB]  }
0x3d: {  	_ =	shalt  }
0x3e: {  	_ =	shalt  }
0x3f: {  	_ =	shalt  }
0x40: {  	_ =	shalt  }
0x41: {  	_ =	shalt  }
0x42: {  	_ =	shalt  }
0x43: {  	_ =	shalt  }
0x44: {  	_ =	shalt  }
0x45: {  	_ =	shalt  }
0x46: {  	_ =	shalt  }
0x47: {  	_ =	shalt  }
0x48: {  	_ =	shalt  }
0x49: {  	_ =	shalt  }
0x4a: {  	_ =	shalt  }
0x4b: {  	_ =	shalt  }
0x4c: {  	_ =	shalt  }
0x4d: {  	_ =	shalt  }
0x4e: {  	_ =	shalt  }
0x4f: {  	_ =	shalt  }
0x50: {  	_ =	shalt  }
0x51: {  	_ =	shalt  }
0x52: {  	_ =	shalt  }
0x53: {  	_ =	shalt  }
0x54: {  	_ =	shalt  }
0x55: {  	_ =	shalt  }
0x56: {  	_ =	shalt  }
0x57: {  	_ =	shalt  }
0x58: {  	_ =	shalt  }
0x59: {  	_ =	shalt  }
0x5a: {  	_ =	shalt  }
0x5b: {  	_ =	shalt  }
0x5c: {  	_ =	shalt  }
0x5d: {  	_ =	shalt  }
0x5e: {  	_ =	shalt  }
0x5f: {  	_ =	shalt  }
0x60: {  	_ =	shalt  }
0x61: {  	_ =	shalt  }
0x62: {  	_ =	shalt  }
0x63: {  	_ =	shalt  }
0x64: {  	_ =	shalt  }
0x65: {  	_ =	shalt  }
0x66: {  	_ =	shalt  }
0x67: {  	_ =	shalt  }
0x68: {  	_ =	shalt  }
0x69: {  	_ =	shalt  }
0x6a: {  	_ =	shalt  }
0x6b: {  	_ =	shalt  }
0x6c: {  	_ =	shalt  }
0x6d: {  	_ =	shalt  }
0x6e: {  	_ =	shalt  }
0x6f: {  	_ =	shalt  }
0x70: {  	_ =	shalt  }
0x71: {  	_ =	shalt  }
0x72: {  	_ =	shalt  }
0x73: {  	_ =	shalt  }
0x74: {  	_ =	shalt  }
0x75: {  	_ =	shalt  }
0x76: {  	_ =	shalt  }
0x77: {  	_ =	shalt  }
0x78: {  	_ =	shalt  }
0x79: {  	_ =	shalt  }
0x7a: {  	_ =	shalt  }
0x7b: {  	_ =	shalt  }
0x7c: {  	_ =	shalt  }
0x7d: {  	_ =	shalt  }
0x7e: {  	_ =	shalt  }
0x7f: {  	_ =	shalt  }
0x80: {  	_ =	shalt  }
0x81: {  	_ =	shalt  }
0x82: {  	_ =	shalt  }
0x83: {  	_ =	shalt  }
0x84: {  	_ =	shalt  }
0x85: {  	_ =	shalt  }
0x86: {  	_ =	shalt  }
0x87: {  	_ =	shalt  }
.Lfunc_end0:
.L_simem_size_0:
called_computation_lowered:
.L_overlay_start_0:
0x88: {  	s2 =	sld [smem:$0x3FD9]  }
0x89: {  	s3 =	sld [smem:$0x3FFE];
	_ =	sdelay $0x1  }
0x8a: {  	s1 =	srdreg.scid  }
0x8b: {  	s0 =	sand.u32 $0x1, s1  }
0x8c: {  	s17 =	sshll.u32 s0, $0xA;
	s2 =	sadd.s32 s3, s2  }
0x8d: {  	s2 =	sadd.s32 s2, s17  }
0x8e: {  	[smem:$0x3FC7] =	sst s2  }
0x8f: {  	_ = 	snop  }
0x90: {  	s2 =	sld [smem:$0x3FD0];
	(tm) =	ssettm $0x1  }
0x91: {  	s18 =	sld [smem:$0x3FFB];
	_ =	sdelay $0x3  }
0x92: {  	_ =	strace s18  }
0x93: {  	s3 =	sld [smem:$0x3FFC];
	_ =	sdelay $0x3  }
0x94: {  	_ =	strace s3  }
0x95: {  	s3 =	sld [smem:$0x3FFD];
	_ =	sdelay $0x3  }
0x96: {  	_ =	strace s3  }
0x97: {  	_ =	strace $0x8FFFFFFF  }
0x98: {  	s19 =	sld [smem:$0x3FDB];
	_ =	sdelay $0x1  }
0x99: {  	s4 =	simm.s32 $_scs_section_size  }
0x9a: {  	s5 =	simm.s32 $_size__tile_overlayer_lowered;
	s6 =	simm.s32 $_tile_overlayer_lowered  }
0x9b: {  	s22 =	simm.s32 $0x1BFF;
	s21 =	sshll.u32 s6, $0x1;
	s3 =	sadd.s32 s4, s19  }
0x9c: {  	s7 =	simm.s32 $0x0;
	s20 =	sshll.u32 s5, $0x1;
	s5 =	sadd.s32 s21, s3  }
0x9d: {  	[timem:s7], [sflag:s22] =	dma.local [hbm:s5], s20  }
0x9e: {  	_ =	swait.ge [sflag:s22], s20  }
0x9f: {  	s4 =	ssub.s32 $0x0, s20;
	[sflag:s22] =	ssyncset.done $0x0  }
0xa0: {  	[sflag:s22] =	ssyncadd.s32 s4;
	_ =	sdelay $0x1  }
0xa1: {  	s23 =	simm.s32 $0x1B8B  }
0xa2: {  	_ =	swait.ge [sflag:s23], $0x1  }
0xa3: {  	[sflag:s23] =	ssyncset.done $0x0  }
0xa4: {  	s25 =	simm.s32 $0x1B8E;
	s24 =	sld [smem:$0x3FFE];
	[sflag:s23] =	ssyncadd.s32 $0xFFFFFFFF  }
0xa5: {  	s26 =	simm.s32 $execute0_lowered;
	[smem:$0x3FD2] =	sst s25  }
0xa6: {  	s5 =	sshll.u32 s26, $0x1;
	_ =	strace $0x80000046;
	[dreg:$0x1] =	wrdreg $0xFFFFFFFF  }
0xa7: {  	s28 =	simm.s32 $_size_execute0_lowered;
	s3 =	sadd.s32 s3, s5;
	[dreg:$0x0] =	wrdreg $0x0  }
0xa8: {  	s5 =	sshll.u32 s28, $0x1;
	[dreg:$0x2] =	wrdreg s3  }
0xa9: {  	[dreg:$0x3] =	wrdreg s5  }
0xaa: {  	[dreg:$0x4] =	wrdreg $0xC0  }
0xab: {  	_ =	task [dreg:s7], $0x5FFFF  }
0xac: {  	[dreg:$0x1] =	wrdreg $0xFFFFFFFF  }
0xad: {  	[dreg:$0x0] =	wrdreg $0x60  }
0xae: {  	[dreg:$0x2] =	wrdreg s2  }
0xaf: {  	[dreg:$0x3] =	wrdreg s24  }
0xb0: {  	[dreg:$0x4] =	wrdreg $0x9  }
0xb1: {  	_ =	task.clear_ibuf [dreg:s7], $0x5FFFF;
	_ =	strace $0x90000046  }
0xb2: {  	s29 =	simm.s32 $0x9;
	_ =	strace $0x80000048  }
0xb3: {  	_ =	swait.ge [sflag:s29], $0x1  }
0xb4: {  	[sflag:s29] =	ssyncadd.s32 $0xFFFFFFFF  }
0xb5: {  	_ =	strace $0x90000048  }
0xb6: {  	_ =	sfence  }
0xb7: {  	s30 =	sld [smem:$0x0];
	_ =	sdelay $0x2  }
0xb8: {  	s31 =	sshll.u32 s1, $0xD;
	s1 =	sshrl.u32 s1, $0x2  }
0xb9: {  	s3 =	sand.u32 $0x4000, s31;
	s1 =	sadd.s32 s1, s30  }
0xba: {  	s0 =	sor.u32 s3, s0;
	s1 =	sshll.u32 s1, $0x11  }
0xbb: {  	s0 =	sor.u32 s1, s0  }
0xbc: {  	s0 =	sadd.s32 $0x8F2B, s0  }
0xbd: {  	[sflag:s0] =	ssyncadd.remote.s32 $0x1  }
0xbe: {  	_ =	sfence.sel $0xFFFF  }
0xbf: {  	[dreg:$0x0] =	wrdreg $0xFFFFFFFF;
	(pc) =	sbr.abs _section_cstart, $3  }
0xc0: {  	[dreg:$0x1] =	wrdreg $0xFFFFFFFF  }
0xc1: {  	_ =	task.clear_ibuf [dreg:s7], $0x2FFFF;
	_ =	strace $0x9FFFFFFF  }
0xc2: {  	(tm) =	ssettm $0x7FFFFFFF  }
0xc3: {  	_ =	shalt  }
tec
execute0_lowered:
.L_overlay_start_1:
0x0: {  	(tag) =	ssettag $0x1  }
0x1: {  	s2 =	rddreg [dreg:$0x0]  }
0x2: {  	s4 =	rddreg [dreg:$0x1]  }
0x3: {  	s0 =	rddreg [dreg:$0x2];
	s5 =	srdreg.scid  }
0x4: {  	s1 =	stileid.u32;
	s3 =	simm.s32 $0x0;
	s14 =	simm.s32 $0x1  }
0x5: {  	s15 =	simm.s32 $0x80;
	s16 =	simm.s32 $0x400;
	s17 =	simm.s32 $0xB400  }
0x6: {  	s18 =	simm.s32 $0x0;
	s5 =	sand.u32 $0x1, s5;
	s6 =	sshll.u32 s1, $0x1  }
0x7: {  	[smem:$0x7FF] =	sst s3;
	s8 =	sshll.u32 s1, $0x9;
	s6 =	sor.u32 s5, s6  }
0x8: {  	s5 =	ssub.s32 $0x2, s5;
	_ =	strace $0x80000047;
	s8 =	sand.u32 $0x1800, s8  }
0x9: {  	s7 =	smul.u32 $0x5A00, s6;
	s9 =	sshrl.u32 s5, $0x1;
	s31 =	sshll.u32 s6, $0x4  }
0xa: {  	s10 =	sadd.s32 s8, s4;
	s13 =	ssub.s32 s5, s9;
	s12 =	sand.u32 $0x70, s31  }
0xb: {  	s11 =	sadd.s32 s7, s4;
	s12 =	sadd.s32 s12, s10;
	s13 =	smax.u32 s13, $0x1  }
0xc: {  	s4 =	sadd.s32 $0x3800, s11;
	s5 =	sadd.s32 $0x3810, s11;
	s6 =	sadd.s32 $0x3820, s11  }
0xd: {  	s7 =	sadd.s32 $0x3830, s11;
	s8 =	sadd.s32 $0x3840, s11;
	s9 =	sadd.s32 $0x3850, s11  }
0xe: {  	s10 =	sadd.s32 $0x3860, s11;
	s11 =	sadd.s32 $0x3870, s11;
	s12 =	sadd.s32 $0x16B800, s12  }
.LBB2_1:
0xf: {  	[tilespmem:s3], [sflag:$0x1] =	stream.linear.gather [hbm4b:s2+s3], $0x5A00, $0x38;
	[tilespmem:$0xBC00] =	vst v63  }
0x10: {  	_ =	swait.ge [sflag:s14], $0x5A00  }
0x11: {  	[sflag:s14] =	ssyncset.done $0x0  }
0x12: {  	s19 =	simm.s32 $0x5A00;
	[sflag:s14] =	ssyncadd.s32 $0xFFFFA600  }
0x13: {  	[tilespmem:s19], [sflag:$0x1] =	stream.strided.gather [hbm4b:s4+s15], $0x5A00, s16, s15, $0x38;
	[tilespmem:$0xBC00] =	vst v63  }
0x14: {  	_ =	swait.ge [sflag:s14], $0x5A00  }
0x15: {  	[sflag:s14] =	ssyncset.done $0x0  }
0x16: {  	s20 =	simm.s32 $0x0;
	[sflag:s14] =	ssyncadd.s32 $0xFFFFA600  }
.LBB2_2:
0x17: {  	v0 =	vmov s19;
	_ =	sdelay $0x3  }
0x18: {  	s21 =	simm.s32 $0x0  }
0x19: {  	v2 =	vld.idx.msk [tilespmem:v0+s21+$0x0 ss:$0x1], $0xffff;
	_ =	sdelay $0x7  }
0x1a: {  	v1 =	vimm.f32 $0.0e+00;
	s22 =	simm.s32 $0x10;
	s21 =	simm.s32 $0x80;
	v2 =	vld.idx.msk [tilespmem:v2+s3+$0x0], $0xffff  }
.LBB2_3:
0x1b: {  	p0 =	sne.s32 s21, $0x1640;
	v3 =	vld.idx.msk [tilespmem:v0+s22+$0x0 ss:$0x1], $0xffff;
	_ =	sdelay $0x3  }
.Ltmp0:
0x1c: {  	(pc) =	sbr.rel @p0 .LBB2_3-.Ltmp0, $2  }
0x1d: {  	v1 =	vadd.f32 v2, v1;
	_ =	sdelay $0x2  }
0x1e: {  	s22 =	sshra.s32 s21, $0x2;
	s21 =	sadd.s32 $0x40, s21;
	v2 =	vld.idx.msk [tilespmem:v3+s3+$0x0], $0xffff  }
0x1f: {  	_ =	sdelay $0x3  }
0x20: {  	v0 =	vld.idx.msk [tilespmem:v0+s22+$0x0 ss:$0x1], $0xffff;
	_ =	sdelay $0x7  }
0x21: {  	v0 =	vld.idx.msk [tilespmem:v0+s3+$0x0], $0xffff;
	_ =	sdelay $0x2  }
0x22: {  	s21 =	sshll.u32 s20, $0x4;
	s20 =	sadd.s32 $0x1, s20;
	v1 =	vadd.f32 v2, v1  }
0x23: {  	p0 =	sne.s32 s20, $0x10  }
.Ltmp1:
0x24: {  	v0 =	vadd.f32 v0, v1;
	(pc) =	sbr.rel @p0 .LBB2_2-.Ltmp1, $4  }
0x25: {  	_ = 	snop  }
0x26: {  	v0 =	vmul.f32 $1.111111140e-02, v0  }
0x27: {  	s21 =	sand.u32 $0x3FFFFFF0, s21  }
0x28: {  	s19 =	sadd.s32 $0x5A0, s19;
	[tilespmem:s21+$0xB400] =	vst v0  }
0x29: {  	s19 =	simm.s32 $0x5A00  }
0x2a: {  	[tilespmem:s19], [sflag:$0x1] =	stream.strided.gather [hbm4b:s5+s15], $0x5A00, s16, s15, $0x38;
	[tilespmem:$0xBC00] =	vst v63  }
0x2b: {  	_ =	swait.ge [sflag:s14], $0x5A00  }
0x2c: {  	[sflag:s14] =	ssyncset.done $0x0  }
0x2d: {  	s20 =	simm.s32 $0x0;
	[sflag:s14] =	ssyncadd.s32 $0xFFFFA600  }
.LBB2_6:
0x2e: {  	v0 =	vmov s19;
	_ =	sdelay $0x3  }
0x2f: {  	s21 =	simm.s32 $0x0  }
0x30: {  	v2 =	vld.idx.msk [tilespmem:v0+s21+$0x0 ss:$0x1], $0xffff;
	_ =	sdelay $0x7  }
0x31: {  	v1 =	vimm.f32 $0.0e+00;
	s22 =	simm.s32 $0x10;
	s21 =	simm.s32 $0x80;
	v2 =	vld.idx.msk [tilespmem:v2+s3+$0x0], $0xffff  }
.LBB2_7:
0x32: {  	p0 =	sne.s32 s21, $0x1640;
	v3 =	vld.idx.msk [tilespmem:v0+s22+$0x0 ss:$0x1], $0xffff;
	_ =	sdelay $0x3  }
.Ltmp2:
0x33: {  	(pc) =	sbr.rel @p0 .LBB2_7-.Ltmp2, $2  }
0x34: {  	v1 =	vadd.f32 v2, v1;
	_ =	sdelay $0x2  }
0x35: {  	s22 =	sshra.s32 s21, $0x2;
	s21 =	sadd.s32 $0x40, s21;
	v2 =	vld.idx.msk [tilespmem:v3+s3+$0x0], $0xffff  }
0x36: {  	_ =	sdelay $0x3  }
0x37: {  	v0 =	vld.idx.msk [tilespmem:v0+s22+$0x0 ss:$0x1], $0xffff;
	_ =	sdelay $0x7  }
0x38: {  	v0 =	vld.idx.msk [tilespmem:v0+s3+$0x0], $0xffff;
	_ =	sdelay $0x2  }
0x39: {  	s21 =	sshll.u32 s20, $0x4;
	s20 =	sadd.s32 $0x1, s20;
	v1 =	vadd.f32 v2, v1  }
0x3a: {  	p0 =	sne.s32 s20, $0x10  }
.Ltmp3:
0x3b: {  	v0 =	vadd.f32 v0, v1;
	(pc) =	sbr.rel @p0 .LBB2_6-.Ltmp3, $4  }
0x3c: {  	_ = 	snop  }
0x3d: {  	v0 =	vmul.f32 $1.111111140e-02, v0  }
0x3e: {  	s21 =	sand.u32 $0xF0, s21  }
0x3f: {  	s19 =	sadd.s32 $0x5A0, s19;
	[tilespmem:s21+$0xB500] =	vst v0  }
0x40: {  	s19 =	simm.s32 $0x5A00  }
0x41: {  	[tilespmem:s19], [sflag:$0x1] =	stream.strided.gather [hbm4b:s6+s15], $0x5A00, s16, s15, $0x38;
	[tilespmem:$0xBC00] =	vst v63  }
0x42: {  	_ =	swait.ge [sflag:s14], $0x5A00  }
0x43: {  	[sflag:s14] =	ssyncset.done $0x0  }
0x44: {  	s20 =	simm.s32 $0x0;
	[sflag:s14] =	ssyncadd.s32 $0xFFFFA600  }
.LBB2_10:
0x45: {  	v0 =	vmov s19;
	_ =	sdelay $0x3  }
0x46: {  	s21 =	simm.s32 $0x0  }
0x47: {  	v2 =	vld.idx.msk [tilespmem:v0+s21+$0x0 ss:$0x1], $0xffff;
	_ =	sdelay $0x7  }
0x48: {  	v1 =	vimm.f32 $0.0e+00;
	s22 =	simm.s32 $0x10;
	s21 =	simm.s32 $0x80;
	v2 =	vld.idx.msk [tilespmem:v2+s3+$0x0], $0xffff  }
.LBB2_11:
0x49: {  	p0 =	sne.s32 s21, $0x1640;
	v3 =	vld.idx.msk [tilespmem:v0+s22+$0x0 ss:$0x1], $0xffff;
	_ =	sdelay $0x3  }
.Ltmp4:
0x4a: {  	(pc) =	sbr.rel @p0 .LBB2_11-.Ltmp4, $2  }
0x4b: {  	v1 =	vadd.f32 v2, v1;
	_ =	sdelay $0x2  }
0x4c: {  	s22 =	sshra.s32 s21, $0x2;
	s21 =	sadd.s32 $0x40, s21;
	v2 =	vld.idx.msk [tilespmem:v3+s3+$0x0], $0xffff  }
0x4d: {  	_ =	sdelay $0x3  }
0x4e: {  	v0 =	vld.idx.msk [tilespmem:v0+s22+$0x0 ss:$0x1], $0xffff;
	_ =	sdelay $0x7  }
0x4f: {  	v0 =	vld.idx.msk [tilespmem:v0+s3+$0x0], $0xffff;
	_ =	sdelay $0x2  }
0x50: {  	s21 =	sshll.u32 s20, $0x4;
	s20 =	sadd.s32 $0x1, s20;
	v1 =	vadd.f32 v2, v1  }
0x51: {  	p0 =	sne.s32 s20, $0x10  }
.Ltmp5:
0x52: {  	v0 =	vadd.f32 v0, v1;
	(pc) =	sbr.rel @p0 .LBB2_10-.Ltmp5, $4  }
0x53: {  	_ = 	snop  }
0x54: {  	v0 =	vmul.f32 $1.111111140e-02, v0  }
0x55: {  	s21 =	sand.u32 $0xF0, s21  }
0x56: {  	s19 =	sadd.s32 $0x5A0, s19;
	[tilespmem:s21+$0xB600] =	vst v0  }
0x57: {  	s19 =	simm.s32 $0x5A00  }
0x58: {  	[tilespmem:s19], [sflag:$0x1] =	stream.strided.gather [hbm4b:s7+s15], $0x5A00, s16, s15, $0x38;
	[tilespmem:$0xBC00] =	vst v63  }
0x59: {  	_ =	swait.ge [sflag:s14], $0x5A00  }
0x5a: {  	[sflag:s14] =	ssyncset.done $0x0  }
0x5b: {  	s20 =	simm.s32 $0x0;
	[sflag:s14] =	ssyncadd.s32 $0xFFFFA600  }
.LBB2_14:
0x5c: {  	v0 =	vmov s19;
	_ =	sdelay $0x3  }
0x5d: {  	s21 =	simm.s32 $0x0  }
0x5e: {  	v2 =	vld.idx.msk [tilespmem:v0+s21+$0x0 ss:$0x1], $0xffff;
	_ =	sdelay $0x7  }
0x5f: {  	v1 =	vimm.f32 $0.0e+00;
	s22 =	simm.s32 $0x10;
	s21 =	simm.s32 $0x80;
	v2 =	vld.idx.msk [tilespmem:v2+s3+$0x0], $0xffff  }
.LBB2_15:
0x60: {  	p0 =	sne.s32 s21, $0x1640;
	v3 =	vld.idx.msk [tilespmem:v0+s22+$0x0 ss:$0x1], $0xffff;
	_ =	sdelay $0x3  }
.Ltmp6:
0x61: {  	(pc) =	sbr.rel @p0 .LBB2_15-.Ltmp6, $2  }
0x62: {  	v1 =	vadd.f32 v2, v1;
	_ =	sdelay $0x2  }
0x63: {  	s22 =	sshra.s32 s21, $0x2;
	s21 =	sadd.s32 $0x40, s21;
	v2 =	vld.idx.msk [tilespmem:v3+s3+$0x0], $0xffff  }
0x64: {  	_ =	sdelay $0x3  }
0x65: {  	v0 =	vld.idx.msk [tilespmem:v0+s22+$0x0 ss:$0x1], $0xffff;
	_ =	sdelay $0x7  }
0x66: {  	v0 =	vld.idx.msk [tilespmem:v0+s3+$0x0], $0xffff;
	_ =	sdelay $0x2  }
0x67: {  	s21 =	sshll.u32 s20, $0x4;
	s20 =	sadd.s32 $0x1, s20;
	v1 =	vadd.f32 v2, v1  }
0x68: {  	p0 =	sne.s32 s20, $0x10  }
.Ltmp7:
0x69: {  	v0 =	vadd.f32 v0, v1;
	(pc) =	sbr.rel @p0 .LBB2_14-.Ltmp7, $4  }
0x6a: {  	_ = 	snop  }
0x6b: {  	v0 =	vmul.f32 $1.111111140e-02, v0  }
0x6c: {  	s21 =	sand.u32 $0xF0, s21  }
0x6d: {  	s19 =	sadd.s32 $0x5A0, s19;
	[tilespmem:s21+$0xB700] =	vst v0  }
0x6e: {  	s19 =	simm.s32 $0x5A00  }
0x6f: {  	[tilespmem:s19], [sflag:$0x1] =	stream.strided.gather [hbm4b:s8+s15], $0x5A00, s16, s15, $0x38;
	[tilespmem:$0xBC00] =	vst v63  }
0x70: {  	_ =	swait.ge [sflag:s14], $0x5A00  }
0x71: {  	[sflag:s14] =	ssyncset.done $0x0  }
0x72: {  	s20 =	simm.s32 $0x0;
	[sflag:s14] =	ssyncadd.s32 $0xFFFFA600  }
.LBB2_18:
0x73: {  	v0 =	vmov s19;
	_ =	sdelay $0x3  }
0x74: {  	s21 =	simm.s32 $0x0  }
0x75: {  	v2 =	vld.idx.msk [tilespmem:v0+s21+$0x0 ss:$0x1], $0xffff;
	_ =	sdelay $0x7  }
0x76: {  	v1 =	vimm.f32 $0.0e+00;
	s22 =	simm.s32 $0x10;
	s21 =	simm.s32 $0x80;
	v2 =	vld.idx.msk [tilespmem:v2+s3+$0x0], $0xffff  }
.LBB2_19:
0x77: {  	p0 =	sne.s32 s21, $0x1640;
	v3 =	vld.idx.msk [tilespmem:v0+s22+$0x0 ss:$0x1], $0xffff;
	_ =	sdelay $0x3  }
.Ltmp8:
0x78: {  	(pc) =	sbr.rel @p0 .LBB2_19-.Ltmp8, $2  }
0x79: {  	v1 =	vadd.f32 v2, v1;
	_ =	sdelay $0x2  }
0x7a: {  	s22 =	sshra.s32 s21, $0x2;
	s21 =	sadd.s32 $0x40, s21;
	v2 =	vld.idx.msk [tilespmem:v3+s3+$0x0], $0xffff  }
0x7b: {  	_ =	sdelay $0x3  }
0x7c: {  	v0 =	vld.idx.msk [tilespmem:v0+s22+$0x0 ss:$0x1], $0xffff;
	_ =	sdelay $0x7  }
0x7d: {  	v0 =	vld.idx.msk [tilespmem:v0+s3+$0x0], $0xffff;
	_ =	sdelay $0x2  }
0x7e: {  	s21 =	sshll.u32 s20, $0x4;
	s20 =	sadd.s32 $0x1, s20;
	v1 =	vadd.f32 v2, v1  }
0x7f: {  	p0 =	sne.s32 s20, $0x10  }
.Ltmp9:
0x80: {  	v0 =	vadd.f32 v0, v1;
	(pc) =	sbr.rel @p0 .LBB2_18-.Ltmp9, $4  }
0x81: {  	_ = 	snop  }
0x82: {  	v0 =	vmul.f32 $1.111111140e-02, v0  }
0x83: {  	s21 =	sand.u32 $0xF0, s21  }
0x84: {  	s19 =	sadd.s32 $0x5A0, s19;
	[tilespmem:s21+$0xB800] =	vst v0  }
0x85: {  	s19 =	simm.s32 $0x5A00  }
0x86: {  	[tilespmem:s19], [sflag:$0x1] =	stream.strided.gather [hbm4b:s9+s15], $0x5A00, s16, s15, $0x38;
	[tilespmem:$0xBC00] =	vst v63  }
0x87: {  	_ =	swait.ge [sflag:s14], $0x5A00  }
0x88: {  	[sflag:s14] =	ssyncset.done $0x0  }
0x89: {  	s20 =	simm.s32 $0x0;
	[sflag:s14] =	ssyncadd.s32 $0xFFFFA600  }
.LBB2_22:
0x8a: {  	v0 =	vmov s19;
	_ =	sdelay $0x3  }
0x8b: {  	s21 =	simm.s32 $0x0  }
0x8c: {  	v2 =	vld.idx.msk [tilespmem:v0+s21+$0x0 ss:$0x1], $0xffff;
	_ =	sdelay $0x7  }
0x8d: {  	v1 =	vimm.f32 $0.0e+00;
	s22 =	simm.s32 $0x10;
	s21 =	simm.s32 $0x80;
	v2 =	vld.idx.msk [tilespmem:v2+s3+$0x0], $0xffff  }
.LBB2_23:
0x8e: {  	p0 =	sne.s32 s21, $0x1640;
	v3 =	vld.idx.msk [tilespmem:v0+s22+$0x0 ss:$0x1], $0xffff;
	_ =	sdelay $0x3  }
.Ltmp10:
0x8f: {  	(pc) =	sbr.rel @p0 .LBB2_23-.Ltmp10, $2  }
0x90: {  	v1 =	vadd.f32 v2, v1;
	_ =	sdelay $0x2  }
0x91: {  	s22 =	sshra.s32 s21, $0x2;
	s21 =	sadd.s32 $0x40, s21;
	v2 =	vld.idx.msk [tilespmem:v3+s3+$0x0], $0xffff  }
0x92: {  	_ =	sdelay $0x3  }
0x93: {  	v0 =	vld.idx.msk [tilespmem:v0+s22+$0x0 ss:$0x1], $0xffff;
	_ =	sdelay $0x7  }
0x94: {  	v0 =	vld.idx.msk [tilespmem:v0+s3+$0x0], $0xffff;
	_ =	sdelay $0x2  }
0x95: {  	s21 =	sshll.u32 s20, $0x4;
	s20 =	sadd.s32 $0x1, s20;
	v1 =	vadd.f32 v2, v1  }
0x96: {  	p0 =	sne.s32 s20, $0x10  }
.Ltmp11:
0x97: {  	v0 =	vadd.f32 v0, v1;
	(pc) =	sbr.rel @p0 .LBB2_22-.Ltmp11, $4  }
0x98: {  	_ = 	snop  }
0x99: {  	v0 =	vmul.f32 $1.111111140e-02, v0  }
0x9a: {  	s21 =	sand.u32 $0xF0, s21  }
0x9b: {  	s19 =	sadd.s32 $0x5A0, s19;
	[tilespmem:s21+$0xB900] =	vst v0  }
0x9c: {  	s19 =	simm.s32 $0x5A00  }
0x9d: {  	[tilespmem:s19], [sflag:$0x1] =	stream.strided.gather [hbm4b:s10+s15], $0x5A00, s16, s15, $0x38;
	[tilespmem:$0xBC00] =	vst v63  }
0x9e: {  	_ =	swait.ge [sflag:s14], $0x5A00  }
0x9f: {  	[sflag:s14] =	ssyncset.done $0x0  }
0xa0: {  	s20 =	simm.s32 $0x0;
	[sflag:s14] =	ssyncadd.s32 $0xFFFFA600  }
.LBB2_26:
0xa1: {  	v0 =	vmov s19;
	_ =	sdelay $0x3  }
0xa2: {  	s21 =	simm.s32 $0x0  }
0xa3: {  	v2 =	vld.idx.msk [tilespmem:v0+s21+$0x0 ss:$0x1], $0xffff;
	_ =	sdelay $0x7  }
0xa4: {  	v1 =	vimm.f32 $0.0e+00;
	s22 =	simm.s32 $0x10;
	s21 =	simm.s32 $0x80;
	v2 =	vld.idx.msk [tilespmem:v2+s3+$0x0], $0xffff  }
.LBB2_27:
0xa5: {  	p0 =	sne.s32 s21, $0x1640;
	v3 =	vld.idx.msk [tilespmem:v0+s22+$0x0 ss:$0x1], $0xffff;
	_ =	sdelay $0x3  }
.Ltmp12:
0xa6: {  	(pc) =	sbr.rel @p0 .LBB2_27-.Ltmp12, $2  }
0xa7: {  	v1 =	vadd.f32 v2, v1;
	_ =	sdelay $0x2  }
0xa8: {  	s22 =	sshra.s32 s21, $0x2;
	s21 =	sadd.s32 $0x40, s21;
	v2 =	vld.idx.msk [tilespmem:v3+s3+$0x0], $0xffff  }
0xa9: {  	_ =	sdelay $0x3  }
0xaa: {  	v0 =	vld.idx.msk [tilespmem:v0+s22+$0x0 ss:$0x1], $0xffff;
	_ =	sdelay $0x7  }
0xab: {  	v0 =	vld.idx.msk [tilespmem:v0+s3+$0x0], $0xffff;
	_ =	sdelay $0x2  }
0xac: {  	s21 =	sshll.u32 s20, $0x4;
	s20 =	sadd.s32 $0x1, s20;
	v1 =	vadd.f32 v2, v1  }
0xad: {  	p0 =	sne.s32 s20, $0x10  }
.Ltmp13:
0xae: {  	v0 =	vadd.f32 v0, v1;
	(pc) =	sbr.rel @p0 .LBB2_26-.Ltmp13, $4  }
0xaf: {  	_ = 	snop  }
0xb0: {  	v0 =	vmul.f32 $1.111111140e-02, v0  }
0xb1: {  	s21 =	sand.u32 $0xF0, s21  }
0xb2: {  	s19 =	sadd.s32 $0x5A0, s19;
	[tilespmem:s21+$0xBA00] =	vst v0  }
0xb3: {  	s19 =	simm.s32 $0x5A00  }
0xb4: {  	[tilespmem:s19], [sflag:$0x1] =	stream.strided.gather [hbm4b:s11+s15], $0x5A00, s16, s15, $0x38;
	[tilespmem:$0xBC00] =	vst v63  }
0xb5: {  	_ =	swait.ge [sflag:s14], $0x5A00  }
0xb6: {  	[sflag:s14] =	ssyncset.done $0x0  }
0xb7: {  	s20 =	simm.s32 $0x0;
	[sflag:s14] =	ssyncadd.s32 $0xFFFFA600  }
.LBB2_30:
0xb8: {  	v0 =	vmov s19;
	_ =	sdelay $0x3  }
0xb9: {  	s21 =	simm.s32 $0x0  }
0xba: {  	v2 =	vld.idx.msk [tilespmem:v0+s21+$0x0 ss:$0x1], $0xffff;
	_ =	sdelay $0x7  }
0xbb: {  	v1 =	vimm.f32 $0.0e+00;
	s22 =	simm.s32 $0x10;
	s21 =	simm.s32 $0x80;
	v2 =	vld.idx.msk [tilespmem:v2+s3+$0x0], $0xffff  }
.LBB2_31:
0xbc: {  	p0 =	sne.s32 s21, $0x1640;
	v3 =	vld.idx.msk [tilespmem:v0+s22+$0x0 ss:$0x1], $0xffff;
	_ =	sdelay $0x3  }
.Ltmp14:
0xbd: {  	(pc) =	sbr.rel @p0 .LBB2_31-.Ltmp14, $2  }
0xbe: {  	v1 =	vadd.f32 v2, v1;
	_ =	sdelay $0x2  }
0xbf: {  	s22 =	sshra.s32 s21, $0x2;
	s21 =	sadd.s32 $0x40, s21;
	v2 =	vld.idx.msk [tilespmem:v3+s3+$0x0], $0xffff  }
0xc0: {  	_ =	sdelay $0x3  }
0xc1: {  	v0 =	vld.idx.msk [tilespmem:v0+s22+$0x0 ss:$0x1], $0xffff;
	_ =	sdelay $0x7  }
0xc2: {  	v0 =	vld.idx.msk [tilespmem:v0+s3+$0x0], $0xffff;
	_ =	sdelay $0x2  }
0xc3: {  	s21 =	sshll.u32 s20, $0x4;
	s20 =	sadd.s32 $0x1, s20;
	v1 =	vadd.f32 v2, v1  }
0xc4: {  	p0 =	sne.s32 s20, $0x10  }
.Ltmp15:
0xc5: {  	v0 =	vadd.f32 v0, v1;
	(pc) =	sbr.rel @p0 .LBB2_30-.Ltmp15, $4  }
0xc6: {  	_ = 	snop  }
0xc7: {  	v0 =	vmul.f32 $1.111111140e-02, v0  }
0xc8: {  	s21 =	sand.u32 $0xF0, s21  }
0xc9: {  	s19 =	sadd.s32 $0x5A0, s19;
	[tilespmem:s21+$0xBB00] =	vst v0  }
0xca: {  	s18 =	sadd.s32 $0x1, s18  }
0xcb: {  	p0 =	sne.s32 s18, s13  }
.Ltmp16:
0xcc: {  	_ = 	snop;
	(pc) =	sbr.rel @p0 .LBB2_1-.Ltmp16, $4  }
0xcd: {  	[hbm4b:s12+s15] =	stream.strided.scatter [tilespmem:s17], [sflag:$0x1], $0x800, s16, s15, $0x38;
	[tilespmem:$0xBC00] =	vst v63  }
0xce: {  	_ =	swait.ge [sflag:s14], $0x800  }
0xcf: {  	[sflag:s14] =	ssyncset.done $0x0  }
0xd0: {  	[sflag:s14] =	ssyncadd.s32 $0xFFFFF800  }
0xd1: {  	_ =	sfence.sel $0x180000  }
0xd2: {  	[bflag:$0x0] =	sbarrier.arrive $0xFFFF  }
0xd3: {  	p0 =	sne.s32 s1, $0x0;
	_ =	strace $0x90000047  }
0xd4: {  	s0 =	sadd.s32 @!p0 $0x100000, s0;
	[bflag:$0x2] =	sbarrier.arrive $0xFFFF  }
0xd5: {  	[sflag:s0] =	ssyncadd.tile.s32 @!p0 $0x1;
	_ =	shalt  }
.Lfunc_end2:
_tile_overlayer_lowered:
.L_overlay_start_2:
0xd6: {  	(tag) =	ssettag $0x2  }
0xd7: {  	s0 =	rddreg [dreg:$0x0];
	s2 =	stileid.u32  }
0xd8: {  	s1 =	rddreg [dreg:$0x1];
	p0 =	sne.s32 s2, $0x0  }
0xd9: {  	s3 =	rddreg [dreg:$0x2];
	[bflag:$0x3] =	sbarrier.arrive $0xFFFF;
	s2 =	simm.s32 @!p0 $0x1C01  }
0xda: {  	[timem:s3], [sflag:s2] =	dma.local @!p0 [hbm:s0], s1  }
0xdb: {  	s0 =	simm.s32 @!p0 $0x1  }
0xdc: {  	_ =	swait.ge @!p0 [sflag:s0], s1  }
0xdd: {  	s1 =	ssub.s32 @!p0 $0x0, s1;
	[sflag:s0] =	ssyncset.done @!p0 $0x0  }
0xde: {  	[sflag:s0] =	ssyncadd.s32 @!p0 s1  }
0xdf: {  	[bflag:$0x3] =	sbarrier.arrive $0xFFFF  }
0xe0: {  	_ =	shalt  }

// kernel: kernel.8.cloned.1.call-start
scs
__scs_entry_jumppad:
0x0: {  	(pc) =	sbr.rel $0x88, $3  }
0x1: {  	(tag) =	ssettag $0x0;
	lr =	simm.s32 $0x1  }
0x2: {  	[smem:$0x3FA0] =	sst lr;
	_ =	strace $0xD0000000  }
0x3: {  	_ = 	snop  }
0x4: {  	_ = 	snop  }
0x5: {  	_ = 	snop  }
0x6: {  	_ = 	snop  }
0x7: {  	_ = 	snop  }
__scs_overlays_trampoline_lowered:
0x8: {  	[smem:$0x3FAF] =	sst s0  }
0x9: {  	[smem:$0x3FB0] =	sst s1  }
0xa: {  	[smem:$0x3FB1] =	sst s2  }
0xb: {  	[smem:$0x3FB2] =	sst s3  }
0xc: {  	[smem:$0x3FB3] =	sst s4  }
0xd: {  	[smem:$0x3FB4] =	sst s5  }
0xe: {  	[smem:$0x3FB5] =	sst s6  }
0xf: {  	[smem:$0x3FB6] =	sst s7  }
0x10: {  	[smem:$0x3FB7] =	sst s8  }
0x11: {  	[smem:$0x3FB8] =	sst s9;
	s0 =	simm.s32 @!p0 $0x0  }
0x12: {  	s1 =	sld [smem:$0x3F9E];
	s0 =	simm.s32 @p0 $0x1  }
0x13: {  	[smem:$0x3FB9] =	sst s0;
	s0 =	simm.s32 @!p1 $0x0  }
0x14: {  	s2 =	sld [smem:$0x3F9D];
	s0 =	simm.s32 @p1 $0x1  }
0x15: {  	[smem:$0x3FBA] =	sst s0;
	s0 =	simm.s32 @!p2 $0x0  }
0x16: {  	s3 =	sld [smem:$0x3FDB];
	s0 =	simm.s32 @p2 $0x1  }
0x17: {  	s4 =	simm.s32 $0x1BF5;
	[smem:$0x3FBC] =	sst s0  }
0x18: {  	s0 =	sld [smem:$0x3F9F];
	_ =	swait.ge [sflag:s4], $0x0  }
0x19: {  	s7 =	sld [smem:$0x3FA0]  }
0x1a: {  	s8 =	sadd.s32 $0xFFFFE003, lr  }
0x1b: {  	s9 =	sadd.s32 $0xFFFFFEF7, lr;
	s5 =	simm.s32 $0xFFFFFFFF;
	p2 =	slt.u32 s8, $0xFFFFF086  }
0x1c: {  	p1 =	slt.u32 s9, $0xF7A;
	s5 =	simm.s32 @!p2 $0x0  }
0x1d: {  	s5 =	simm.s32 @p1 $0x1;
	p0 =	seq.s32 s7, s2  }
0x1e: {  	s7 =	smul.u32 @!p0 $0xF7A, s2;
	p2 =	seq.s32 @!p0 s5, $0x0  }
0x1f: {  	s9 =	smul.u32 $0xF7A, s1;
	s8 =	simm.s32 @!p0 $0x1BF5;
	p2 =	por !p2, p0  }
0x20: {  	[sflag:s8] =	ssyncset.s32 @!p0 $0xFFFFF086;
	s6 =	sadd.s32 @!p0 s3, s7;
	s7 =	simm.s32 @!p0 $0x108  }
0x21: {  	s3 =	sadd.s32 s3, s9;
	s6 =	sadd.s32 @!p0 $0x88, s6;
	s7 =	simm.s32 @p2 $0x1082  }
0x22: {  	[simem:s7], [sflag:s8] =	dma.local @!p0 [hbm:s6], $0xF7A  }
0x23: {  	s9 =	sor.u32 $0xD0000000, s2;
	s6 =	simm.s32 $0x108;
	_ =	swait.ge @!p0 [sflag:s8], $0x0  }
0x24: {  	s3 =	sadd.s32 $0x88, s3;
	s6 =	simm.s32 @!p1 $0x1082;
	[sflag:s4] =	ssyncset.s32 $0xFFFFF086  }
0x25: {  	[simem:s6], [sflag:s4] =	dma.local [hbm:s3], $0xF7A  }
0x26: {  	[smem:$0x3FA0] =	sst s1;
	(tag) =	ssettag s2;
	_ =	strace s9  }
0x27: {  	s1 =	sld [smem:$0x3FB0]  }
0x28: {  	s2 =	sld [smem:$0x3FB1]  }
0x29: {  	s4 =	sld [smem:$0x3FB3]  }
0x2a: {  	p0 =	seq.s32 s5, $0x0;
	s5 =	sld [smem:$0x3FB4]  }
0x2b: {  	s6 =	sld [smem:$0x3FB5]  }
0x2c: {  	s7 =	sld [smem:$0x3FB6]  }
0x2d: {  	s3 =	simm.s32 $0x108;
	s8 =	sld [smem:$0x3FB7]  }
0x2e: {  	s3 =	simm.s32 @!p0 $0x1082;
	s9 =	sld [smem:$0x3FB8]  }
0x2f: {  	lr =	sadd.s32 s0, s3;
	s0 =	sld [smem:$0x3FAF]  }
0x30: {  	s3 =	sld [smem:$0x3FB2]  }
0x31: {  	[smem:$0x3FBB] =	sst s10  }
0x32: {  	s10 =	sld [smem:$0x3FB9];
	_ =	sdelay $0x3  }
0x33: {  	p0 =	seq.s32 s10, $0x1;
	s10 =	sld [smem:$0x3FBB];
	_ =	sdelay $0x3  }
0x34: {  	[smem:$0x3FBB] =	sst s10  }
0x35: {  	s10 =	sld [smem:$0x3FBA];
	_ =	sdelay $0x3  }
0x36: {  	p1 =	seq.s32 s10, $0x1;
	s10 =	sld [smem:$0x3FBB];
	_ =	sdelay $0x3  }
0x37: {  	[smem:$0x3FBB] =	sst s10  }
0x38: {  	s10 =	sld [smem:$0x3FBC]  }
0x39: {  	_ = 	snop;
	(pc) =	sbr.ind lr, $3  }
0x3a: {  	_ = 	snop  }
0x3b: {  	_ = 	snop  }
0x3c: {  	p2 =	seq.s32 s10, $0x1;
	s10 =	sld [smem:$0x3FBB]  }
0x3d: {  	_ =	shalt  }
0x3e: {  	_ =	shalt  }
0x3f: {  	_ =	shalt  }
0x40: {  	_ =	shalt  }
0x41: {  	_ =	shalt  }
0x42: {  	_ =	shalt  }
0x43: {  	_ =	shalt  }
0x44: {  	_ =	shalt  }
0x45: {  	_ =	shalt  }
0x46: {  	_ =	shalt  }
0x47: {  	_ =	shalt  }
0x48: {  	_ =	shalt  }
0x49: {  	_ =	shalt  }
0x4a: {  	_ =	shalt  }
0x4b: {  	_ =	shalt  }
0x4c: {  	_ =	shalt  }
0x4d: {  	_ =	shalt  }
0x4e: {  	_ =	shalt  }
0x4f: {  	_ =	shalt  }
0x50: {  	_ =	shalt  }
0x51: {  	_ =	shalt  }
0x52: {  	_ =	shalt  }
0x53: {  	_ =	shalt  }
0x54: {  	_ =	shalt  }
0x55: {  	_ =	shalt  }
0x56: {  	_ =	shalt  }
0x57: {  	_ =	shalt  }
0x58: {  	_ =	shalt  }
0x59: {  	_ =	shalt  }
0x5a: {  	_ =	shalt  }
0x5b: {  	_ =	shalt  }
0x5c: {  	_ =	shalt  }
0x5d: {  	_ =	shalt  }
0x5e: {  	_ =	shalt  }
0x5f: {  	_ =	shalt  }
0x60: {  	_ =	shalt  }
0x61: {  	_ =	shalt  }
0x62: {  	_ =	shalt  }
0x63: {  	_ =	shalt  }
0x64: {  	_ =	shalt  }
0x65: {  	_ =	shalt  }
0x66: {  	_ =	shalt  }
0x67: {  	_ =	shalt  }
0x68: {  	_ =	shalt  }
0x69: {  	_ =	shalt  }
0x6a: {  	_ =	shalt  }
0x6b: {  	_ =	shalt  }
0x6c: {  	_ =	shalt  }
0x6d: {  	_ =	shalt  }
0x6e: {  	_ =	shalt  }
0x6f: {  	_ =	shalt  }
0x70: {  	_ =	shalt  }
0x71: {  	_ =	shalt  }
0x72: {  	_ =	shalt  }
0x73: {  	_ =	shalt  }
0x74: {  	_ =	shalt  }
0x75: {  	_ =	shalt  }
0x76: {  	_ =	shalt  }
0x77: {  	_ =	shalt  }
0x78: {  	_ =	shalt  }
0x79: {  	_ =	shalt  }
0x7a: {  	_ =	shalt  }
0x7b: {  	_ =	shalt  }
0x7c: {  	_ =	shalt  }
0x7d: {  	_ =	shalt  }
0x7e: {  	_ =	shalt  }
0x7f: {  	_ =	shalt  }
0x80: {  	_ =	shalt  }
0x81: {  	_ =	shalt  }
0x82: {  	_ =	shalt  }
0x83: {  	_ =	shalt  }
0x84: {  	_ =	shalt  }
0x85: {  	_ =	shalt  }
0x86: {  	_ =	shalt  }
0x87: {  	_ =	shalt  }
.Lfunc_end0:
.L_simem_size_0:
called_computation.1_lowered:
.L_overlay_start_0:
0x88: {  	s2 =	sld [smem:$0x3FD9]  }
0x89: {  	s3 =	sld [smem:$0x3FFE];
	_ =	sdelay $0x1  }
0x8a: {  	s1 =	srdreg.scid  }
0x8b: {  	s0 =	sand.u32 $0x1, s1  }
0x8c: {  	s17 =	sshll.u32 s0, $0xA;
	s2 =	sadd.s32 s3, s2  }
0x8d: {  	s2 =	sadd.s32 s2, s17  }
0x8e: {  	[smem:$0x3FC7] =	sst s2  }
0x8f: {  	_ = 	snop  }
0x90: {  	s2 =	sld [smem:$0x3FD0];
	(tm) =	ssettm $0x1  }
0x91: {  	s18 =	sld [smem:$0x3FFB];
	_ =	sdelay $0x3  }
0x92: {  	_ =	strace s18  }
0x93: {  	s3 =	sld [smem:$0x3FFC];
	_ =	sdelay $0x3  }
0x94: {  	_ =	strace s3  }
0x95: {  	s3 =	sld [smem:$0x3FFD];
	_ =	sdelay $0x3  }
0x96: {  	_ =	strace s3  }
0x97: {  	_ =	strace $0x8FFFFFFF  }
0x98: {  	s19 =	sld [smem:$0x3FDB];
	_ =	sdelay $0x1  }
0x99: {  	s4 =	simm.s32 $_scs_section_size  }
0x9a: {  	s5 =	simm.s32 $_size__tile_overlayer_lowered;
	s6 =	simm.s32 $_tile_overlayer_lowered  }
0x9b: {  	s22 =	simm.s32 $0x1BFF;
	s21 =	sshll.u32 s6, $0x1;
	s3 =	sadd.s32 s4, s19  }
0x9c: {  	s7 =	simm.s32 $0x0;
	s20 =	sshll.u32 s5, $0x1;
	s5 =	sadd.s32 s21, s3  }
0x9d: {  	[timem:s7], [sflag:s22] =	dma.local [hbm:s5], s20  }
0x9e: {  	_ =	swait.ge [sflag:s22], s20  }
0x9f: {  	s4 =	ssub.s32 $0x0, s20;
	[sflag:s22] =	ssyncset.done $0x0  }
0xa0: {  	[sflag:s22] =	ssyncadd.s32 s4;
	_ =	sdelay $0x1  }
0xa1: {  	s23 =	simm.s32 $0x1B8B  }
0xa2: {  	_ =	swait.ge [sflag:s23], $0x1  }
0xa3: {  	[sflag:s23] =	ssyncset.done $0x0  }
0xa4: {  	s25 =	simm.s32 $0x1B8E;
	s24 =	sld [smem:$0x3FFE];
	[sflag:s23] =	ssyncadd.s32 $0xFFFFFFFF  }
0xa5: {  	s26 =	simm.s32 $execute0_lowered;
	[smem:$0x3FD2] =	sst s25  }
0xa6: {  	s5 =	sshll.u32 s26, $0x1;
	_ =	strace $0x80000049;
	[dreg:$0x1] =	wrdreg $0xFFFFFFFF  }
0xa7: {  	s28 =	simm.s32 $_size_execute0_lowered;
	s3 =	sadd.s32 s3, s5;
	[dreg:$0x0] =	wrdreg $0x0  }
0xa8: {  	s5 =	sshll.u32 s28, $0x1;
	[dreg:$0x2] =	wrdreg s3  }
0xa9: {  	[dreg:$0x3] =	wrdreg s5  }
0xaa: {  	[dreg:$0x4] =	wrdreg $0xC0  }
0xab: {  	_ =	task [dreg:s7], $0x5FFFF  }
0xac: {  	[dreg:$0x1] =	wrdreg $0xFFFFFFFF  }
0xad: {  	[dreg:$0x0] =	wrdreg $0x60  }
0xae: {  	[dreg:$0x2] =	wrdreg s2  }
0xaf: {  	[dreg:$0x3] =	wrdreg s24  }
0xb0: {  	[dreg:$0x4] =	wrdreg $0x9  }
0xb1: {  	_ =	task.clear_ibuf [dreg:s7], $0x5FFFF;
	_ =	strace $0x90000049  }
0xb2: {  	s29 =	simm.s32 $0x9;
	_ =	strace $0x8000004B  }
0xb3: {  	_ =	swait.ge [sflag:s29], $0x1  }
0xb4: {  	[sflag:s29] =	ssyncadd.s32 $0xFFFFFFFF  }
0xb5: {  	_ =	strace $0x9000004B  }
0xb6: {  	_ =	sfence  }
0xb7: {  	s30 =	sld [smem:$0x0];
	_ =	sdelay $0x2  }
0xb8: {  	s31 =	sshll.u32 s1, $0xD;
	s1 =	sshrl.u32 s1, $0x2  }
0xb9: {  	s3 =	sand.u32 $0x4000, s31;
	s1 =	sadd.s32 s1, s30  }
0xba: {  	s0 =	sor.u32 s3, s0;
	s1 =	sshll.u32 s1, $0x11  }
0xbb: {  	s0 =	sor.u32 s1, s0  }
0xbc: {  	s0 =	sadd.s32 $0x8F2B, s0  }
0xbd: {  	[sflag:s0] =	ssyncadd.remote.s32 $0x1  }
0xbe: {  	_ =	sfence.sel $0xFFFF  }
0xbf: {  	[dreg:$0x0] =	wrdreg $0xFFFFFFFF;
	(pc) =	sbr.abs _section_cstart, $3  }
0xc0: {  	[dreg:$0x1] =	wrdreg $0xFFFFFFFF  }
0xc1: {  	_ =	task.clear_ibuf [dreg:s7], $0x2FFFF;
	_ =	strace $0x9FFFFFFF  }
0xc2: {  	(tm) =	ssettm $0x7FFFFFFF  }
0xc3: {  	_ =	shalt  }
tec
execute0_lowered:
.L_overlay_start_1:
0x0: {  	(tag) =	ssettag $0x1  }
0x1: {  	s1 =	rddreg [dreg:$0x0]  }
0x2: {  	s0 =	rddreg [dreg:$0x1];
	s3 =	simm.s32 $0x0  }
0x3: {  	s4 =	srdreg.scid;
	s2 =	stileid.u32;
	s22 =	simm.s32 $0x200  }
0x4: {  	s23 =	simm.s32 $0x10000;
	s24 =	simm.s32 $0x14000;
	s28 =	simm.s32 $0x0  }
0x5: {  	[smem:$0x7FF] =	sst s3;
	s4 =	sand.u32 $0x1, s4;
	s5 =	sshll.u32 s2, $0x1  }
0x6: {  	s14 =	sadd.s32 $0x3800, s0;
	s18 =	sadd.s32 $0x16D800, s0;
	s15 =	sadd.s32 $0x3810, s0  }
0x7: {  	s26 =	sshll.u32 s2, $0x9;
	s16 =	sadd.s32 $0x3820, s0;
	s0 =	sadd.s32 $0x3830, s0  }
0x8: {  	p0 =	sgt.u32 s2, $0xC;
	_ =	strace $0x8000004A;
	s6 =	ssub.s32 $0x2, s4  }
0x9: {  	s12 =	sor.u32 s4, s5;
	s8 =	sand.u32 $0x1800, s26;
	s26 =	simm.s32 $0x15000  }
0xa: {  	s25 =	sshrl.u32 s6, $0x1;
	s7 =	sshll.u32 s12, $0xD;
	s29 =	sshll.u32 s12, $0x7  }
0xb: {  	s11 =	sor.u32 $0x20, s12;
	s21 =	sor.u32 $0x40, s12;
	s19 =	ssub.s32 s6, s25  }
0xc: {  	s4 =	sadd.s32 s14, s7;
	s17 =	sand.u32 $0x380, s29;
	s5 =	sadd.s32 s7, s15  }
0xd: {  	s6 =	sadd.s32 s7, s16;
	s7 =	sadd.s32 s7, s0;
	s13 =	sshll.u32 s11, $0xD  }
0xe: {  	s20 =	sshll.u32 s11, $0x8;
	s31 =	sshll.u32 s21, $0x8;
	s21 =	sshll.u32 s21, $0xD  }
0xf: {  	s25 =	simm.s32 $0x400;
	s8 =	sor.u32 s8, s17;
	s9 =	sadd.s32 s14, s13  }
0x10: {  	s10 =	sadd.s32 s13, s15;
	s11 =	sadd.s32 s13, s16;
	s20 =	sand.u32 $0x3800, s20  }
0x11: {  	s12 =	sadd.s32 s13, s0;
	s14 =	sadd.s32 s14, s21;
	s15 =	sadd.s32 s21, s15  }
.Ltmp0:
0x12: {  	s16 =	sadd.s32 s21, s16;
	s19 =	smax.u32 s19, $0x1;
	(pc) =	sbr.rel .LBB2_1-.Ltmp0, $4  }
0x13: {  	s8 =	sshrl.u32 s8, $0x3;
	s30 =	sor.u32 s17, s20;
	s20 =	sand.u32 $0x5800, s31  }
0x14: {  	s8 =	sadd.s32 s18, s8;
	s13 =	sshrl.u32 s30, $0x3;
	s17 =	sor.u32 s17, s20  }
0x15: {  	v1 =	vlaneseq.u32;
	s13 =	sadd.s32 s18, s13;
	s20 =	sshrl.u32 s17, $0x3;
	s17 =	sadd.s32 s21, s0  }
0x16: {  	v0 =	vimm.f32 $0.0e+00;
	v1 =	vmul.u32 $0x100, v1;
	s21 =	simm.s32 $0x80;
	s18 =	sadd.s32 s18, s20;
	s20 =	simm.s32 $0x1  }
.LBB2_38:
0x17: {  	v3 =	vld [tilespmem:s31+$0x0];
	_ =	sdelay $0x1  }
0x18: {  	v4 =	vld [tilespmem:s30+$0x14200];
	_ =	sdelay $0x1  }
0x19: {  	v5 =	vld [tilespmem:s30+$0x14300]  }
0x1a: {  	v2 =	vadd.f32 v2, v3  }
0x1b: {  	v3 =	vld [tilespmem:s30+$0x14400]  }
0x1c: {  	v2 =	vadd.f32 v4, v2  }
0x1d: {  	v56 =	vld [tilespmem:s30+$0x14500]  }
0x1e: {  	v2 =	vadd.f32 v5, v2  }
0x1f: {  	v57 =	vld [tilespmem:s30+$0x14600]  }
0x20: {  	v2 =	vadd.f32 v3, v2  }
0x21: {  	v3 =	vld [tilespmem:s30+$0x14700]  }
0x22: {  	v2 =	vadd.f32 v56, v2  }
0x23: {  	v58 =	vld [tilespmem:s30+$0x14800]  }
0x24: {  	v2 =	vadd.f32 v57, v2  }
0x25: {  	v59 =	vld [tilespmem:s30+$0x14900]  }
0x26: {  	v2 =	vadd.f32 v3, v2  }
0x27: {  	v3 =	vld [tilespmem:s30+$0x14A00]  }
0x28: {  	v2 =	vadd.f32 v58, v2  }
0x29: {  	v60 =	vld [tilespmem:s30+$0x14B00]  }
0x2a: {  	v2 =	vadd.f32 v59, v2  }
0x2b: {  	v61 =	vld [tilespmem:s30+$0x14C00]  }
0x2c: {  	v2 =	vadd.f32 v3, v2  }
0x2d: {  	v3 =	vld [tilespmem:s30+$0x14D00]  }
0x2e: {  	v2 =	vadd.f32 v60, v2  }
0x2f: {  	v62 =	vld [tilespmem:s30+$0x14E00]  }
0x30: {  	v2 =	vadd.f32 v61, v2  }
0x31: {  	v63 =	vld [tilespmem:s30+$0x14F00]  }
0x32: {  	v2 =	vadd.f32 v3, v2;
	_ =	sdelay $0x1  }
0x33: {  	v2 =	vadd.f32 v62, v2;
	_ =	sdelay $0x1  }
0x34: {  	v2 =	vadd.f32 v63, v2  }
0x35: {  	s0 =	sadd.s32 $0x10, s29  }
0x36: {  	[tilespmem:s0+$0x0] =	vst v2  }
0x37: {  	[hbm4b:s18+s21] =	stream.strided.scatter [tilespmem:s26], [sflag:$0x1], $0x100, s25, s21, $0x38;
	[tilespmem:$0x15100] =	vst v63  }
0x38: {  	_ =	swait.ge [sflag:s20], $0x100  }
0x39: {  	[sflag:s20] =	ssyncset.done $0x0  }
0x3a: {  	[sflag:s20] =	ssyncadd.s32 $0xFFFFFF00  }
.LBB2_39:
0x3b: {  	s28 =	sadd.s32 $0x1, s28  }
0x3c: {  	p1 =	sne.s32 s28, s19  }
.Ltmp1:
0x3d: {  	_ = 	snop;
	(pc) =	sbr.rel @!p1 .LBB2_40-.Ltmp1, $1  }
0x3e: {  	_ =	sdelay $0x3  }
.LBB2_1:
0x3f: {  	[tilespmem:s3], [sflag:$0x1] =	stream.linear.gather [hbm4b:s1+s3], $0x10000, $0x38;
	[tilespmem:$0x15100] =	vst v63  }
0x40: {  	_ =	swait.ge [sflag:s20], $0x10000  }
0x41: {  	[sflag:s20] =	ssyncset.done $0x0  }
0x42: {  	s0 =	simm.s32 $0x40;
	s29 =	simm.s32 $0x0;
	[sflag:s20] =	ssyncadd.s32 $0xFFFF0000  }
.LBB2_2:
0x43: {  	p1 =	sne.s32 s0, $0x3FC0;
	[tilespmem:s29+$0x14000] =	vst v0;
	s29 =	smov.u32 s0;
	s0 =	sadd.s32 $0x40, s0  }
.Ltmp2:
0x44: {  	(pc) =	sbr.rel @p1 .LBB2_2-.Ltmp2, $2  }
0x45: {  	_ =	sdelay $0x2  }
0x46: {  	s29 =	sshra.s32 s29, $0x2  }
0x47: {  	[tilespmem:s29+$0x14000] =	vst v0  }
0x48: {  	[tilespmem:s23], [sflag:$0x1] =	stream.strided.gather [hbm4b:s4+s21], $0x4000, s22, s21, $0x38;
	[tilespmem:$0x15100] =	vst v63  }
0x49: {  	_ =	swait.ge [sflag:s20], $0x4000  }
0x4a: {  	[sflag:s20] =	ssyncset.done $0x0  }
0x4b: {  	s29 =	simm.s32 $0x0;
	s0 =	simm.s32 $0x40;
	[sflag:s20] =	ssyncadd.s32 $0xFFFFC000  }
.LBB2_4:
0x4c: {  	p1 =	sne.s32 s0, $0xFFC0;
	v2 =	vld [tilespmem:s29+$0x10000];
	_ =	sdelay $0x4  }
0x4d: {  	v2 =	vadd.s32 v1, v2;
	v3 =	vld [tilespmem:s29+$0x0]  }
.Ltmp3:
0x4e: {  	(pc) =	sbr.rel @p1 .LBB2_4-.Ltmp3, $2  }
0x4f: {  	_ =	sdelay $0x2  }
0x50: {  	s29 =	sshra.s32 s0, $0x2;
	s0 =	sadd.s32 $0x40, s0;
	[tilespmem:v2+s24+$0x0] =	vst.idx.add.f32.msk $0xffff, v3  }
0x51: {  	v2 =	vld [tilespmem:s29+$0x10000];
	_ =	sdelay $0x4  }
0x52: {  	v3 =	vld [tilespmem:s29+$0x0];
	v2 =	vadd.s32 v1, v2;
	_ =	sdelay $0x4  }
0x53: {  	s0 =	simm.s32 $0x10000;
	[tilespmem:v2+s24+$0x0] =	vst.idx.add.f32.msk $0xffff, v3  }
0x54: {  	[tilespmem:s0], [sflag:$0x1] =	stream.strided.gather [hbm4b:s5+s21], $0x4000, s22, s21, $0x38;
	[tilespmem:$0x15100] =	vst v63  }
0x55: {  	_ =	swait.ge [sflag:s20], $0x4000  }
0x56: {  	[sflag:s20] =	ssyncset.done $0x0  }
0x57: {  	[sflag:s20] =	ssyncadd.s32 $0xFFFFC000  }
0x58: {  	s29 =	simm.s32 $0x0;
	s30 =	simm.s32 $0x10;
	v2 =	vld [tilespmem:s0+$0x0]  }
.LBB2_6:
0x59: {  	p1 =	sne.s32 s30, $0x3FF0;
	_ =	sdelay $0x2  }
0x5a: {  	s31 =	sand.u32 $0x3FF0, s29;
	s29 =	smov.u32 s30  }
0x5b: {  	v2 =	vadd.s32 v1, v2;
	v3 =	vld [tilespmem:s31+$0x4000];
	_ =	sdelay $0x1  }
.Ltmp4:
0x5c: {  	(pc) =	sbr.rel @p1 .LBB2_6-.Ltmp4, $3  }
0x5d: {  	_ =	sdelay $0x1  }
0x5e: {  	s0 =	sadd.s32 $0x10, s0;
	[tilespmem:v2+s24+$0x0] =	vst.idx.add.f32.msk $0xffff, v3  }
0x5f: {  	s30 =	sadd.s32 $0x10, s30;
	v2 =	vld [tilespmem:s0+$0x0]  }
0x60: {  	_ =	sdelay $0x2  }
0x61: {  	s0 =	sand.u32 $0x3FF0, s29  }
0x62: {  	v3 =	vld [tilespmem:s0+$0x4000];
	v2 =	vadd.s32 v1, v2;
	_ =	sdelay $0x4  }
0x63: {  	s0 =	simm.s32 $0x10000;
	[tilespmem:v2+s24+$0x0] =	vst.idx.add.f32.msk $0xffff, v3  }
0x64: {  	[tilespmem:s0], [sflag:$0x1] =	stream.strided.gather [hbm4b:s6+s21], $0x4000, s22, s21, $0x38;
	[tilespmem:$0x15100] =	vst v63  }
0x65: {  	_ =	swait.ge [sflag:s20], $0x4000  }
0x66: {  	[sflag:s20] =	ssyncset.done $0x0  }
0x67: {  	[sflag:s20] =	ssyncadd.s32 $0xFFFFC000  }
0x68: {  	s29 =	simm.s32 $0x0;
	s30 =	simm.s32 $0x10;
	v2 =	vld [tilespmem:s0+$0x0]  }
.LBB2_8:
0x69: {  	p1 =	sne.s32 s30, $0x3FF0;
	_ =	sdelay $0x2  }
0x6a: {  	s31 =	sand.u32 $0x3FF0, s29;
	s29 =	smov.u32 s30  }
0x6b: {  	v2 =	vadd.s32 v1, v2;
	v3 =	vld [tilespmem:s31+$0x8000];
	_ =	sdelay $0x1  }
.Ltmp5:
0x6c: {  	(pc) =	sbr.rel @p1 .LBB2_8-.Ltmp5, $3  }
0x6d: {  	_ =	sdelay $0x1  }
0x6e: {  	s0 =	sadd.s32 $0x10, s0;
	[tilespmem:v2+s24+$0x0] =	vst.idx.add.f32.msk $0xffff, v3  }
0x6f: {  	s30 =	sadd.s32 $0x10, s30;
	v2 =	vld [tilespmem:s0+$0x0]  }
0x70: {  	_ =	sdelay $0x2  }
0x71: {  	s0 =	sand.u32 $0x3FF0, s29  }
0x72: {  	v3 =	vld [tilespmem:s0+$0x8000];
	v2 =	vadd.s32 v1, v2;
	_ =	sdelay $0x4  }
0x73: {  	s0 =	simm.s32 $0x10000;
	[tilespmem:v2+s24+$0x0] =	vst.idx.add.f32.msk $0xffff, v3  }
0x74: {  	[tilespmem:s0], [sflag:$0x1] =	stream.strided.gather [hbm4b:s7+s21], $0x4000, s22, s21, $0x38;
	[tilespmem:$0x15100] =	vst v63  }
0x75: {  	_ =	swait.ge [sflag:s20], $0x4000  }
0x76: {  	[sflag:s20] =	ssyncset.done $0x0  }
0x77: {  	s29 =	simm.s32 $0x0;
	s30 =	simm.s32 $0x0;
	[sflag:s20] =	ssyncadd.s32 $0xFFFFC000  }
.LBB2_10:
0x78: {  	v2 =	vld [tilespmem:s0+$0x0];
	_ =	sdelay $0x3  }
0x79: {  	s31 =	sand.u32 $0x3FF0, s30  }
0x7a: {  	p1 =	sne.s32 s30, $0x3FF0;
	v3 =	vld [tilespmem:s31+$0xC000];
	v2 =	vadd.s32 v1, v2  }
.Ltmp6:
0x7b: {  	_ = 	snop;
	(pc) =	sbr.rel @p1 .LBB2_10-.Ltmp6, $3  }
0x7c: {  	_ =	sdelay $0x1  }
0x7d: {  	s31 =	simm.s32 $0x14000  }
0x7e: {  	s0 =	sadd.s32 $0x10, s0;
	s30 =	sadd.s32 $0x10, s30;
	[tilespmem:v2+s31+$0x0] =	vst.idx.add.f32.msk $0xffff, v3  }
0x7f: {  	s0 =	sand.u32 $0xF0, s29;
	v3 =	vld [tilespmem:s31+$0x0]  }
0x80: {  	v2 =	vld [tilespmem:s0+$0x14100];
	_ =	sdelay $0x1  }
0x81: {  	v4 =	vld [tilespmem:s0+$0x14200];
	_ =	sdelay $0x1  }
0x82: {  	v5 =	vld [tilespmem:s0+$0x14300]  }
0x83: {  	v2 =	vadd.f32 v2, v3  }
0x84: {  	v3 =	vld [tilespmem:s0+$0x14400]  }
0x85: {  	v2 =	vadd.f32 v4, v2  }
0x86: {  	v56 =	vld [tilespmem:s0+$0x14500]  }
0x87: {  	v2 =	vadd.f32 v5, v2  }
0x88: {  	v57 =	vld [tilespmem:s0+$0x14600]  }
0x89: {  	v2 =	vadd.f32 v3, v2  }
0x8a: {  	v3 =	vld [tilespmem:s0+$0x14700]  }
0x8b: {  	v2 =	vadd.f32 v56, v2  }
0x8c: {  	v58 =	vld [tilespmem:s0+$0x14800]  }
0x8d: {  	v2 =	vadd.f32 v57, v2  }
0x8e: {  	v59 =	vld [tilespmem:s0+$0x14900]  }
0x8f: {  	v2 =	vadd.f32 v3, v2  }
0x90: {  	v3 =	vld [tilespmem:s0+$0x14A00]  }
0x91: {  	v2 =	vadd.f32 v58, v2  }
0x92: {  	v60 =	vld [tilespmem:s0+$0x14B00]  }
0x93: {  	v2 =	vadd.f32 v59, v2  }
0x94: {  	v61 =	vld [tilespmem:s0+$0x14C00]  }
0x95: {  	v2 =	vadd.f32 v3, v2  }
0x96: {  	v3 =	vld [tilespmem:s0+$0x14D00]  }
0x97: {  	v2 =	vadd.f32 v60, v2  }
0x98: {  	v62 =	vld [tilespmem:s0+$0x14E00]  }
0x99: {  	v2 =	vadd.f32 v61, v2  }
0x9a: {  	v63 =	vld [tilespmem:s0+$0x14F00]  }
0x9b: {  	v2 =	vadd.f32 v3, v2;
	_ =	sdelay $0x1  }
0x9c: {  	v2 =	vadd.f32 v62, v2;
	_ =	sdelay $0x1  }
0x9d: {  	v2 =	vadd.f32 v63, v2  }
0x9e: {  	s29 =	simm.s32 $0x15000;
	s0 =	simm.s32 $0x10  }
0x9f: {  	s30 =	sand.u32 $0xF0, s0;
	[tilespmem:s29+$0x0] =	vst v2  }
0xa0: {  	s31 =	simm.s32 $0x14010;
	s0 =	simm.s32 $0x20;
	v2 =	vld [tilespmem:s30+$0x14100]  }
.LBB2_12:
0xa1: {  	p1 =	sne.s32 s0, $0xF0;
	v3 =	vld [tilespmem:s31+$0x0];
	_ =	sdelay $0x1  }
0xa2: {  	v4 =	vld [tilespmem:s30+$0x14200];
	_ =	sdelay $0x1  }
0xa3: {  	v5 =	vld [tilespmem:s30+$0x14300]  }
0xa4: {  	v2 =	vadd.f32 v2, v3  }
0xa5: {  	v3 =	vld [tilespmem:s30+$0x14400]  }
0xa6: {  	v2 =	vadd.f32 v4, v2  }
0xa7: {  	v4 =	vld [tilespmem:s30+$0x14500]  }
0xa8: {  	v2 =	vadd.f32 v5, v2  }
0xa9: {  	v5 =	vld [tilespmem:s30+$0x14600]  }
0xaa: {  	v2 =	vadd.f32 v3, v2  }
0xab: {  	v3 =	vld [tilespmem:s30+$0x14700]  }
0xac: {  	v2 =	vadd.f32 v4, v2  }
0xad: {  	v4 =	vld [tilespmem:s30+$0x14800]  }
0xae: {  	v2 =	vadd.f32 v5, v2  }
0xaf: {  	v5 =	vld [tilespmem:s30+$0x14900]  }
0xb0: {  	v2 =	vadd.f32 v3, v2  }
0xb1: {  	v3 =	vld [tilespmem:s30+$0x14A00]  }
0xb2: {  	v2 =	vadd.f32 v4, v2  }
0xb3: {  	v4 =	vld [tilespmem:s30+$0x14B00]  }
0xb4: {  	v2 =	vadd.f32 v5, v2  }
0xb5: {  	v5 =	vld [tilespmem:s30+$0x14C00]  }
0xb6: {  	v2 =	vadd.f32 v3, v2  }
0xb7: {  	v3 =	vld [tilespmem:s30+$0x14D00]  }
0xb8: {  	v2 =	vadd.f32 v4, v2  }
0xb9: {  	v4 =	vld [tilespmem:s30+$0x14E00]  }
0xba: {  	v2 =	vadd.f32 v5, v2  }
0xbb: {  	v5 =	vld [tilespmem:s30+$0x14F00]  }
0xbc: {  	v2 =	vadd.f32 v3, v2;
	_ =	sdelay $0x1  }
0xbd: {  	v2 =	vadd.f32 v4, v2  }
.Ltmp7:
0xbe: {  	(pc) =	sbr.rel @p1 .LBB2_12-.Ltmp7, $4  }
0xbf: {  	v2 =	vadd.f32 v5, v2  }
0xc0: {  	s29 =	sadd.s32 $0x10, s29  }
0xc1: {  	s30 =	sand.u32 $0xF0, s0;
	[tilespmem:s29+$0x0] =	vst v2  }
0xc2: {  	s31 =	sadd.s32 $0x10, s31;
	s0 =	sadd.s32 $0x10, s0;
	v2 =	vld [tilespmem:s30+$0x14100]  }
0xc3: {  	v3 =	vld [tilespmem:s31+$0x0];
	_ =	sdelay $0x1  }
0xc4: {  	v4 =	vld [tilespmem:s30+$0x14200];
	_ =	sdelay $0x1  }
0xc5: {  	v5 =	vld [tilespmem:s30+$0x14300]  }
0xc6: {  	v2 =	vadd.f32 v2, v3  }
0xc7: {  	v3 =	vld [tilespmem:s30+$0x14400]  }
0xc8: {  	v2 =	vadd.f32 v4, v2  }
0xc9: {  	v56 =	vld [tilespmem:s30+$0x14500]  }
0xca: {  	v2 =	vadd.f32 v5, v2  }
0xcb: {  	v57 =	vld [tilespmem:s30+$0x14600]  }
0xcc: {  	v2 =	vadd.f32 v3, v2  }
0xcd: {  	v3 =	vld [tilespmem:s30+$0x14700]  }
0xce: {  	v2 =	vadd.f32 v56, v2  }
0xcf: {  	v58 =	vld [tilespmem:s30+$0x14800]  }
0xd0: {  	v2 =	vadd.f32 v57, v2  }
0xd1: {  	v59 =	vld [tilespmem:s30+$0x14900]  }
0xd2: {  	v2 =	vadd.f32 v3, v2  }
0xd3: {  	v3 =	vld [tilespmem:s30+$0x14A00]  }
0xd4: {  	v2 =	vadd.f32 v58, v2  }
0xd5: {  	v60 =	vld [tilespmem:s30+$0x14B00]  }
0xd6: {  	v2 =	vadd.f32 v59, v2  }
0xd7: {  	v61 =	vld [tilespmem:s30+$0x14C00]  }
0xd8: {  	v2 =	vadd.f32 v3, v2  }
0xd9: {  	v3 =	vld [tilespmem:s30+$0x14D00]  }
0xda: {  	v2 =	vadd.f32 v60, v2  }
0xdb: {  	v62 =	vld [tilespmem:s30+$0x14E00]  }
0xdc: {  	v2 =	vadd.f32 v61, v2  }
0xdd: {  	v63 =	vld [tilespmem:s30+$0x14F00]  }
0xde: {  	v2 =	vadd.f32 v3, v2;
	_ =	sdelay $0x1  }
0xdf: {  	v2 =	vadd.f32 v62, v2;
	_ =	sdelay $0x1  }
0xe0: {  	v2 =	vadd.f32 v63, v2  }
0xe1: {  	s0 =	sadd.s32 $0x10, s29  }
0xe2: {  	[tilespmem:s0+$0x0] =	vst v2  }
0xe3: {  	[hbm4b:s8+s21] =	stream.strided.scatter [tilespmem:s26], [sflag:$0x1], $0x100, s25, s21, $0x38;
	[tilespmem:$0x15100] =	vst v63  }
0xe4: {  	_ =	swait.ge [sflag:s20], $0x100  }
0xe5: {  	[sflag:s20] =	ssyncset.done $0x0  }
0xe6: {  	s29 =	simm.s32 $0x0;
	s0 =	simm.s32 $0x40;
	[sflag:s20] =	ssyncadd.s32 $0xFFFFFF00  }
.LBB2_14:
0xe7: {  	p1 =	sne.s32 s0, $0x3FC0;
	[tilespmem:s29+$0x14000] =	vst v0;
	s29 =	smov.u32 s0;
	s0 =	sadd.s32 $0x40, s0  }
.Ltmp8:
0xe8: {  	(pc) =	sbr.rel @p1 .LBB2_14-.Ltmp8, $2  }
0xe9: {  	_ =	sdelay $0x2  }
0xea: {  	s29 =	sshra.s32 s29, $0x2  }
0xeb: {  	[tilespmem:s29+$0x14000] =	vst v0  }
0xec: {  	[tilespmem:s23], [sflag:$0x1] =	stream.strided.gather [hbm4b:s9+s21], $0x4000, s22, s21, $0x38;
	[tilespmem:$0x15100] =	vst v63  }
0xed: {  	_ =	swait.ge [sflag:s20], $0x4000  }
0xee: {  	[sflag:s20] =	ssyncset.done $0x0  }
0xef: {  	s29 =	simm.s32 $0x0;
	s0 =	simm.s32 $0x40;
	[sflag:s20] =	ssyncadd.s32 $0xFFFFC000  }
.LBB2_16:
0xf0: {  	p1 =	sne.s32 s0, $0xFFC0;
	v2 =	vld [tilespmem:s29+$0x10000];
	_ =	sdelay $0x4  }
0xf1: {  	v2 =	vadd.s32 v1, v2;
	v3 =	vld [tilespmem:s29+$0x0]  }
.Ltmp9:
0xf2: {  	(pc) =	sbr.rel @p1 .LBB2_16-.Ltmp9, $2  }
0xf3: {  	_ =	sdelay $0x2  }
0xf4: {  	s29 =	sshra.s32 s0, $0x2;
	s0 =	sadd.s32 $0x40, s0;
	[tilespmem:v2+s24+$0x0] =	vst.idx.add.f32.msk $0xffff, v3  }
0xf5: {  	v2 =	vld [tilespmem:s29+$0x10000];
	_ =	sdelay $0x4  }
0xf6: {  	v3 =	vld [tilespmem:s29+$0x0];
	v2 =	vadd.s32 v1, v2;
	_ =	sdelay $0x4  }
0xf7: {  	s0 =	simm.s32 $0x10000;
	[tilespmem:v2+s24+$0x0] =	vst.idx.add.f32.msk $0xffff, v3  }
0xf8: {  	[tilespmem:s0], [sflag:$0x1] =	stream.strided.gather [hbm4b:s10+s21], $0x4000, s22, s21, $0x38;
	[tilespmem:$0x15100] =	vst v63  }
0xf9: {  	_ =	swait.ge [sflag:s20], $0x4000  }
0xfa: {  	[sflag:s20] =	ssyncset.done $0x0  }
0xfb: {  	[sflag:s20] =	ssyncadd.s32 $0xFFFFC000  }
0xfc: {  	s29 =	simm.s32 $0x0;
	s30 =	simm.s32 $0x10;
	v2 =	vld [tilespmem:s0+$0x0]  }
.LBB2_18:
0xfd: {  	p1 =	sne.s32 s30, $0x3FF0;
	_ =	sdelay $0x2  }
0xfe: {  	s31 =	sand.u32 $0x3FF0, s29;
	s29 =	smov.u32 s30  }
0xff: {  	v2 =	vadd.s32 v1, v2;
	v3 =	vld [tilespmem:s31+$0x4000];
	_ =	sdelay $0x1  }
.Ltmp10:
0x100: {  	(pc) =	sbr.rel @p1 .LBB2_18-.Ltmp10, $3  }
0x101: {  	_ =	sdelay $0x1  }
0x102: {  	s0 =	sadd.s32 $0x10, s0;
	[tilespmem:v2+s24+$0x0] =	vst.idx.add.f32.msk $0xffff, v3  }
0x103: {  	s30 =	sadd.s32 $0x10, s30;
	v2 =	vld [tilespmem:s0+$0x0]  }
0x104: {  	_ =	sdelay $0x2  }
0x105: {  	s0 =	sand.u32 $0x3FF0, s29  }
0x106: {  	v3 =	vld [tilespmem:s0+$0x4000];
	v2 =	vadd.s32 v1, v2;
	_ =	sdelay $0x4  }
0x107: {  	s0 =	simm.s32 $0x10000;
	[tilespmem:v2+s24+$0x0] =	vst.idx.add.f32.msk $0xffff, v3  }
0x108: {  	[tilespmem:s0], [sflag:$0x1] =	stream.strided.gather [hbm4b:s11+s21], $0x4000, s22, s21, $0x38;
	[tilespmem:$0x15100] =	vst v63  }
0x109: {  	_ =	swait.ge [sflag:s20], $0x4000  }
0x10a: {  	[sflag:s20] =	ssyncset.done $0x0  }
0x10b: {  	[sflag:s20] =	ssyncadd.s32 $0xFFFFC000  }
0x10c: {  	s29 =	simm.s32 $0x0;
	s30 =	simm.s32 $0x10;
	v2 =	vld [tilespmem:s0+$0x0]  }
.LBB2_20:
0x10d: {  	p1 =	sne.s32 s30, $0x3FF0;
	_ =	sdelay $0x2  }
0x10e: {  	s31 =	sand.u32 $0x3FF0, s29;
	s29 =	smov.u32 s30  }
0x10f: {  	v2 =	vadd.s32 v1, v2;
	v3 =	vld [tilespmem:s31+$0x8000];
	_ =	sdelay $0x1  }
.Ltmp11:
0x110: {  	(pc) =	sbr.rel @p1 .LBB2_20-.Ltmp11, $3  }
0x111: {  	_ =	sdelay $0x1  }
0x112: {  	s0 =	sadd.s32 $0x10, s0;
	[tilespmem:v2+s24+$0x0] =	vst.idx.add.f32.msk $0xffff, v3  }
0x113: {  	s30 =	sadd.s32 $0x10, s30;
	v2 =	vld [tilespmem:s0+$0x0]  }
0x114: {  	_ =	sdelay $0x2  }
0x115: {  	s0 =	sand.u32 $0x3FF0, s29  }
0x116: {  	v3 =	vld [tilespmem:s0+$0x8000];
	v2 =	vadd.s32 v1, v2;
	_ =	sdelay $0x4  }
0x117: {  	s0 =	simm.s32 $0x10000;
	[tilespmem:v2+s24+$0x0] =	vst.idx.add.f32.msk $0xffff, v3  }
0x118: {  	[tilespmem:s0], [sflag:$0x1] =	stream.strided.gather [hbm4b:s12+s21], $0x4000, s22, s21, $0x38;
	[tilespmem:$0x15100] =	vst v63  }
0x119: {  	_ =	swait.ge [sflag:s20], $0x4000  }
0x11a: {  	[sflag:s20] =	ssyncset.done $0x0  }
0x11b: {  	s29 =	simm.s32 $0x0;
	s30 =	simm.s32 $0x0;
	[sflag:s20] =	ssyncadd.s32 $0xFFFFC000  }
.LBB2_22:
0x11c: {  	v2 =	vld [tilespmem:s0+$0x0];
	_ =	sdelay $0x3  }
0x11d: {  	s31 =	sand.u32 $0x3FF0, s30  }
0x11e: {  	p1 =	sne.s32 s30, $0x3FF0;
	v3 =	vld [tilespmem:s31+$0xC000];
	v2 =	vadd.s32 v1, v2  }
.Ltmp12:
0x11f: {  	_ = 	snop;
	(pc) =	sbr.rel @p1 .LBB2_22-.Ltmp12, $3  }
0x120: {  	_ =	sdelay $0x1  }
0x121: {  	s31 =	simm.s32 $0x14000  }
0x122: {  	s0 =	sadd.s32 $0x10, s0;
	s30 =	sadd.s32 $0x10, s30;
	[tilespmem:v2+s31+$0x0] =	vst.idx.add.f32.msk $0xffff, v3  }
0x123: {  	s0 =	sand.u32 $0xF0, s29;
	v3 =	vld [tilespmem:s31+$0x0]  }
0x124: {  	v2 =	vld [tilespmem:s0+$0x14100];
	_ =	sdelay $0x1  }
0x125: {  	v4 =	vld [tilespmem:s0+$0x14200];
	_ =	sdelay $0x1  }
0x126: {  	v5 =	vld [tilespmem:s0+$0x14300]  }
0x127: {  	v2 =	vadd.f32 v2, v3  }
0x128: {  	v3 =	vld [tilespmem:s0+$0x14400]  }
0x129: {  	v2 =	vadd.f32 v4, v2  }
0x12a: {  	v56 =	vld [tilespmem:s0+$0x14500]  }
0x12b: {  	v2 =	vadd.f32 v5, v2  }
0x12c: {  	v57 =	vld [tilespmem:s0+$0x14600]  }
0x12d: {  	v2 =	vadd.f32 v3, v2  }
0x12e: {  	v3 =	vld [tilespmem:s0+$0x14700]  }
0x12f: {  	v2 =	vadd.f32 v56, v2  }
0x130: {  	v58 =	vld [tilespmem:s0+$0x14800]  }
0x131: {  	v2 =	vadd.f32 v57, v2  }
0x132: {  	v59 =	vld [tilespmem:s0+$0x14900]  }
0x133: {  	v2 =	vadd.f32 v3, v2  }
0x134: {  	v3 =	vld [tilespmem:s0+$0x14A00]  }
0x135: {  	v2 =	vadd.f32 v58, v2  }
0x136: {  	v60 =	vld [tilespmem:s0+$0x14B00]  }
0x137: {  	v2 =	vadd.f32 v59, v2  }
0x138: {  	v61 =	vld [tilespmem:s0+$0x14C00]  }
0x139: {  	v2 =	vadd.f32 v3, v2  }
0x13a: {  	v3 =	vld [tilespmem:s0+$0x14D00]  }
0x13b: {  	v2 =	vadd.f32 v60, v2  }
0x13c: {  	v62 =	vld [tilespmem:s0+$0x14E00]  }
0x13d: {  	v2 =	vadd.f32 v61, v2  }
0x13e: {  	v63 =	vld [tilespmem:s0+$0x14F00]  }
0x13f: {  	v2 =	vadd.f32 v3, v2;
	_ =	sdelay $0x1  }
0x140: {  	v2 =	vadd.f32 v62, v2;
	_ =	sdelay $0x1  }
0x141: {  	v2 =	vadd.f32 v63, v2  }
0x142: {  	s29 =	simm.s32 $0x15000;
	s0 =	simm.s32 $0x10  }
0x143: {  	s30 =	sand.u32 $0xF0, s0;
	[tilespmem:s29+$0x0] =	vst v2  }
0x144: {  	s31 =	simm.s32 $0x14010;
	s0 =	simm.s32 $0x20;
	v2 =	vld [tilespmem:s30+$0x14100]  }
.LBB2_24:
0x145: {  	p1 =	sne.s32 s0, $0xF0;
	v3 =	vld [tilespmem:s31+$0x0];
	_ =	sdelay $0x1  }
0x146: {  	v4 =	vld [tilespmem:s30+$0x14200];
	_ =	sdelay $0x1  }
0x147: {  	v5 =	vld [tilespmem:s30+$0x14300]  }
0x148: {  	v2 =	vadd.f32 v2, v3  }
0x149: {  	v3 =	vld [tilespmem:s30+$0x14400]  }
0x14a: {  	v2 =	vadd.f32 v4, v2  }
0x14b: {  	v4 =	vld [tilespmem:s30+$0x14500]  }
0x14c: {  	v2 =	vadd.f32 v5, v2  }
0x14d: {  	v5 =	vld [tilespmem:s30+$0x14600]  }
0x14e: {  	v2 =	vadd.f32 v3, v2  }
0x14f: {  	v3 =	vld [tilespmem:s30+$0x14700]  }
0x150: {  	v2 =	vadd.f32 v4, v2  }
0x151: {  	v4 =	vld [tilespmem:s30+$0x14800]  }
0x152: {  	v2 =	vadd.f32 v5, v2  }
0x153: {  	v5 =	vld [tilespmem:s30+$0x14900]  }
0x154: {  	v2 =	vadd.f32 v3, v2  }
0x155: {  	v3 =	vld [tilespmem:s30+$0x14A00]  }
0x156: {  	v2 =	vadd.f32 v4, v2  }
0x157: {  	v4 =	vld [tilespmem:s30+$0x14B00]  }
0x158: {  	v2 =	vadd.f32 v5, v2  }
0x159: {  	v5 =	vld [tilespmem:s30+$0x14C00]  }
0x15a: {  	v2 =	vadd.f32 v3, v2  }
0x15b: {  	v3 =	vld [tilespmem:s30+$0x14D00]  }
0x15c: {  	v2 =	vadd.f32 v4, v2  }
0x15d: {  	v4 =	vld [tilespmem:s30+$0x14E00]  }
0x15e: {  	v2 =	vadd.f32 v5, v2  }
0x15f: {  	v5 =	vld [tilespmem:s30+$0x14F00]  }
0x160: {  	v2 =	vadd.f32 v3, v2;
	_ =	sdelay $0x1  }
0x161: {  	v2 =	vadd.f32 v4, v2  }
.Ltmp13:
0x162: {  	(pc) =	sbr.rel @p1 .LBB2_24-.Ltmp13, $4  }
0x163: {  	v2 =	vadd.f32 v5, v2  }
0x164: {  	s29 =	sadd.s32 $0x10, s29  }
0x165: {  	s30 =	sand.u32 $0xF0, s0;
	[tilespmem:s29+$0x0] =	vst v2  }
0x166: {  	s31 =	sadd.s32 $0x10, s31;
	s0 =	sadd.s32 $0x10, s0;
	v2 =	vld [tilespmem:s30+$0x14100]  }
0x167: {  	v3 =	vld [tilespmem:s31+$0x0];
	_ =	sdelay $0x1  }
0x168: {  	v4 =	vld [tilespmem:s30+$0x14200];
	_ =	sdelay $0x1  }
0x169: {  	v5 =	vld [tilespmem:s30+$0x14300]  }
0x16a: {  	v2 =	vadd.f32 v2, v3  }
0x16b: {  	v3 =	vld [tilespmem:s30+$0x14400]  }
0x16c: {  	v2 =	vadd.f32 v4, v2  }
0x16d: {  	v56 =	vld [tilespmem:s30+$0x14500]  }
0x16e: {  	v2 =	vadd.f32 v5, v2  }
0x16f: {  	v57 =	vld [tilespmem:s30+$0x14600]  }
0x170: {  	v2 =	vadd.f32 v3, v2  }
0x171: {  	v3 =	vld [tilespmem:s30+$0x14700]  }
0x172: {  	v2 =	vadd.f32 v56, v2  }
0x173: {  	v58 =	vld [tilespmem:s30+$0x14800]  }
0x174: {  	v2 =	vadd.f32 v57, v2  }
0x175: {  	v59 =	vld [tilespmem:s30+$0x14900]  }
0x176: {  	v2 =	vadd.f32 v3, v2  }
0x177: {  	v3 =	vld [tilespmem:s30+$0x14A00]  }
0x178: {  	v2 =	vadd.f32 v58, v2  }
0x179: {  	v60 =	vld [tilespmem:s30+$0x14B00]  }
0x17a: {  	v2 =	vadd.f32 v59, v2  }
0x17b: {  	v61 =	vld [tilespmem:s30+$0x14C00]  }
0x17c: {  	v2 =	vadd.f32 v3, v2  }
0x17d: {  	v3 =	vld [tilespmem:s30+$0x14D00]  }
0x17e: {  	v2 =	vadd.f32 v60, v2  }
0x17f: {  	v62 =	vld [tilespmem:s30+$0x14E00]  }
0x180: {  	v2 =	vadd.f32 v61, v2  }
0x181: {  	v63 =	vld [tilespmem:s30+$0x14F00]  }
0x182: {  	v2 =	vadd.f32 v3, v2;
	_ =	sdelay $0x1  }
0x183: {  	v2 =	vadd.f32 v62, v2;
	_ =	sdelay $0x1  }
0x184: {  	v2 =	vadd.f32 v63, v2  }
0x185: {  	s0 =	sadd.s32 $0x10, s29  }
.Ltmp14:
0x186: {  	[tilespmem:s0+$0x0] =	vst v2;
	(pc) =	sbr.rel @p0 .LBB2_39-.Ltmp14, $4  }
0x187: {  	[hbm4b:s13+s21] =	stream.strided.scatter [tilespmem:s26], [sflag:$0x1], $0x100, s25, s21, $0x38;
	[tilespmem:$0x15100] =	vst v63  }
0x188: {  	_ =	swait.ge [sflag:s20], $0x100  }
0x189: {  	[sflag:s20] =	ssyncset.done $0x0  }
0x18a: {  	[sflag:s20] =	ssyncadd.s32 $0xFFFFFF00  }
0x18b: {  	s0 =	simm.s32 $0x40;
	s29 =	simm.s32 $0x0  }
.LBB2_27:
0x18c: {  	p1 =	sne.s32 s0, $0x3FC0;
	[tilespmem:s29+$0x14000] =	vst v0;
	s29 =	smov.u32 s0;
	s0 =	sadd.s32 $0x40, s0  }
.Ltmp15:
0x18d: {  	(pc) =	sbr.rel @p1 .LBB2_27-.Ltmp15, $2  }
0x18e: {  	_ =	sdelay $0x2  }
0x18f: {  	s29 =	sshra.s32 s29, $0x2  }
0x190: {  	[tilespmem:s29+$0x14000] =	vst v0  }
0x191: {  	[tilespmem:s23], [sflag:$0x1] =	stream.strided.gather [hbm4b:s14+s21], $0x4000, s22, s21, $0x38;
	[tilespmem:$0x15100] =	vst v63  }
0x192: {  	_ =	swait.ge [sflag:s20], $0x4000  }
0x193: {  	[sflag:s20] =	ssyncset.done $0x0  }
0x194: {  	s29 =	simm.s32 $0x0;
	s0 =	simm.s32 $0x40;
	[sflag:s20] =	ssyncadd.s32 $0xFFFFC000  }
.LBB2_29:
0x195: {  	p1 =	sne.s32 s0, $0xFFC0;
	v2 =	vld [tilespmem:s29+$0x10000];
	_ =	sdelay $0x4  }
0x196: {  	v2 =	vadd.s32 v1, v2;
	v3 =	vld [tilespmem:s29+$0x0]  }
.Ltmp16:
0x197: {  	(pc) =	sbr.rel @p1 .LBB2_29-.Ltmp16, $2  }
0x198: {  	_ =	sdelay $0x2  }
0x199: {  	s29 =	sshra.s32 s0, $0x2;
	s0 =	sadd.s32 $0x40, s0;
	[tilespmem:v2+s24+$0x0] =	vst.idx.add.f32.msk $0xffff, v3  }
0x19a: {  	v2 =	vld [tilespmem:s29+$0x10000];
	_ =	sdelay $0x4  }
0x19b: {  	v3 =	vld [tilespmem:s29+$0x0];
	v2 =	vadd.s32 v1, v2;
	_ =	sdelay $0x4  }
0x19c: {  	s0 =	simm.s32 $0x10000;
	[tilespmem:v2+s24+$0x0] =	vst.idx.add.f32.msk $0xffff, v3  }
0x19d: {  	[tilespmem:s0], [sflag:$0x1] =	stream.strided.gather [hbm4b:s15+s21], $0x4000, s22, s21, $0x38;
	[tilespmem:$0x15100] =	vst v63  }
0x19e: {  	_ =	swait.ge [sflag:s20], $0x4000  }
0x19f: {  	[sflag:s20] =	ssyncset.done $0x0  }
0x1a0: {  	[sflag:s20] =	ssyncadd.s32 $0xFFFFC000  }
0x1a1: {  	s29 =	simm.s32 $0x0;
	s30 =	simm.s32 $0x10;
	v2 =	vld [tilespmem:s0+$0x0]  }
.LBB2_31:
0x1a2: {  	p1 =	sne.s32 s30, $0x3FF0;
	_ =	sdelay $0x2  }
0x1a3: {  	s31 =	sand.u32 $0x3FF0, s29;
	s29 =	smov.u32 s30  }
0x1a4: {  	v2 =	vadd.s32 v1, v2;
	v3 =	vld [tilespmem:s31+$0x4000];
	_ =	sdelay $0x1  }
.Ltmp17:
0x1a5: {  	(pc) =	sbr.rel @p1 .LBB2_31-.Ltmp17, $3  }
0x1a6: {  	_ =	sdelay $0x1  }
0x1a7: {  	s0 =	sadd.s32 $0x10, s0;
	[tilespmem:v2+s24+$0x0] =	vst.idx.add.f32.msk $0xffff, v3  }
0x1a8: {  	s30 =	sadd.s32 $0x10, s30;
	v2 =	vld [tilespmem:s0+$0x0]  }
0x1a9: {  	_ =	sdelay $0x2  }
0x1aa: {  	s0 =	sand.u32 $0x3FF0, s29  }
0x1ab: {  	v3 =	vld [tilespmem:s0+$0x4000];
	v2 =	vadd.s32 v1, v2;
	_ =	sdelay $0x4  }
0x1ac: {  	s0 =	simm.s32 $0x10000;
	[tilespmem:v2+s24+$0x0] =	vst.idx.add.f32.msk $0xffff, v3  }
0x1ad: {  	[tilespmem:s0], [sflag:$0x1] =	stream.strided.gather [hbm4b:s16+s21], $0x4000, s22, s21, $0x38;
	[tilespmem:$0x15100] =	vst v63  }
0x1ae: {  	_ =	swait.ge [sflag:s20], $0x4000  }
0x1af: {  	[sflag:s20] =	ssyncset.done $0x0  }
0x1b0: {  	[sflag:s20] =	ssyncadd.s32 $0xFFFFC000  }
0x1b1: {  	s29 =	simm.s32 $0x0;
	s30 =	simm.s32 $0x10;
	v2 =	vld [tilespmem:s0+$0x0]  }
.LBB2_33:
0x1b2: {  	p1 =	sne.s32 s30, $0x3FF0;
	_ =	sdelay $0x2  }
0x1b3: {  	s31 =	sand.u32 $0x3FF0, s29;
	s29 =	smov.u32 s30  }
0x1b4: {  	v2 =	vadd.s32 v1, v2;
	v3 =	vld [tilespmem:s31+$0x8000];
	_ =	sdelay $0x1  }
.Ltmp18:
0x1b5: {  	(pc) =	sbr.rel @p1 .LBB2_33-.Ltmp18, $3  }
0x1b6: {  	_ =	sdelay $0x1  }
0x1b7: {  	s0 =	sadd.s32 $0x10, s0;
	[tilespmem:v2+s24+$0x0] =	vst.idx.add.f32.msk $0xffff, v3  }
0x1b8: {  	s30 =	sadd.s32 $0x10, s30;
	v2 =	vld [tilespmem:s0+$0x0]  }
0x1b9: {  	_ =	sdelay $0x2  }
0x1ba: {  	s0 =	sand.u32 $0x3FF0, s29  }
0x1bb: {  	v3 =	vld [tilespmem:s0+$0x8000];
	v2 =	vadd.s32 v1, v2;
	_ =	sdelay $0x4  }
0x1bc: {  	s0 =	simm.s32 $0x10000;
	[tilespmem:v2+s24+$0x0] =	vst.idx.add.f32.msk $0xffff, v3  }
0x1bd: {  	[tilespmem:s0], [sflag:$0x1] =	stream.strided.gather [hbm4b:s17+s21], $0x4000, s22, s21, $0x38;
	[tilespmem:$0x15100] =	vst v63  }
0x1be: {  	_ =	swait.ge [sflag:s20], $0x4000  }
0x1bf: {  	[sflag:s20] =	ssyncset.done $0x0  }
0x1c0: {  	s29 =	simm.s32 $0x0;
	s30 =	simm.s32 $0x0;
	[sflag:s20] =	ssyncadd.s32 $0xFFFFC000  }
.LBB2_35:
0x1c1: {  	v2 =	vld [tilespmem:s0+$0x0];
	_ =	sdelay $0x3  }
0x1c2: {  	s31 =	sand.u32 $0x3FF0, s30  }
0x1c3: {  	p1 =	sne.s32 s30, $0x3FF0;
	v3 =	vld [tilespmem:s31+$0xC000];
	v2 =	vadd.s32 v1, v2  }
.Ltmp19:
0x1c4: {  	_ = 	snop;
	(pc) =	sbr.rel @p1 .LBB2_35-.Ltmp19, $3  }
0x1c5: {  	_ =	sdelay $0x1  }
0x1c6: {  	s31 =	simm.s32 $0x14000  }
0x1c7: {  	s0 =	sadd.s32 $0x10, s0;
	s30 =	sadd.s32 $0x10, s30;
	[tilespmem:v2+s31+$0x0] =	vst.idx.add.f32.msk $0xffff, v3  }
0x1c8: {  	s0 =	sand.u32 $0xF0, s29;
	v3 =	vld [tilespmem:s31+$0x0]  }
0x1c9: {  	v2 =	vld [tilespmem:s0+$0x14100];
	_ =	sdelay $0x1  }
0x1ca: {  	v4 =	vld [tilespmem:s0+$0x14200];
	_ =	sdelay $0x1  }
0x1cb: {  	v5 =	vld [tilespmem:s0+$0x14300]  }
0x1cc: {  	v2 =	vadd.f32 v2, v3  }
0x1cd: {  	v3 =	vld [tilespmem:s0+$0x14400]  }
0x1ce: {  	v2 =	vadd.f32 v4, v2  }
0x1cf: {  	v56 =	vld [tilespmem:s0+$0x14500]  }
0x1d0: {  	v2 =	vadd.f32 v5, v2  }
0x1d1: {  	v57 =	vld [tilespmem:s0+$0x14600]  }
0x1d2: {  	v2 =	vadd.f32 v3, v2  }
0x1d3: {  	v3 =	vld [tilespmem:s0+$0x14700]  }
0x1d4: {  	v2 =	vadd.f32 v56, v2  }
0x1d5: {  	v58 =	vld [tilespmem:s0+$0x14800]  }
0x1d6: {  	v2 =	vadd.f32 v57, v2  }
0x1d7: {  	v59 =	vld [tilespmem:s0+$0x14900]  }
0x1d8: {  	v2 =	vadd.f32 v3, v2  }
0x1d9: {  	v3 =	vld [tilespmem:s0+$0x14A00]  }
0x1da: {  	v2 =	vadd.f32 v58, v2  }
0x1db: {  	v60 =	vld [tilespmem:s0+$0x14B00]  }
0x1dc: {  	v2 =	vadd.f32 v59, v2  }
0x1dd: {  	v61 =	vld [tilespmem:s0+$0x14C00]  }
0x1de: {  	v2 =	vadd.f32 v3, v2  }
0x1df: {  	v3 =	vld [tilespmem:s0+$0x14D00]  }
0x1e0: {  	v2 =	vadd.f32 v60, v2  }
0x1e1: {  	v62 =	vld [tilespmem:s0+$0x14E00]  }
0x1e2: {  	v2 =	vadd.f32 v61, v2  }
0x1e3: {  	v63 =	vld [tilespmem:s0+$0x14F00]  }
0x1e4: {  	v2 =	vadd.f32 v3, v2;
	_ =	sdelay $0x1  }
0x1e5: {  	v2 =	vadd.f32 v62, v2;
	_ =	sdelay $0x1  }
0x1e6: {  	v2 =	vadd.f32 v63, v2  }
0x1e7: {  	s29 =	simm.s32 $0x15000;
	s0 =	simm.s32 $0x10  }
0x1e8: {  	s30 =	sand.u32 $0xF0, s0;
	[tilespmem:s29+$0x0] =	vst v2  }
0x1e9: {  	s31 =	simm.s32 $0x14010;
	s0 =	simm.s32 $0x20;
	v2 =	vld [tilespmem:s30+$0x14100]  }
.LBB2_37:
0x1ea: {  	p1 =	sne.s32 s0, $0xF0;
	v3 =	vld [tilespmem:s31+$0x0];
	_ =	sdelay $0x1  }
0x1eb: {  	v4 =	vld [tilespmem:s30+$0x14200];
	_ =	sdelay $0x1  }
0x1ec: {  	v5 =	vld [tilespmem:s30+$0x14300]  }
0x1ed: {  	v2 =	vadd.f32 v2, v3  }
0x1ee: {  	v3 =	vld [tilespmem:s30+$0x14400]  }
0x1ef: {  	v2 =	vadd.f32 v4, v2  }
0x1f0: {  	v4 =	vld [tilespmem:s30+$0x14500]  }
0x1f1: {  	v2 =	vadd.f32 v5, v2  }
0x1f2: {  	v5 =	vld [tilespmem:s30+$0x14600]  }
0x1f3: {  	v2 =	vadd.f32 v3, v2  }
0x1f4: {  	v3 =	vld [tilespmem:s30+$0x14700]  }
0x1f5: {  	v2 =	vadd.f32 v4, v2  }
0x1f6: {  	v4 =	vld [tilespmem:s30+$0x14800]  }
0x1f7: {  	v2 =	vadd.f32 v5, v2  }
0x1f8: {  	v5 =	vld [tilespmem:s30+$0x14900]  }
0x1f9: {  	v2 =	vadd.f32 v3, v2  }
0x1fa: {  	v3 =	vld [tilespmem:s30+$0x14A00]  }
0x1fb: {  	v2 =	vadd.f32 v4, v2  }
0x1fc: {  	v4 =	vld [tilespmem:s30+$0x14B00]  }
0x1fd: {  	v2 =	vadd.f32 v5, v2  }
0x1fe: {  	v5 =	vld [tilespmem:s30+$0x14C00]  }
0x1ff: {  	v2 =	vadd.f32 v3, v2  }
0x200: {  	v3 =	vld [tilespmem:s30+$0x14D00]  }
0x201: {  	v2 =	vadd.f32 v4, v2  }
0x202: {  	v4 =	vld [tilespmem:s30+$0x14E00]  }
0x203: {  	v2 =	vadd.f32 v5, v2  }
0x204: {  	v5 =	vld [tilespmem:s30+$0x14F00]  }
0x205: {  	v2 =	vadd.f32 v3, v2;
	_ =	sdelay $0x1  }
0x206: {  	v2 =	vadd.f32 v4, v2  }
.Ltmp20:
0x207: {  	(pc) =	sbr.rel @p1 .LBB2_37-.Ltmp20, $4  }
0x208: {  	v2 =	vadd.f32 v5, v2  }
0x209: {  	s29 =	sadd.s32 $0x10, s29  }
0x20a: {  	s30 =	sand.u32 $0xF0, s0;
	[tilespmem:s29+$0x0] =	vst v2  }
0x20b: {  	s31 =	sadd.s32 $0x10, s31;
	s0 =	sadd.s32 $0x10, s0;
	v2 =	vld [tilespmem:s30+$0x14100]  }
.Ltmp21:
0x20c: {  	_ = 	snop;
	(pc) =	sbr.rel .LBB2_38-.Ltmp21, $1  }
0x20d: {  	_ =	sdelay $0x3  }
.LBB2_40:
0x20e: {  	_ =	sfence.sel $0x180000  }
0x20f: {  	[bflag:$0x0] =	sbarrier.arrive $0xFFFF  }
0x210: {  	_ =	strace $0x9000004A  }
0x211: {  	[bflag:$0x2] =	sbarrier.arrive $0xFFFF  }
0x212: {  	p0 =	sne.s32 s2, $0x0;
	s0 =	rddreg [dreg:$0x2]  }
0x213: {  	s0 =	sadd.s32 @!p0 $0x100000, s0  }
0x214: {  	[sflag:s0] =	ssyncadd.tile.s32 @!p0 $0x1;
	_ =	shalt  }
.Lfunc_end2:
_tile_overlayer_lowered:
.L_overlay_start_2:
0x215: {  	(tag) =	ssettag $0x2  }
0x216: {  	s0 =	rddreg [dreg:$0x0];
	s2 =	stileid.u32  }
0x217: {  	s1 =	rddreg [dreg:$0x1];
	p0 =	sne.s32 s2, $0x0  }
0x218: {  	s3 =	rddreg [dreg:$0x2];
	[bflag:$0x3] =	sbarrier.arrive $0xFFFF;
	s2 =	simm.s32 @!p0 $0x1C01  }
0x219: {  	[timem:s3], [sflag:s2] =	dma.local @!p0 [hbm:s0], s1  }
0x21a: {  	s0 =	simm.s32 @!p0 $0x1  }
0x21b: {  	_ =	swait.ge @!p0 [sflag:s0], s1  }
0x21c: {  	s1 =	ssub.s32 @!p0 $0x0, s1;
	[sflag:s0] =	ssyncset.done @!p0 $0x0  }
0x21d: {  	[sflag:s0] =	ssyncadd.s32 @!p0 s1  }
0x21e: {  	[bflag:$0x3] =	sbarrier.arrive $0xFFFF  }
0x21f: {  	_ =	shalt  }

</sc_bundles>
